<compile_context>
chip_gen: v7x
topology: tpu7x:2x2x1
jax: 0.10.2.dev20260603
libtpu: 0.0.44.dev20260713+nightly
codegen_flags: <defaults>
</compile_context>

<pallas_src>
import functools

import jax
import jax.numpy as jnp
import numpy as _np
from jax import lax
from jax.experimental import pallas as pl
from jax.experimental.pallas import tpu as pltpu
from jax.experimental.pallas import tpu_sc as plsc

_B = 32
_D = 64
_H = 32
_W = 32
_T = _B * _H * _W
_NCB = 8
_DPL = 8
_L = 16
_RPW = _H * _W
_CH = 128

_G = _np.linspace(-1.0, 1.0, 8).astype(_np.float32)
_THR = _np.arctanh(((_G[:-1].astype(_np.float64)
                     + _G[1:].astype(_np.float64)) / 2.0)).astype(_np.float32)
_C0, _C1, _C2, _C3, _C4, _C5, _C6 = (float(t) for t in _THR)

_PACKW = _np.zeros((_D, _NCB), _np.float32)
for _d in range(_D):
    _PACKW[_d, _d // _DPL] = float(_DPL ** (_DPL - 1 - _d % _DPL))


def _bucket(x):
    b2 = x > _C3
    t1 = jnp.where(b2, jnp.float32(_C5), jnp.float32(_C1))
    b1 = x > t1
    hi = jnp.where(b1, jnp.float32(_C6), jnp.float32(_C4))
    lo = jnp.where(b1, jnp.float32(_C2), jnp.float32(_C0))
    b0 = x > jnp.where(b2, hi, lo)
    return (jnp.where(b2, jnp.float32(4.0), jnp.float32(0.0))
            + jnp.where(b1, jnp.float32(2.0), jnp.float32(0.0))
            + jnp.where(b0, jnp.float32(1.0), jnp.float32(0.0)))


_mesh = plsc.VectorSubcoreMesh(core_axis_name="c", subcore_axis_name="s")


_NCHUNK = _RPW // _CH


@functools.partial(
    pl.kernel,
    out_type=jax.ShapeDtypeStruct((_T, _D), jnp.float32),
    mesh=_mesh,
    scratch_types=[
        pltpu.VMEM((_CH, _D), jnp.float32),
        pltpu.VMEM((_CH, _D), jnp.float32),
        pltpu.VMEM((_CH, _D), jnp.float32),
        pltpu.VMEM((_CH, _D), jnp.float32),
        pltpu.SemaphoreType.DMA,
        pltpu.SemaphoreType.DMA,
        pltpu.SemaphoreType.DMA,
        pltpu.SemaphoreType.DMA,
    ],
)
def _fsq_q_sc(z_hbm, q_hbm, in0, in1, q0, q1, si0, si1, so0, so1):
    b = lax.axis_index("s") * 2 + lax.axis_index("c")
    base = b * _RPW

    def rows(c):
        return z_hbm.at[pl.ds(base + c * _CH, _CH)]

    def orows(c):
        return q_hbm.at[pl.ds(base + c * _CH, _CH)]

    def compute(ib, qb):
        def qval(x):
            b2 = x > _C3
            t1 = jnp.where(b2, jnp.float32(_C5), jnp.float32(_C1))
            b1 = x > t1
            hi = jnp.where(b1, jnp.float32(_C6), jnp.float32(_C4))
            lo = jnp.where(b1, jnp.float32(_C2), jnp.float32(_C0))
            b0 = x > jnp.where(b2, hi, lo)
            return (jnp.where(b2, jnp.float32(8.0 / 7.0), jnp.float32(0.0))
                    + jnp.where(b1, jnp.float32(4.0 / 7.0), jnp.float32(0.0))
                    + jnp.where(b0, jnp.float32(2.0 / 7.0 - 1.0),
                                jnp.float32(-1.0)))

        def body(j, carry):
            for k in range(4):
                r = j * 4 + k
                for v in range(_D // _L):
                    off = pl.multiple_of(v * _L, _L)
                    qb[r, pl.ds(off, _L)] = qval(ib[r, pl.ds(off, _L)])
            return carry

        lax.fori_loop(0, _CH // 4, body, 0)

    pltpu.async_copy(rows(0), in0, si0)
    pltpu.async_copy(rows(1), in1, si1)

    def pair(c2, carry):
        c = c2 * 2
        for s, ib, qb, isem, osem in (
            (0, in0, q0, si0, so0),
            (1, in1, q1, si1, so1),
        ):
            pltpu.make_async_copy(rows(c + s), ib, isem).wait()

            @pl.when(c2 > 0)
            def _():
                pltpu.make_async_copy(qb, orows(c + s - 2), osem).wait()

            compute(ib, qb)
            pltpu.async_copy(qb, orows(c + s), osem)

            @pl.when(c2 < _NCHUNK // 2 - 1)
            def _():
                pltpu.async_copy(rows(c + s + 2), ib, isem)
        return carry

    lax.fori_loop(0, _NCHUNK // 2, pair, 0)

    pltpu.make_async_copy(q0, orows(_NCHUNK - 2), so0).wait()
    pltpu.make_async_copy(q1, orows(_NCHUNK - 1), so1).wait()


def _idx_tc_body(w_ref, z_ref, out_ref):
    zb = z_ref[...]
    digits = _bucket(zb)
    packed = jax.lax.dot(
        digits, w_ref[...],
        preferred_element_type=jnp.float32,
    )
    packed = packed.astype(jnp.int32)
    pb = packed.reshape(_BPB, _RPW, _NCB)
    out_ref[...] = jnp.transpose(pb, (0, 2, 1)).reshape(
        _BPB, _NCB, _H, _W)


_BPB = 16


_idx_tc = pl.pallas_call(
    _idx_tc_body,
    grid=(_B // _BPB,),
    in_specs=[pl.BlockSpec((_D, _NCB), lambda b: (0, 0)),
              pl.BlockSpec((_BPB * _RPW, _D), lambda b: (b, 0))],
    out_specs=pl.BlockSpec((_BPB, _NCB, _H, _W), lambda b: (b, 0, 0, 0)),
    out_shape=jax.ShapeDtypeStruct((_B, _NCB, _H, _W), jnp.int32),
)


def kernel(z):
    B, D, H, W = z.shape
    zt = jnp.transpose(z, (0, 2, 3, 1)).reshape(_T, _D)
    q = _fsq_q_sc(zt)
    zt_hbm = pltpu.with_memory_space_constraint(zt, pltpu.MemorySpace.HBM)
    w_hbm = pltpu.with_memory_space_constraint(
        jnp.asarray(_PACKW), pltpu.MemorySpace.HBM)
    idx = _idx_tc(w_hbm, zt_hbm)
    qt = jnp.transpose(q.reshape(B, H, W, D), (0, 3, 1, 2))
    return qt, idx

# --- scband reference (transcript-rebuilt; emitter-appended) ---
"""Pipeline reference for scband-fsquantizer-18648747999575 (READ-ONLY COPY).

The authoritative reference and input builder live on the scoring server;
editing this copy changes nothing except your own understanding.
"""

import jax, jax.numpy as jnp
import numpy as np

LEVELS = [8, 8, 8, 8, 8, 8, 8, 8]
DIM = 64


def setup_inputs(seed: int = 0) -> dict:
    key = jax.random.key(seed)
    z = jax.random.normal(key, (32, 64, 32, 32), dtype=jnp.float32)
    return {"z": z}


def reference(z):
    B, D, H, W = z.shape
    n_cb = len(LEVELS)
    dpl = D // n_cb
    # rearrange 'b d h w -> (b h w) d'
    z_flat = jnp.transpose(z, (0, 2, 3, 1)).reshape(B * H * W, D)
    z_splits = jnp.split(z_flat, n_cb, axis=-1)
    quantized_parts = []
    all_indices = []
    for i in range(n_cb):
        L = LEVELS[i]
        z_part = z_splits[i]
        grid = jnp.linspace(-1.0, 1.0, L)
        z_clamped = jnp.tanh(z_part)
        diffs = jnp.abs(z_clamped[:, :, None] - grid[None, None, :])
        idx = jnp.argmin(diffs, axis=-1)
        z_q = grid[idx]
        # straight-through estimator
        z_q = z_clamped + jax.lax.stop_gradient(z_q - z_clamped)
        quantized_parts.append(z_q)
        strides = jnp.array([L ** (dpl - 1 - d) for d in range(dpl)], dtype=jnp.int32)
        flat_idx = jnp.sum(idx.astype(jnp.int32) * strides[None, :], axis=-1)
        all_indices.append(flat_idx.reshape(B, H, W))
    quantized = jnp.concatenate(quantized_parts, axis=-1)
    # rearrange '(b h w) d -> b d h w'
    quantized = jnp.transpose(quantized.reshape(B, H, W, D), (0, 3, 1, 2))
    indices = jnp.stack(all_indices, axis=1)
    return (quantized, indices)

if __name__ == "__main__":
    import jax
    _d = setup_inputs()
    print(jax.jit(kernel)(*tuple(_d.values())))

</pallas_src>

<mosaic_0001>
#map = affine_map<(d0, d1) -> (0, 0)>
module attributes {stable_mosaic.version = 14 : i64} {
  func.func @_fsq_q_sc(%arg0: i32, %arg1: i32, %arg2: memref<32768x64xf32, #tpu.memory_space<hbm>>, %arg3: memref<32768x64xf32, #tpu.memory_space<hbm>>, %arg4: memref<128x64xf32, #tpu.memory_space<vmem>>, %arg5: memref<128x64xf32, #tpu.memory_space<vmem>>, %arg6: memref<128x64xf32, #tpu.memory_space<vmem>>, %arg7: memref<128x64xf32, #tpu.memory_space<vmem>>, %arg8: memref<!tpu.dma_semaphore, #tpu.memory_space<semaphore_mem>>, %arg9: memref<!tpu.dma_semaphore, #tpu.memory_space<semaphore_mem>>, %arg10: memref<!tpu.dma_semaphore, #tpu.memory_space<semaphore_mem>>, %arg11: memref<!tpu.dma_semaphore, #tpu.memory_space<semaphore_mem>>) attributes {dimension_semantics = [#tpu.dimension_semantics<core_parallel>, #tpu.dimension_semantics<subcore_parallel>], iteration_bounds = array<i64: 2, 16>, scalar_prefetch = 0 : i64, scratch_operands = 8 : i64, tpu.core_type = #tpu.core_type<sc_vector_subcore>, window_params = [{transform_indices = #map}, {transform_indices = #map}]} {
    %mul3A = arith.constant 2 : i32
    %mul3A_0 = arith.muli %arg1, %mul3A : i32
    %add3A = arith.addi %mul3A_0, %arg0 : i32
    %mul3A_1 = arith.constant 1024 : i32
    %mul3A_2 = arith.muli %add3A, %mul3A_1 : i32
    %add3A_3 = arith.constant 0 : i32
    %add3A_4 = arith.addi %mul3A_2, %add3A_3 : i32
    %dma_start3A = arith.constant 0 : i32
    %dma_start3A_5 = tpu.memref_slice %arg2[%add3A_4, %dma_start3A] : memref<32768x64xf32, #tpu.memory_space<hbm>> -> memref<128x64xf32, #tpu.memory_space<hbm>>
    %dma_start3A_6 = arith.constant 0 : i32
    %dma_start3A_7 = tpu.memref_slice %arg2[%add3A_4, %dma_start3A_6] : memref<32768x64xf32, #tpu.memory_space<hbm>> -> memref<128x64xf32, #tpu.memory_space<hbm>>
    tpu.enqueue_dma source(%dma_start3A_7 : memref<128x64xf32, #tpu.memory_space<hbm>>) target(%arg4 : memref<128x64xf32, #tpu.memory_space<vmem>>) target_semaphore(%arg8 : memref<!tpu.dma_semaphore, #tpu.memory_space<semaphore_mem>>)
    %add3A_8 = arith.constant 128 : i32
    %add3A_9 = arith.addi %mul3A_2, %add3A_8 : i32
    %dma_start3A_10 = arith.constant 0 : i32
    %dma_start3A_11 = tpu.memref_slice %arg2[%add3A_9, %dma_start3A_10] : memref<32768x64xf32, #tpu.memory_space<hbm>> -> memref<128x64xf32, #tpu.memory_space<hbm>>
    %dma_start3A_12 = arith.constant 0 : i32
    %dma_start3A_13 = tpu.memref_slice %arg2[%add3A_9, %dma_start3A_12] : memref<32768x64xf32, #tpu.memory_space<hbm>> -> memref<128x64xf32, #tpu.memory_space<hbm>>
    tpu.enqueue_dma source(%dma_start3A_13 : memref<128x64xf32, #tpu.memory_space<hbm>>) target(%arg5 : memref<128x64xf32, #tpu.memory_space<vmem>>) target_semaphore(%arg9 : memref<!tpu.dma_semaphore, #tpu.memory_space<semaphore_mem>>)
    %scan3A = arith.constant 0 : i32
    %scan3A_14 = arith.constant 0 : i32
    %scan3A_15 = arith.constant 4 : i32
    %scan3A_16 = arith.addi %scan3A_14, %scan3A_15 : i32
    %scan3A_17 = arith.constant 1 : i32
    scf.for %scan3A_30 = %scan3A_14 to %scan3A_16 step %scan3A_17  : i32 {
      %mul3A_31 = arith.constant 2 : i32
      %mul3A_32 = arith.muli %scan3A_30, %mul3A_31 : i32
      %add3A_33 = arith.constant 0 : i32
      %add3A_34 = arith.addi %mul3A_32, %add3A_33 : i32
      %mul3A_35 = arith.constant 128 : i32
      %mul3A_36 = arith.muli %add3A_34, %mul3A_35 : i32
      %add3A_37 = arith.addi %mul3A_2, %mul3A_36 : i32
      %dma_wait3A_38 = arith.constant 0 : i32
      %dma_wait3A_39 = tpu.memref_slice %arg2[%add3A_37, %dma_wait3A_38] : memref<32768x64xf32, #tpu.memory_space<hbm>> -> memref<128x64xf32, #tpu.memory_space<hbm>>
      %dma_wait3A_40 = arith.constant 0 : i32
      %dma_wait3A_41 = tpu.memref_slice %arg2[%add3A_37, %dma_wait3A_40] : memref<32768x64xf32, #tpu.memory_space<hbm>> -> memref<128x64xf32, #tpu.memory_space<hbm>>
      tpu.wait_dma2 semaphore(%arg8 : memref<!tpu.dma_semaphore, #tpu.memory_space<semaphore_mem>>) src(%dma_wait3A_41 : memref<128x64xf32, #tpu.memory_space<hbm>>) dst(%arg4 : memref<128x64xf32, #tpu.memory_space<vmem>>)
      %gt3A = arith.constant 0 : i32
      %gt3A_42 = arith.cmpi sgt, %scan3A_30, %gt3A : i32
      %convert_element_type3A = arith.extui %gt3A_42 : i1 to i32
      %cond3A = arith.constant 0 : i32
      %cond3A_43 = arith.cmpi ne, %convert_element_type3A, %cond3A : i32
      scf.if %cond3A_43 {
        %add3A_97 = arith.constant 0 : i32
        %add3A_98 = arith.addi %mul3A_32, %add3A_97 : i32
        %sub3A = arith.constant 2 : i32
        %sub3A_99 = arith.subi %add3A_98, %sub3A : i32
        %mul3A_100 = arith.constant 128 : i32
        %mul3A_101 = arith.muli %sub3A_99, %mul3A_100 : i32
        %add3A_102 = arith.addi %mul3A_2, %mul3A_101 : i32
        %dma_wait3A_103 = arith.constant 0 : i32
        %dma_wait3A_104 = tpu.memref_slice %arg3[%add3A_102, %dma_wait3A_103] : memref<32768x64xf32, #tpu.memory_space<hbm>> -> memref<128x64xf32, #tpu.memory_space<hbm>>
        %dma_wait3A_105 = arith.constant 0 : i32
        %dma_wait3A_106 = tpu.memref_slice %arg3[%add3A_102, %dma_wait3A_105] : memref<32768x64xf32, #tpu.memory_space<hbm>> -> memref<128x64xf32, #tpu.memory_space<hbm>>
        tpu.wait_dma2 semaphore(%arg10 : memref<!tpu.dma_semaphore, #tpu.memory_space<semaphore_mem>>) src(%arg6 : memref<128x64xf32, #tpu.memory_space<vmem>>) dst(%dma_wait3A_106 : memref<128x64xf32, #tpu.memory_space<hbm>>)
      } else {
      }
      %scan3A_44 = arith.constant 0 : i32
      %scan3A_45 = arith.constant 0 : i32
      %scan3A_46 = arith.constant 32 : i32
      %scan3A_47 = arith.addi %scan3A_45, %scan3A_46 : i32
      %scan3A_48 = arith.constant 1 : i32
      scf.for %scan3A_97 = %scan3A_45 to %scan3A_47 step %scan3A_48  : i32 {
        %mul3A_98 = arith.constant 4 : i32
        %mul3A_99 = arith.muli %scan3A_97, %mul3A_98 : i32
        %add3A_100 = arith.constant 0 : i32
        %add3A_101 = arith.addi %mul3A_99, %add3A_100 : i32
        %multiple_of3A = arith.constant 0 : i32
        %multiple_of3A_102 = tpu.assume_multiple %multiple_of3A, 16 : i32
        %get3A = arith.index_cast %add3A_101 : i32 to index
        %get3A_103 = arith.index_cast %multiple_of3A_102 : i32 to index
        %get3A_104 = tpu.vector_load %arg4[%get3A, %get3A_103] {strides = array<i32>} : memref<128x64xf32, #tpu.memory_space<vmem>>, vector<1x16xf32>,
        %get3A_105 = vector.shape_cast %get3A_104 : vector<1x16xf32> to vector<16xf32>
        %gt3A_106 = arith.constant 0.000000e+00 : f32
        %gt3A_107 = vector.broadcast %gt3A_106 : f32 to vector<16xf32>
        %gt3A_108 = arith.cmpf ogt, %get3A_105, %gt3A_107 : vector<16xf32>
        %jit3A = arith.constant 0.649641513 : f32
        %jit3A_109 = arith.constant -0.649641513 : f32
        %broadcast_in_dim3A = vector.broadcast %jit3A : f32 to vector<16xf32>
        %broadcast_in_dim3A_110 = vector.broadcast %jit3A_109 : f32 to vector<16xf32>
        %select_n3A = arith.select %gt3A_108, %broadcast_in_dim3A, %broadcast_in_dim3A_110 : vector<16xi1>, vector<16xf32>
        %gt3A_111 = arith.cmpf ogt, %get3A_105, %select_n3A : vector<16xf32>
        %jit3A_112 = arith.constant 1.28247476 : f32
        %jit3A_113 = arith.constant 0.293893337 : f32
        %broadcast_in_dim3A_114 = vector.broadcast %jit3A_112 : f32 to vector<16xf32>
        %broadcast_in_dim3A_115 = vector.broadcast %jit3A_113 : f32 to vector<16xf32>
        %select_n3A_116 = arith.select %gt3A_111, %broadcast_in_dim3A_114, %broadcast_in_dim3A_115 : vector<16xi1>, vector<16xf32>
        %jit3A_117 = arith.constant -0.293893337 : f32
        %jit3A_118 = arith.constant -1.28247476 : f32
        %broadcast_in_dim3A_119 = vector.broadcast %jit3A_117 : f32 to vector<16xf32>
        %broadcast_in_dim3A_120 = vector.broadcast %jit3A_118 : f32 to vector<16xf32>
        %select_n3A_121 = arith.select %gt3A_111, %broadcast_in_dim3A_119, %broadcast_in_dim3A_120 : vector<16xi1>, vector<16xf32>
        %select_n3A_122 = arith.select %gt3A_108, %select_n3A_116, %select_n3A_121 : vector<16xi1>, vector<16xf32>
        %gt3A_123 = arith.cmpf ogt, %get3A_105, %select_n3A_122 : vector<16xf32>
        %jit3A_124 = arith.constant 1.14285719 : f32
        %jit3A_125 = arith.constant 0.000000e+00 : f32
        %broadcast_in_dim3A_126 = vector.broadcast %jit3A_124 : f32 to vector<16xf32>
        %broadcast_in_dim3A_127 = vector.broadcast %jit3A_125 : f32 to vector<16xf32>
        %select_n3A_128 = arith.select %gt3A_108, %broadcast_in_dim3A_126, %broadcast_in_dim3A_127 : vector<16xi1>, vector<16xf32>
        %jit3A_129 = arith.constant 0.571428597 : f32
        %jit3A_130 = arith.constant 0.000000e+00 : f32
        %broadcast_in_dim3A_131 = vector.broadcast %jit3A_129 : f32 to vector<16xf32>
        %broadcast_in_dim3A_132 = vector.broadcast %jit3A_130 : f32 to vector<16xf32>
        %select_n3A_133 = arith.select %gt3A_111, %broadcast_in_dim3A_131, %broadcast_in_dim3A_132 : vector<16xi1>, vector<16xf32>
        %add3A_134 = arith.addf %select_n3A_128, %select_n3A_133 : vector<16xf32>
        %jit3A_135 = arith.constant -0.714285731 : f32
        %jit3A_136 = arith.constant -1.000000e+00 : f32
        %broadcast_in_dim3A_137 = vector.broadcast %jit3A_135 : f32 to vector<16xf32>
        %broadcast_in_dim3A_138 = vector.broadcast %jit3A_136 : f32 to vector<16xf32>
        %select_n3A_139 = arith.select %gt3A_123, %broadcast_in_dim3A_137, %broadcast_in_dim3A_138 : vector<16xi1>, vector<16xf32>
        %add3A_140 = arith.addf %add3A_134, %select_n3A_139 : vector<16xf32>
        %swap3A = arith.index_cast %add3A_101 : i32 to index
        %swap3A_141 = arith.index_cast %multiple_of3A_102 : i32 to index
        %swap3A_142 = tpu.vector_load %arg6[%swap3A, %swap3A_141] {strides = array<i32>} : memref<128x64xf32, #tpu.memory_space<vmem>>, vector<1x16xf32>,
        %swap3A_143 = vector.shape_cast %swap3A_142 : vector<1x16xf32> to vector<16xf32>
        %swap3A_144 = vector.shape_cast %add3A_140 : vector<16xf32> to vector<1x16xf32>
        tpu.vector_store %arg6[%swap3A, %swap3A_141], %swap3A_144 {strides = array<i32>} : memref<128x64xf32, #tpu.memory_space<vmem>>, vector<1x16xf32>,
        %multiple_of3A_145 = arith.constant 16 : i32
        %multiple_of3A_146 = tpu.assume_multiple %multiple_of3A_145, 16 : i32
        %get3A_147 = arith.index_cast %add3A_101 : i32 to index
        %get3A_148 = arith.index_cast %multiple_of3A_146 : i32 to index
        %get3A_149 = tpu.vector_load %arg4[%get3A_147, %get3A_148] {strides = array<i32>} : memref<128x64xf32, #tpu.memory_space<vmem>>, vector<1x16xf32>,
        %get3A_150 = vector.shape_cast %get3A_149 : vector<1x16xf32> to vector<16xf32>
        %gt3A_151 = arith.constant 0.000000e+00 : f32
        %gt3A_152 = vector.broadcast %gt3A_151 : f32 to vector<16xf32>
        %gt3A_153 = arith.cmpf ogt, %get3A_150, %gt3A_152 : vector<16xf32>
        %jit3A_154 = arith.constant 0.649641513 : f32
        %jit3A_155 = arith.constant -0.649641513 : f32
        %broadcast_in_dim3A_156 = vector.broadcast %jit3A_154 : f32 to vector<16xf32>
        %broadcast_in_dim3A_157 = vector.broadcast %jit3A_155 : f32 to vector<16xf32>
        %select_n3A_158 = arith.select %gt3A_153, %broadcast_in_dim3A_156, %broadcast_in_dim3A_157 : vector<16xi1>, vector<16xf32>
        %gt3A_159 = arith.cmpf ogt, %get3A_150, %select_n3A_158 : vector<16xf32>
        %jit3A_160 = arith.constant 1.28247476 : f32
        %jit3A_161 = arith.constant 0.293893337 : f32
        %broadcast_in_dim3A_162 = vector.broadcast %jit3A_160 : f32 to vector<16xf32>
        %broadcast_in_dim3A_163 = vector.broadcast %jit3A_161 : f32 to vector<16xf32>
        %select_n3A_164 = arith.select %gt3A_159, %broadcast_in_dim3A_162, %broadcast_in_dim3A_163 : vector<16xi1>, vector<16xf32>
        %jit3A_165 = arith.constant -0.293893337 : f32
        %jit3A_166 = arith.constant -1.28247476 : f32
        %broadcast_in_dim3A_167 = vector.broadcast %jit3A_165 : f32 to vector<16xf32>
        %broadcast_in_dim3A_168 = vector.broadcast %jit3A_166 : f32 to vector<16xf32>
        %select_n3A_169 = arith.select %gt3A_159, %broadcast_in_dim3A_167, %broadcast_in_dim3A_168 : vector<16xi1>, vector<16xf32>
        %select_n3A_170 = arith.select %gt3A_153, %select_n3A_164, %select_n3A_169 : vector<16xi1>, vector<16xf32>
        %gt3A_171 = arith.cmpf ogt, %get3A_150, %select_n3A_170 : vector<16xf32>
        %jit3A_172 = arith.constant 1.14285719 : f32
        %jit3A_173 = arith.constant 0.000000e+00 : f32
        %broadcast_in_dim3A_174 = vector.broadcast %jit3A_172 : f32 to vector<16xf32>
        %broadcast_in_dim3A_175 = vector.broadcast %jit3A_173 : f32 to vector<16xf32>
        %select_n3A_176 = arith.select %gt3A_153, %broadcast_in_dim3A_174, %broadcast_in_dim3A_175 : vector<16xi1>, vector<16xf32>
        %jit3A_177 = arith.constant 0.571428597 : f32
        %jit3A_178 = arith.constant 0.000000e+00 : f32
        %broadcast_in_dim3A_179 = vector.broadcast %jit3A_177 : f32 to vector<16xf32>
        %broadcast_in_dim3A_180 = vector.broadcast %jit3A_178 : f32 to vector<16xf32>
        %select_n3A_181 = arith.select %gt3A_159, %broadcast_in_dim3A_179, %broadcast_in_dim3A_180 : vector<16xi1>, vector<16xf32>
        %add3A_182 = arith.addf %select_n3A_176, %select_n3A_181 : vector<16xf32>
        %jit3A_183 = arith.constant -0.714285731 : f32
        %jit3A_184 = arith.constant -1.000000e+00 : f32
        %broadcast_in_dim3A_185 = vector.broadcast %jit3A_183 : f32 to vector<16xf32>
        %broadcast_in_dim3A_186 = vector.broadcast %jit3A_184 : f32 to vector<16xf32>
        %select_n3A_187 = arith.select %gt3A_171, %broadcast_in_dim3A_185, %broadcast_in_dim3A_186 : vector<16xi1>, vector<16xf32>
        %add3A_188 = arith.addf %add3A_182, %select_n3A_187 : vector<16xf32>
        %swap3A_189 = arith.index_cast %add3A_101 : i32 to index
        %swap3A_190 = arith.index_cast %multiple_of3A_146 : i32 to index
        %swap3A_191 = tpu.vector_load %arg6[%swap3A_189, %swap3A_190] {strides = array<i32>} : memref<128x64xf32, #tpu.memory_space<vmem>>, vector<1x16xf32>,
        %swap3A_192 = vector.shape_cast %swap3A_191 : vector<1x16xf32> to vector<16xf32>
        %swap3A_193 = vector.shape_cast %add3A_188 : vector<16xf32> to vector<1x16xf32>
        tpu.vector_store %arg6[%swap3A_189, %swap3A_190], %swap3A_193 {strides = array<i32>} : memref<128x64xf32, #tpu.memory_space<vmem>>, vector<1x16xf32>,
        %multiple_of3A_194 = arith.constant 32 : i32
        %multiple_of3A_195 = tpu.assume_multiple %multiple_of3A_194, 16 : i32
        %get3A_196 = arith.index_cast %add3A_101 : i32 to index
        %get3A_197 = arith.index_cast %multiple_of3A_195 : i32 to index
        %get3A_198 = tpu.vector_load %arg4[%get3A_196, %get3A_197] {strides = array<i32>} : memref<128x64xf32, #tpu.memory_space<vmem>>, vector<1x16xf32>,
        %get3A_199 = vector.shape_cast %get3A_198 : vector<1x16xf32> to vector<16xf32>
        %gt3A_200 = arith.constant 0.000000e+00 : f32
        %gt3A_201 = vector.broadcast %gt3A_200 : f32 to vector<16xf32>
        %gt3A_202 = arith.cmpf ogt, %get3A_199, %gt3A_201 : vector<16xf32>
        %jit3A_203 = arith.constant 0.649641513 : f32
        %jit3A_204 = arith.constant -0.649641513 : f32
        %broadcast_in_dim3A_205 = vector.broadcast %jit3A_203 : f32 to vector<16xf32>
        %broadcast_in_dim3A_206 = vector.broadcast %jit3A_204 : f32 to vector<16xf32>
        %select_n3A_207 = arith.select %gt3A_202, %broadcast_in_dim3A_205, %broadcast_in_dim3A_206 : vector<16xi1>, vector<16xf32>
        %gt3A_208 = arith.cmpf ogt, %get3A_199, %select_n3A_207 : vector<16xf32>
        %jit3A_209 = arith.constant 1.28247476 : f32
        %jit3A_210 = arith.constant 0.293893337 : f32
        %broadcast_in_dim3A_211 = vector.broadcast %jit3A_209 : f32 to vector<16xf32>
        %broadcast_in_dim3A_212 = vector.broadcast %jit3A_210 : f32 to vector<16xf32>
        %select_n3A_213 = arith.select %gt3A_208, %broadcast_in_dim3A_211, %broadcast_in_dim3A_212 : vector<16xi1>, vector<16xf32>
        %jit3A_214 = arith.constant -0.293893337 : f32
        %jit3A_215 = arith.constant -1.28247476 : f32
        %broadcast_in_dim3A_216 = vector.broadcast %jit3A_214 : f32 to vector<16xf32>
        %broadcast_in_dim3A_217 = vector.broadcast %jit3A_215 : f32 to vector<16xf32>
        %select_n3A_218 = arith.select %gt3A_208, %broadcast_in_dim3A_216, %broadcast_in_dim3A_217 : vector<16xi1>, vector<16xf32>
        %select_n3A_219 = arith.select %gt3A_202, %select_n3A_213, %select_n3A_218 : vector<16xi1>, vector<16xf32>
        %gt3A_220 = arith.cmpf ogt, %get3A_199, %select_n3A_219 : vector<16xf32>
        %jit3A_221 = arith.constant 1.14285719 : f32
        %jit3A_222 = arith.constant 0.000000e+00 : f32
        %broadcast_in_dim3A_223 = vector.broadcast %jit3A_221 : f32 to vector<16xf32>
        %broadcast_in_dim3A_224 = vector.broadcast %jit3A_222 : f32 to vector<16xf32>
        %select_n3A_225 = arith.select %gt3A_202, %broadcast_in_dim3A_223, %broadcast_in_dim3A_224 : vector<16xi1>, vector<16xf32>
        %jit3A_226 = arith.constant 0.571428597 : f32
        %jit3A_227 = arith.constant 0.000000e+00 : f32
        %broadcast_in_dim3A_228 = vector.broadcast %jit3A_226 : f32 to vector<16xf32>
        %broadcast_in_dim3A_229 = vector.broadcast %jit3A_227 : f32 to vector<16xf32>
        %select_n3A_230 = arith.select %gt3A_208, %broadcast_in_dim3A_228, %broadcast_in_dim3A_229 : vector<16xi1>, vector<16xf32>
        %add3A_231 = arith.addf %select_n3A_225, %select_n3A_230 : vector<16xf32>
        %jit3A_232 = arith.constant -0.714285731 : f32
        %jit3A_233 = arith.constant -1.000000e+00 : f32
        %broadcast_in_dim3A_234 = vector.broadcast %jit3A_232 : f32 to vector<16xf32>
        %broadcast_in_dim3A_235 = vector.broadcast %jit3A_233 : f32 to vector<16xf32>
        %select_n3A_236 = arith.select %gt3A_220, %broadcast_in_dim3A_234, %broadcast_in_dim3A_235 : vector<16xi1>, vector<16xf32>
        %add3A_237 = arith.addf %add3A_231, %select_n3A_236 : vector<16xf32>
        %swap3A_238 = arith.index_cast %add3A_101 : i32 to index
        %swap3A_239 = arith.index_cast %multiple_of3A_195 : i32 to index
        %swap3A_240 = tpu.vector_load %arg6[%swap3A_238, %swap3A_239] {strides = array<i32>} : memref<128x64xf32, #tpu.memory_space<vmem>>, vector<1x16xf32>,
        %swap3A_241 = vector.shape_cast %swap3A_240 : vector<1x16xf32> to vector<16xf32>
        %swap3A_242 = vector.shape_cast %add3A_237 : vector<16xf32> to vector<1x16xf32>
        tpu.vector_store %arg6[%swap3A_238, %swap3A_239], %swap3A_242 {strides = array<i32>} : memref<128x64xf32, #tpu.memory_space<vmem>>, vector<1x16xf32>,
        %multiple_of3A_243 = arith.constant 48 : i32
        %multiple_of3A_244 = tpu.assume_multiple %multiple_of3A_243, 16 : i32
        %get3A_245 = arith.index_cast %add3A_101 : i32 to index
        %get3A_246 = arith.index_cast %multiple_of3A_244 : i32 to index
        %get3A_247 = tpu.vector_load %arg4[%get3A_245, %get3A_246] {strides = array<i32>} : memref<128x64xf32, #tpu.memory_space<vmem>>, vector<1x16xf32>,
        %get3A_248 = vector.shape_cast %get3A_247 : vector<1x16xf32> to vector<16xf32>
        %gt3A_249 = arith.constant 0.000000e+00 : f32
        %gt3A_250 = vector.broadcast %gt3A_249 : f32 to vector<16xf32>
        %gt3A_251 = arith.cmpf ogt, %get3A_248, %gt3A_250 : vector<16xf32>
        %jit3A_252 = arith.constant 0.649641513 : f32
        %jit3A_253 = arith.constant -0.649641513 : f32
        %broadcast_in_dim3A_254 = vector.broadcast %jit3A_252 : f32 to vector<16xf32>
        %broadcast_in_dim3A_255 = vector.broadcast %jit3A_253 : f32 to vector<16xf32>
        %select_n3A_256 = arith.select %gt3A_251, %broadcast_in_dim3A_254, %broadcast_in_dim3A_255 : vector<16xi1>, vector<16xf32>
        %gt3A_257 = arith.cmpf ogt, %get3A_248, %select_n3A_256 : vector<16xf32>
        %jit3A_258 = arith.constant 1.28247476 : f32
        %jit3A_259 = arith.constant 0.293893337 : f32
        %broadcast_in_dim3A_260 = vector.broadcast %jit3A_258 : f32 to vector<16xf32>
        %broadcast_in_dim3A_261 = vector.broadcast %jit3A_259 : f32 to vector<16xf32>
        %select_n3A_262 = arith.select %gt3A_257, %broadcast_in_dim3A_260, %broadcast_in_dim3A_261 : vector<16xi1>, vector<16xf32>
        %jit3A_263 = arith.constant -0.293893337 : f32
        %jit3A_264 = arith.constant -1.28247476 : f32
        %broadcast_in_dim3A_265 = vector.broadcast %jit3A_263 : f32 to vector<16xf32>
        %broadcast_in_dim3A_266 = vector.broadcast %jit3A_264 : f32 to vector<16xf32>
        %select_n3A_267 = arith.select %gt3A_257, %broadcast_in_dim3A_265, %broadcast_in_dim3A_266 : vector<16xi1>, vector<16xf32>
        %select_n3A_268 = arith.select %gt3A_251, %select_n3A_262, %select_n3A_267 : vector<16xi1>, vector<16xf32>
        %gt3A_269 = arith.cmpf ogt, %get3A_248, %select_n3A_268 : vector<16xf32>
        %jit3A_270 = arith.constant 1.14285719 : f32
        %jit3A_271 = arith.constant 0.000000e+00 : f32
        %broadcast_in_dim3A_272 = vector.broadcast %jit3A_270 : f32 to vector<16xf32>
        %broadcast_in_dim3A_273 = vector.broadcast %jit3A_271 : f32 to vector<16xf32>
        %select_n3A_274 = arith.select %gt3A_251, %broadcast_in_dim3A_272, %broadcast_in_dim3A_273 : vector<16xi1>, vector<16xf32>
        %jit3A_275 = arith.constant 0.571428597 : f32
        %jit3A_276 = arith.constant 0.000000e+00 : f32
        %broadcast_in_dim3A_277 = vector.broadcast %jit3A_275 : f32 to vector<16xf32>
        %broadcast_in_dim3A_278 = vector.broadcast %jit3A_276 : f32 to vector<16xf32>
        %select_n3A_279 = arith.select %gt3A_257, %broadcast_in_dim3A_277, %broadcast_in_dim3A_278 : vector<16xi1>, vector<16xf32>
        %add3A_280 = arith.addf %select_n3A_274, %select_n3A_279 : vector<16xf32>
        %jit3A_281 = arith.constant -0.714285731 : f32
        %jit3A_282 = arith.constant -1.000000e+00 : f32
        %broadcast_in_dim3A_283 = vector.broadcast %jit3A_281 : f32 to vector<16xf32>
        %broadcast_in_dim3A_284 = vector.broadcast %jit3A_282 : f32 to vector<16xf32>
        %select_n3A_285 = arith.select %gt3A_269, %broadcast_in_dim3A_283, %broadcast_in_dim3A_284 : vector<16xi1>, vector<16xf32>
        %add3A_286 = arith.addf %add3A_280, %select_n3A_285 : vector<16xf32>
        %swap3A_287 = arith.index_cast %add3A_101 : i32 to index
        %swap3A_288 = arith.index_cast %multiple_of3A_244 : i32 to index
        %swap3A_289 = tpu.vector_load %arg6[%swap3A_287, %swap3A_288] {strides = array<i32>} : memref<128x64xf32, #tpu.memory_space<vmem>>, vector<1x16xf32>,
        %swap3A_290 = vector.shape_cast %swap3A_289 : vector<1x16xf32> to vector<16xf32>
        %swap3A_291 = vector.shape_cast %add3A_286 : vector<16xf32> to vector<1x16xf32>
        tpu.vector_store %arg6[%swap3A_287, %swap3A_288], %swap3A_291 {strides = array<i32>} : memref<128x64xf32, #tpu.memory_space<vmem>>, vector<1x16xf32>,
        %mul3A_292 = arith.constant 4 : i32
        %mul3A_293 = arith.muli %scan3A_97, %mul3A_292 : i32
        %add3A_294 = arith.constant 1 : i32
        %add3A_295 = arith.addi %mul3A_293, %add3A_294 : i32
        %multiple_of3A_296 = arith.constant 0 : i32
        %multiple_of3A_297 = tpu.assume_multiple %multiple_of3A_296, 16 : i32
        %get3A_298 = arith.index_cast %add3A_295 : i32 to index
        %get3A_299 = arith.index_cast %multiple_of3A_297 : i32 to index
        %get3A_300 = tpu.vector_load %arg4[%get3A_298, %get3A_299] {strides = array<i32>} : memref<128x64xf32, #tpu.memory_space<vmem>>, vector<1x16xf32>,
        %get3A_301 = vector.shape_cast %get3A_300 : vector<1x16xf32> to vector<16xf32>
        %gt3A_302 = arith.constant 0.000000e+00 : f32
        %gt3A_303 = vector.broadcast %gt3A_302 : f32 to vector<16xf32>
        %gt3A_304 = arith.cmpf ogt, %get3A_301, %gt3A_303 : vector<16xf32>
        %jit3A_305 = arith.constant 0.649641513 : f32
        %jit3A_306 = arith.constant -0.649641513 : f32
        %broadcast_in_dim3A_307 = vector.broadcast %jit3A_305 : f32 to vector<16xf32>
        %broadcast_in_dim3A_308 = vector.broadcast %jit3A_306 : f32 to vector<16xf32>
        %select_n3A_309 = arith.select %gt3A_304, %broadcast_in_dim3A_307, %broadcast_in_dim3A_308 : vector<16xi1>, vector<16xf32>
        %gt3A_310 = arith.cmpf ogt, %get3A_301, %select_n3A_309 : vector<16xf32>
        %jit3A_311 = arith.constant 1.28247476 : f32
        %jit3A_312 = arith.constant 0.293893337 : f32
        %broadcast_in_dim3A_313 = vector.broadcast %jit3A_311 : f32 to vector<16xf32>
        %broadcast_in_dim3A_314 = vector.broadcast %jit3A_312 : f32 to vector<16xf32>
        %select_n3A_315 = arith.select %gt3A_310, %broadcast_in_dim3A_313, %broadcast_in_dim3A_314 : vector<16xi1>, vector<16xf32>
        %jit3A_316 = arith.constant -0.293893337 : f32
        %jit3A_317 = arith.constant -1.28247476 : f32
        %broadcast_in_dim3A_318 = vector.broadcast %jit3A_316 : f32 to vector<16xf32>
        %broadcast_in_dim3A_319 = vector.broadcast %jit3A_317 : f32 to vector<16xf32>
        %select_n3A_320 = arith.select %gt3A_310, %broadcast_in_dim3A_318, %broadcast_in_dim3A_319 : vector<16xi1>, vector<16xf32>
        %select_n3A_321 = arith.select %gt3A_304, %select_n3A_315, %select_n3A_320 : vector<16xi1>, vector<16xf32>
        %gt3A_322 = arith.cmpf ogt, %get3A_301, %select_n3A_321 : vector<16xf32>
        %jit3A_323 = arith.constant 1.14285719 : f32
        %jit3A_324 = arith.constant 0.000000e+00 : f32
        %broadcast_in_dim3A_325 = vector.broadcast %jit3A_323 : f32 to vector<16xf32>
        %broadcast_in_dim3A_326 = vector.broadcast %jit3A_324 : f32 to vector<16xf32>
        %select_n3A_327 = arith.select %gt3A_304, %broadcast_in_dim3A_325, %broadcast_in_dim3A_326 : vector<16xi1>, vector<16xf32>
        %jit3A_328 = arith.constant 0.571428597 : f32
        %jit3A_329 = arith.constant 0.000000e+00 : f32
        %broadcast_in_dim3A_330 = vector.broadcast %jit3A_328 : f32 to vector<16xf32>
        %broadcast_in_dim3A_331 = vector.broadcast %jit3A_329 : f32 to vector<16xf32>
        %select_n3A_332 = arith.select %gt3A_310, %broadcast_in_dim3A_330, %broadcast_in_dim3A_331 : vector<16xi1>, vector<16xf32>
        %add3A_333 = arith.addf %select_n3A_327, %select_n3A_332 : vector<16xf32>
        %jit3A_334 = arith.constant -0.714285731 : f32
        %jit3A_335 = arith.constant -1.000000e+00 : f32
        %broadcast_in_dim3A_336 = vector.broadcast %jit3A_334 : f32 to vector<16xf32>
        %broadcast_in_dim3A_337 = vector.broadcast %jit3A_335 : f32 to vector<16xf32>
        %select_n3A_338 = arith.select %gt3A_322, %broadcast_in_dim3A_336, %broadcast_in_dim3A_337 : vector<16xi1>, vector<16xf32>
        %add3A_339 = arith.addf %add3A_333, %select_n3A_338 : vector<16xf32>
        %swap3A_340 = arith.index_cast %add3A_295 : i32 to index
        %swap3A_341 = arith.index_cast %multiple_of3A_297 : i32 to index
        %swap3A_342 = tpu.vector_load %arg6[%swap3A_340, %swap3A_341] {strides = array<i32>} : memref<128x64xf32, #tpu.memory_space<vmem>>, vector<1x16xf32>,
        %swap3A_343 = vector.shape_cast %swap3A_342 : vector<1x16xf32> to vector<16xf32>
        %swap3A_344 = vector.shape_cast %add3A_339 : vector<16xf32> to vector<1x16xf32>
        tpu.vector_store %arg6[%swap3A_340, %swap3A_341], %swap3A_344 {strides = array<i32>} : memref<128x64xf32, #tpu.memory_space<vmem>>, vector<1x16xf32>,
        %multiple_of3A_345 = arith.constant 16 : i32
        %multiple_of3A_346 = tpu.assume_multiple %multiple_of3A_345, 16 : i32
        %get3A_347 = arith.index_cast %add3A_295 : i32 to index
        %get3A_348 = arith.index_cast %multiple_of3A_346 : i32 to index
        %get3A_349 = tpu.vector_load %arg4[%get3A_347, %get3A_348] {strides = array<i32>} : memref<128x64xf32, #tpu.memory_space<vmem>>, vector<1x16xf32>,
        %get3A_350 = vector.shape_cast %get3A_349 : vector<1x16xf32> to vector<16xf32>
        %gt3A_351 = arith.constant 0.000000e+00 : f32
        %gt3A_352 = vector.broadcast %gt3A_351 : f32 to vector<16xf32>
        %gt3A_353 = arith.cmpf ogt, %get3A_350, %gt3A_352 : vector<16xf32>
        %jit3A_354 = arith.constant 0.649641513 : f32
        %jit3A_355 = arith.constant -0.649641513 : f32
        %broadcast_in_dim3A_356 = vector.broadcast %jit3A_354 : f32 to vector<16xf32>
        %broadcast_in_dim3A_357 = vector.broadcast %jit3A_355 : f32 to vector<16xf32>
        %select_n3A_358 = arith.select %gt3A_353, %broadcast_in_dim3A_356, %broadcast_in_dim3A_357 : vector<16xi1>, vector<16xf32>
        %gt3A_359 = arith.cmpf ogt, %get3A_350, %select_n3A_358 : vector<16xf32>
        %jit3A_360 = arith.constant 1.28247476 : f32
        %jit3A_361 = arith.constant 0.293893337 : f32
        %broadcast_in_dim3A_362 = vector.broadcast %jit3A_360 : f32 to vector<16xf32>
        %broadcast_in_dim3A_363 = vector.broadcast %jit3A_361 : f32 to vector<16xf32>
        %select_n3A_364 = arith.select %gt3A_359, %broadcast_in_dim3A_362, %broadcast_in_dim3A_363 : vector<16xi1>, vector<16xf32>
        %jit3A_365 = arith.constant -0.293893337 : f32
        %jit3A_366 = arith.constant -1.28247476 : f32
        %broadcast_in_dim3A_367 = vector.broadcast %jit3A_365 : f32 to vector<16xf32>
        %broadcast_in_dim3A_368 = vector.broadcast %jit3A_366 : f32 to vector<16xf32>
        %select_n3A_369 = arith.select %gt3A_359, %broadcast_in_dim3A_367, %broadcast_in_dim3A_368 : vector<16xi1>, vector<16xf32>
        %select_n3A_370 = arith.select %gt3A_353, %select_n3A_364, %select_n3A_369 : vector<16xi1>, vector<16xf32>
        %gt3A_371 = arith.cmpf ogt, %get3A_350, %select_n3A_370 : vector<16xf32>
        %jit3A_372 = arith.constant 1.14285719 : f32
        %jit3A_373 = arith.constant 0.000000e+00 : f32
        %broadcast_in_dim3A_374 = vector.broadcast %jit3A_372 : f32 to vector<16xf32>
        %broadcast_in_dim3A_375 = vector.broadcast %jit3A_373 : f32 to vector<16xf32>
        %select_n3A_376 = arith.select %gt3A_353, %broadcast_in_dim3A_374, %broadcast_in_dim3A_375 : vector<16xi1>, vector<16xf32>
        %jit3A_377 = arith.constant 0.571428597 : f32
        %jit3A_378 = arith.constant 0.000000e+00 : f32
        %broadcast_in_dim3A_379 = vector.broadcast %jit3A_377 : f32 to vector<16xf32>
        %broadcast_in_dim3A_380 = vector.broadcast %jit3A_378 : f32 to vector<16xf32>
        %select_n3A_381 = arith.select %gt3A_359, %broadcast_in_dim3A_379, %broadcast_in_dim3A_380 : vector<16xi1>, vector<16xf32>
        %add3A_382 = arith.addf %select_n3A_376, %select_n3A_381 : vector<16xf32>
        %jit3A_383 = arith.constant -0.714285731 : f32
        %jit3A_384 = arith.constant -1.000000e+00 : f32
        %broadcast_in_dim3A_385 = vector.broadcast %jit3A_383 : f32 to vector<16xf32>
        %broadcast_in_dim3A_386 = vector.broadcast %jit3A_384 : f32 to vector<16xf32>
        %select_n3A_387 = arith.select %gt3A_371, %broadcast_in_dim3A_385, %broadcast_in_dim3A_386 : vector<16xi1>, vector<16xf32>
        %add3A_388 = arith.addf %add3A_382, %select_n3A_387 : vector<16xf32>
        %swap3A_389 = arith.index_cast %add3A_295 : i32 to index
        %swap3A_390 = arith.index_cast %multiple_of3A_346 : i32 to index
        %swap3A_391 = tpu.vector_load %arg6[%swap3A_389, %swap3A_390] {strides = array<i32>} : memref<128x64xf32, #tpu.memory_space<vmem>>, vector<1x16xf32>,
        %swap3A_392 = vector.shape_cast %swap3A_391 : vector<1x16xf32> to vector<16xf32>
        %swap3A_393 = vector.shape_cast %add3A_388 : vector<16xf32> to vector<1x16xf32>
        tpu.vector_store %arg6[%swap3A_389, %swap3A_390], %swap3A_393 {strides = array<i32>} : memref<128x64xf32, #tpu.memory_space<vmem>>, vector<1x16xf32>,
        %multiple_of3A_394 = arith.constant 32 : i32
        %multiple_of3A_395 = tpu.assume_multiple %multiple_of3A_394, 16 : i32
        %get3A_396 = arith.index_cast %add3A_295 : i32 to index
        %get3A_397 = arith.index_cast %multiple_of3A_395 : i32 to index
        %get3A_398 = tpu.vector_load %arg4[%get3A_396, %get3A_397] {strides = array<i32>} : memref<128x64xf32, #tpu.memory_space<vmem>>, vector<1x16xf32>,
        %get3A_399 = vector.shape_cast %get3A_398 : vector<1x16xf32> to vector<16xf32>
        %gt3A_400 = arith.constant 0.000000e+00 : f32
        %gt3A_401 = vector.broadcast %gt3A_400 : f32 to vector<16xf32>
        %gt3A_402 = arith.cmpf ogt, %get3A_399, %gt3A_401 : vector<16xf32>
        %jit3A_403 = arith.constant 0.649641513 : f32
        %jit3A_404 = arith.constant -0.649641513 : f32
        %broadcast_in_dim3A_405 = vector.broadcast %jit3A_403 : f32 to vector<16xf32>
        %broadcast_in_dim3A_406 = vector.broadcast %jit3A_404 : f32 to vector<16xf32>
        %select_n3A_407 = arith.select %gt3A_402, %broadcast_in_dim3A_405, %broadcast_in_dim3A_406 : vector<16xi1>, vector<16xf32>
        %gt3A_408 = arith.cmpf ogt, %get3A_399, %select_n3A_407 : vector<16xf32>
        %jit3A_409 = arith.constant 1.28247476 : f32
        %jit3A_410 = arith.constant 0.293893337 : f32
        %broadcast_in_dim3A_411 = vector.broadcast %jit3A_409 : f32 to vector<16xf32>
        %broadcast_in_dim3A_412 = vector.broadcast %jit3A_410 : f32 to vector<16xf32>
        %select_n3A_413 = arith.select %gt3A_408, %broadcast_in_dim3A_411, %broadcast_in_dim3A_412 : vector<16xi1>, vector<16xf32>
        %jit3A_414 = arith.constant -0.293893337 : f32
        %jit3A_415 = arith.constant -1.28247476 : f32
        %broadcast_in_dim3A_416 = vector.broadcast %jit3A_414 : f32 to vector<16xf32>
        %broadcast_in_dim3A_417 = vector.broadcast %jit3A_415 : f32 to vector<16xf32>
        %select_n3A_418 = arith.select %gt3A_408, %broadcast_in_dim3A_416, %broadcast_in_dim3A_417 : vector<16xi1>, vector<16xf32>
        %select_n3A_419 = arith.select %gt3A_402, %select_n3A_413, %select_n3A_418 : vector<16xi1>, vector<16xf32>
        %gt3A_420 = arith.cmpf ogt, %get3A_399, %select_n3A_419 : vector<16xf32>
        %jit3A_421 = arith.constant 1.14285719 : f32
        %jit3A_422 = arith.constant 0.000000e+00 : f32
        %broadcast_in_dim3A_423 = vector.broadcast %jit3A_421 : f32 to vector<16xf32>
        %broadcast_in_dim3A_424 = vector.broadcast %jit3A_422 : f32 to vector<16xf32>
        %select_n3A_425 = arith.select %gt3A_402, %broadcast_in_dim3A_423, %broadcast_in_dim3A_424 : vector<16xi1>, vector<16xf32>
        %jit3A_426 = arith.constant 0.571428597 : f32
        %jit3A_427 = arith.constant 0.000000e+00 : f32
        %broadcast_in_dim3A_428 = vector.broadcast %jit3A_426 : f32 to vector<16xf32>
        %broadcast_in_dim3A_429 = vector.broadcast %jit3A_427 : f32 to vector<16xf32>
        %select_n3A_430 = arith.select %gt3A_408, %broadcast_in_dim3A_428, %broadcast_in_dim3A_429 : vector<16xi1>, vector<16xf32>
        %add3A_431 = arith.addf %select_n3A_425, %select_n3A_430 : vector<16xf32>
        %jit3A_432 = arith.constant -0.714285731 : f32
        %jit3A_433 = arith.constant -1.000000e+00 : f32
        %broadcast_in_dim3A_434 = vector.broadcast %jit3A_432 : f32 to vector<16xf32>
        %broadcast_in_dim3A_435 = vector.broadcast %jit3A_433 : f32 to vector<16xf32>
        %select_n3A_436 = arith.select %gt3A_420, %broadcast_in_dim3A_434, %broadcast_in_dim3A_435 : vector<16xi1>, vector<16xf32>
        %add3A_437 = arith.addf %add3A_431, %select_n3A_436 : vector<16xf32>
        %swap3A_438 = arith.index_cast %add3A_295 : i32 to index
        %swap3A_439 = arith.index_cast %multiple_of3A_395 : i32 to index
        %swap3A_440 = tpu.vector_load %arg6[%swap3A_438, %swap3A_439] {strides = array<i32>} : memref<128x64xf32, #tpu.memory_space<vmem>>, vector<1x16xf32>,
        %swap3A_441 = vector.shape_cast %swap3A_440 : vector<1x16xf32> to vector<16xf32>
        %swap3A_442 = vector.shape_cast %add3A_437 : vector<16xf32> to vector<1x16xf32>
        tpu.vector_store %arg6[%swap3A_438, %swap3A_439], %swap3A_442 {strides = array<i32>} : memref<128x64xf32, #tpu.memory_space<vmem>>, vector<1x16xf32>,
        %multiple_of3A_443 = arith.constant 48 : i32
        %multiple_of3A_444 = tpu.assume_multiple %multiple_of3A_443, 16 : i32
        %get3A_445 = arith.index_cast %add3A_295 : i32 to index
        %get3A_446 = arith.index_cast %multiple_of3A_444 : i32 to index
        %get3A_447 = tpu.vector_load %arg4[%get3A_445, %get3A_446] {strides = array<i32>} : memref<128x64xf32, #tpu.memory_space<vmem>>, vector<1x16xf32>,
        %get3A_448 = vector.shape_cast %get3A_447 : vector<1x16xf32> to vector<16xf32>
        %gt3A_449 = arith.constant 0.000000e+00 : f32
        %gt3A_450 = vector.broadcast %gt3A_449 : f32 to vector<16xf32>
        %gt3A_451 = arith.cmpf ogt, %get3A_448, %gt3A_450 : vector<16xf32>
        %jit3A_452 = arith.constant 0.649641513 : f32
        %jit3A_453 = arith.constant -0.649641513 : f32
        %broadcast_in_dim3A_454 = vector.broadcast %jit3A_452 : f32 to vector<16xf32>
        %broadcast_in_dim3A_455 = vector.broadcast %jit3A_453 : f32 to vector<16xf32>
        %select_n3A_456 = arith.select %gt3A_451, %broadcast_in_dim3A_454, %broadcast_in_dim3A_455 : vector<16xi1>, vector<16xf32>
        %gt3A_457 = arith.cmpf ogt, %get3A_448, %select_n3A_456 : vector<16xf32>
        %jit3A_458 = arith.constant 1.28247476 : f32
        %jit3A_459 = arith.constant 0.293893337 : f32
        %broadcast_in_dim3A_460 = vector.broadcast %jit3A_458 : f32 to vector<16xf32>
        %broadcast_in_dim3A_461 = vector.broadcast %jit3A_459 : f32 to vector<16xf32>
        %select_n3A_462 = arith.select %gt3A_457, %broadcast_in_dim3A_460, %broadcast_in_dim3A_461 : vector<16xi1>, vector<16xf32>
        %jit3A_463 = arith.constant -0.293893337 : f32
        %jit3A_464 = arith.constant -1.28247476 : f32
        %broadcast_in_dim3A_465 = vector.broadcast %jit3A_463 : f32 to vector<16xf32>
        %broadcast_in_dim3A_466 = vector.broadcast %jit3A_464 : f32 to vector<16xf32>
        %select_n3A_467 = arith.select %gt3A_457, %broadcast_in_dim3A_465, %broadcast_in_dim3A_466 : vector<16xi1>, vector<16xf32>
        %select_n3A_468 = arith.select %gt3A_451, %select_n3A_462, %select_n3A_467 : vector<16xi1>, vector<16xf32>
        %gt3A_469 = arith.cmpf ogt, %get3A_448, %select_n3A_468 : vector<16xf32>
        %jit3A_470 = arith.constant 1.14285719 : f32
        %jit3A_471 = arith.constant 0.000000e+00 : f32
        %broadcast_in_dim3A_472 = vector.broadcast %jit3A_470 : f32 to vector<16xf32>
        %broadcast_in_dim3A_473 = vector.broadcast %jit3A_471 : f32 to vector<16xf32>
        %select_n3A_474 = arith.select %gt3A_451, %broadcast_in_dim3A_472, %broadcast_in_dim3A_473 : vector<16xi1>, vector<16xf32>
        %jit3A_475 = arith.constant 0.571428597 : f32
        %jit3A_476 = arith.constant 0.000000e+00 : f32
        %broadcast_in_dim3A_477 = vector.broadcast %jit3A_475 : f32 to vector<16xf32>
        %broadcast_in_dim3A_478 = vector.broadcast %jit3A_476 : f32 to vector<16xf32>
        %select_n3A_479 = arith.select %gt3A_457, %broadcast_in_dim3A_477, %broadcast_in_dim3A_478 : vector<16xi1>, vector<16xf32>
        %add3A_480 = arith.addf %select_n3A_474, %select_n3A_479 : vector<16xf32>
        %jit3A_481 = arith.constant -0.714285731 : f32
        %jit3A_482 = arith.constant -1.000000e+00 : f32
        %broadcast_in_dim3A_483 = vector.broadcast %jit3A_481 : f32 to vector<16xf32>
        %broadcast_in_dim3A_484 = vector.broadcast %jit3A_482 : f32 to vector<16xf32>
        %select_n3A_485 = arith.select %gt3A_469, %broadcast_in_dim3A_483, %broadcast_in_dim3A_484 : vector<16xi1>, vector<16xf32>
        %add3A_486 = arith.addf %add3A_480, %select_n3A_485 : vector<16xf32>
        %swap3A_487 = arith.index_cast %add3A_295 : i32 to index
        %swap3A_488 = arith.index_cast %multiple_of3A_444 : i32 to index
        %swap3A_489 = tpu.vector_load %arg6[%swap3A_487, %swap3A_488] {strides = array<i32>} : memref<128x64xf32, #tpu.memory_space<vmem>>, vector<1x16xf32>,
        %swap3A_490 = vector.shape_cast %swap3A_489 : vector<1x16xf32> to vector<16xf32>
        %swap3A_491 = vector.shape_cast %add3A_486 : vector<16xf32> to vector<1x16xf32>
        tpu.vector_store %arg6[%swap3A_487, %swap3A_488], %swap3A_491 {strides = array<i32>} : memref<128x64xf32, #tpu.memory_space<vmem>>, vector<1x16xf32>,
        %mul3A_492 = arith.constant 4 : i32
        %mul3A_493 = arith.muli %scan3A_97, %mul3A_492 : i32
        %add3A_494 = arith.constant 2 : i32
        %add3A_495 = arith.addi %mul3A_493, %add3A_494 : i32
        %multiple_of3A_496 = arith.constant 0 : i32
        %multiple_of3A_497 = tpu.assume_multiple %multiple_of3A_496, 16 : i32
        %get3A_498 = arith.index_cast %add3A_495 : i32 to index
        %get3A_499 = arith.index_cast %multiple_of3A_497 : i32 to index
        %get3A_500 = tpu.vector_load %arg4[%get3A_498, %get3A_499] {strides = array<i32>} : memref<128x64xf32, #tpu.memory_space<vmem>>, vector<1x16xf32>,
        %get3A_501 = vector.shape_cast %get3A_500 : vector<1x16xf32> to vector<16xf32>
        %gt3A_502 = arith.constant 0.000000e+00 : f32
        %gt3A_503 = vector.broadcast %gt3A_502 : f32 to vector<16xf32>
        %gt3A_504 = arith.cmpf ogt, %get3A_501, %gt3A_503 : vector<16xf32>
        %jit3A_505 = arith.constant 0.649641513 : f32
        %jit3A_506 = arith.constant -0.649641513 : f32
        %broadcast_in_dim3A_507 = vector.broadcast %jit3A_505 : f32 to vector<16xf32>
        %broadcast_in_dim3A_508 = vector.broadcast %jit3A_506 : f32 to vector<16xf32>
        %select_n3A_509 = arith.select %gt3A_504, %broadcast_in_dim3A_507, %broadcast_in_dim3A_508 : vector<16xi1>, vector<16xf32>
        %gt3A_510 = arith.cmpf ogt, %get3A_501, %select_n3A_509 : vector<16xf32>
        %jit3A_511 = arith.constant 1.28247476 : f32
        %jit3A_512 = arith.constant 0.293893337 : f32
        %broadcast_in_dim3A_513 = vector.broadcast %jit3A_511 : f32 to vector<16xf32>
        %broadcast_in_dim3A_514 = vector.broadcast %jit3A_512 : f32 to vector<16xf32>
        %select_n3A_515 = arith.select %gt3A_510, %broadcast_in_dim3A_513, %broadcast_in_dim3A_514 : vector<16xi1>, vector<16xf32>
        %jit3A_516 = arith.constant -0.293893337 : f32
        %jit3A_517 = arith.constant -1.28247476 : f32
        %broadcast_in_dim3A_518 = vector.broadcast %jit3A_516 : f32 to vector<16xf32>
        %broadcast_in_dim3A_519 = vector.broadcast %jit3A_517 : f32 to vector<16xf32>
        %select_n3A_520 = arith.select %gt3A_510, %broadcast_in_dim3A_518, %broadcast_in_dim3A_519 : vector<16xi1>, vector<16xf32>
        %select_n3A_521 = arith.select %gt3A_504, %select_n3A_515, %select_n3A_520 : vector<16xi1>, vector<16xf32>
        %gt3A_522 = arith.cmpf ogt, %get3A_501, %select_n3A_521 : vector<16xf32>
        %jit3A_523 = arith.constant 1.14285719 : f32
        %jit3A_524 = arith.constant 0.000000e+00 : f32
        %broadcast_in_dim3A_525 = vector.broadcast %jit3A_523 : f32 to vector<16xf32>
        %broadcast_in_dim3A_526 = vector.broadcast %jit3A_524 : f32 to vector<16xf32>
        %select_n3A_527 = arith.select %gt3A_504, %broadcast_in_dim3A_525, %broadcast_in_dim3A_526 : vector<16xi1>, vector<16xf32>
        %jit3A_528 = arith.constant 0.571428597 : f32
        %jit3A_529 = arith.constant 0.000000e+00 : f32
        %broadcast_in_dim3A_530 = vector.broadcast %jit3A_528 : f32 to vector<16xf32>
        %broadcast_in_dim3A_531 = vector.broadcast %jit3A_529 : f32 to vector<16xf32>
        %select_n3A_532 = arith.select %gt3A_510, %broadcast_in_dim3A_530, %broadcast_in_dim3A_531 : vector<16xi1>, vector<16xf32>
        %add3A_533 = arith.addf %select_n3A_527, %select_n3A_532 : vector<16xf32>
        %jit3A_534 = arith.constant -0.714285731 : f32
        %jit3A_535 = arith.constant -1.000000e+00 : f32
        %broadcast_in_dim3A_536 = vector.broadcast %jit3A_534 : f32 to vector<16xf32>
        %broadcast_in_dim3A_537 = vector.broadcast %jit3A_535 : f32 to vector<16xf32>
        %select_n3A_538 = arith.select %gt3A_522, %broadcast_in_dim3A_536, %broadcast_in_dim3A_537 : vector<16xi1>, vector<16xf32>
        %add3A_539 = arith.addf %add3A_533, %select_n3A_538 : vector<16xf32>
        %swap3A_540 = arith.index_cast %add3A_495 : i32 to index
        %swap3A_541 = arith.index_cast %multiple_of3A_497 : i32 to index
        %swap3A_542 = tpu.vector_load %arg6[%swap3A_540, %swap3A_541] {strides = array<i32>} : memref<128x64xf32, #tpu.memory_space<vmem>>, vector<1x16xf32>,
        %swap3A_543 = vector.shape_cast %swap3A_542 : vector<1x16xf32> to vector<16xf32>
        %swap3A_544 = vector.shape_cast %add3A_539 : vector<16xf32> to vector<1x16xf32>
        tpu.vector_store %arg6[%swap3A_540, %swap3A_541], %swap3A_544 {strides = array<i32>} : memref<128x64xf32, #tpu.memory_space<vmem>>, vector<1x16xf32>,
        %multiple_of3A_545 = arith.constant 16 : i32
        %multiple_of3A_546 = tpu.assume_multiple %multiple_of3A_545, 16 : i32
        %get3A_547 = arith.index_cast %add3A_495 : i32 to index
        %get3A_548 = arith.index_cast %multiple_of3A_546 : i32 to index
        %get3A_549 = tpu.vector_load %arg4[%get3A_547, %get3A_548] {strides = array<i32>} : memref<128x64xf32, #tpu.memory_space<vmem>>, vector<1x16xf32>,
        %get3A_550 = vector.shape_cast %get3A_549 : vector<1x16xf32> to vector<16xf32>
        %gt3A_551 = arith.constant 0.000000e+00 : f32
        %gt3A_552 = vector.broadcast %gt3A_551 : f32 to vector<16xf32>
        %gt3A_553 = arith.cmpf ogt, %get3A_550, %gt3A_552 : vector<16xf32>
        %jit3A_554 = arith.constant 0.649641513 : f32
        %jit3A_555 = arith.constant -0.649641513 : f32
        %broadcast_in_dim3A_556 = vector.broadcast %jit3A_554 : f32 to vector<16xf32>
        %broadcast_in_dim3A_557 = vector.broadcast %jit3A_555 : f32 to vector<16xf32>
        %select_n3A_558 = arith.select %gt3A_553, %broadcast_in_dim3A_556, %broadcast_in_dim3A_557 : vector<16xi1>, vector<16xf32>
        %gt3A_559 = arith.cmpf ogt, %get3A_550, %select_n3A_558 : vector<16xf32>
        %jit3A_560 = arith.constant 1.28247476 : f32
        %jit3A_561 = arith.constant 0.293893337 : f32
        %broadcast_in_dim3A_562 = vector.broadcast %jit3A_560 : f32 to vector<16xf32>
        %broadcast_in_dim3A_563 = vector.broadcast %jit3A_561 : f32 to vector<16xf32>
        %select_n3A_564 = arith.select %gt3A_559, %broadcast_in_dim3A_562, %broadcast_in_dim3A_563 : vector<16xi1>, vector<16xf32>
        %jit3A_565 = arith.constant -0.293893337 : f32
        %jit3A_566 = arith.constant -1.28247476 : f32
        %broadcast_in_dim3A_567 = vector.broadcast %jit3A_565 : f32 to vector<16xf32>
        %broadcast_in_dim3A_568 = vector.broadcast %jit3A_566 : f32 to vector<16xf32>
        %select_n3A_569 = arith.select %gt3A_559, %broadcast_in_dim3A_567, %broadcast_in_dim3A_568 : vector<16xi1>, vector<16xf32>
        %select_n3A_570 = arith.select %gt3A_553, %select_n3A_564, %select_n3A_569 : vector<16xi1>, vector<16xf32>
        %gt3A_571 = arith.cmpf ogt, %get3A_550, %select_n3A_570 : vector<16xf32>
        %jit3A_572 = arith.constant 1.14285719 : f32
        %jit3A_573 = arith.constant 0.000000e+00 : f32
        %broadcast_in_dim3A_574 = vector.broadcast %jit3A_572 : f32 to vector<16xf32>
        %broadcast_in_dim3A_575 = vector.broadcast %jit3A_573 : f32 to vector<16xf32>
        %select_n3A_576 = arith.select %gt3A_553, %broadcast_in_dim3A_574, %broadcast_in_dim3A_575 : vector<16xi1>, vector<16xf32>
        %jit3A_577 = arith.constant 0.571428597 : f32
        %jit3A_578 = arith.constant 0.000000e+00 : f32
        %broadcast_in_dim3A_579 = vector.broadcast %jit3A_577 : f32 to vector<16xf32>
        %broadcast_in_dim3A_580 = vector.broadcast %jit3A_578 : f32 to vector<16xf32>
        %select_n3A_581 = arith.select %gt3A_559, %broadcast_in_dim3A_579, %broadcast_in_dim3A_580 : vector<16xi1>, vector<16xf32>
        %add3A_582 = arith.addf %select_n3A_576, %select_n3A_581 : vector<16xf32>
        %jit3A_583 = arith.constant -0.714285731 : f32
        %jit3A_584 = arith.constant -1.000000e+00 : f32
        %broadcast_in_dim3A_585 = vector.broadcast %jit3A_583 : f32 to vector<16xf32>
        %broadcast_in_dim3A_586 = vector.broadcast %jit3A_584 : f32 to vector<16xf32>
        %select_n3A_587 = arith.select %gt3A_571, %broadcast_in_dim3A_585, %broadcast_in_dim3A_586 : vector<16xi1>, vector<16xf32>
        %add3A_588 = arith.addf %add3A_582, %select_n3A_587 : vector<16xf32>
        %swap3A_589 = arith.index_cast %add3A_495 : i32 to index
        %swap3A_590 = arith.index_cast %multiple_of3A_546 : i32 to index
        %swap3A_591 = tpu.vector_load %arg6[%swap3A_589, %swap3A_590] {strides = array<i32>} : memref<128x64xf32, #tpu.memory_space<vmem>>, vector<1x16xf32>,
        %swap3A_592 = vector.shape_cast %swap3A_591 : vector<1x16xf32> to vector<16xf32>
        %swap3A_593 = vector.shape_cast %add3A_588 : vector<16xf32> to vector<1x16xf32>
        tpu.vector_store %arg6[%swap3A_589, %swap3A_590], %swap3A_593 {strides = array<i32>} : memref<128x64xf32, #tpu.memory_space<vmem>>, vector<1x16xf32>,
        %multiple_of3A_594 = arith.constant 32 : i32
        %multiple_of3A_595 = tpu.assume_multiple %multiple_of3A_594, 16 : i32
        %get3A_596 = arith.index_cast %add3A_495 : i32 to index
        %get3A_597 = arith.index_cast %multiple_of3A_595 : i32 to index
        %get3A_598 = tpu.vector_load %arg4[%get3A_596, %get3A_597] {strides = array<i32>} : memref<128x64xf32, #tpu.memory_space<vmem>>, vector<1x16xf32>,
        %get3A_599 = vector.shape_cast %get3A_598 : vector<1x16xf32> to vector<16xf32>
        %gt3A_600 = arith.constant 0.000000e+00 : f32
        %gt3A_601 = vector.broadcast %gt3A_600 : f32 to vector<16xf32>
        %gt3A_602 = arith.cmpf ogt, %get3A_599, %gt3A_601 : vector<16xf32>
        %jit3A_603 = arith.constant 0.649641513 : f32
        %jit3A_604 = arith.constant -0.649641513 : f32
        %broadcast_in_dim3A_605 = vector.broadcast %jit3A_603 : f32 to vector<16xf32>
        %broadcast_in_dim3A_606 = vector.broadcast %jit3A_604 : f32 to vector<16xf32>
        %select_n3A_607 = arith.select %gt3A_602, %broadcast_in_dim3A_605, %broadcast_in_dim3A_606 : vector<16xi1>, vector<16xf32>
        %gt3A_608 = arith.cmpf ogt, %get3A_599, %select_n3A_607 : vector<16xf32>
        %jit3A_609 = arith.constant 1.28247476 : f32
        %jit3A_610 = arith.constant 0.293893337 : f32
        %broadcast_in_dim3A_611 = vector.broadcast %jit3A_609 : f32 to vector<16xf32>
        %broadcast_in_dim3A_612 = vector.broadcast %jit3A_610 : f32 to vector<16xf32>
        %select_n3A_613 = arith.select %gt3A_608, %broadcast_in_dim3A_611, %broadcast_in_dim3A_612 : vector<16xi1>, vector<16xf32>
        %jit3A_614 = arith.constant -0.293893337 : f32
        %jit3A_615 = arith.constant -1.28247476 : f32
        %broadcast_in_dim3A_616 = vector.broadcast %jit3A_614 : f32 to vector<16xf32>
        %broadcast_in_dim3A_617 = vector.broadcast %jit3A_615 : f32 to vector<16xf32>
        %select_n3A_618 = arith.select %gt3A_608, %broadcast_in_dim3A_616, %broadcast_in_dim3A_617 : vector<16xi1>, vector<16xf32>
        %select_n3A_619 = arith.select %gt3A_602, %select_n3A_613, %select_n3A_618 : vector<16xi1>, vector<16xf32>
        %gt3A_620 = arith.cmpf ogt, %get3A_599, %select_n3A_619 : vector<16xf32>
        %jit3A_621 = arith.constant 1.14285719 : f32
        %jit3A_622 = arith.constant 0.000000e+00 : f32
        %broadcast_in_dim3A_623 = vector.broadcast %jit3A_621 : f32 to vector<16xf32>
        %broadcast_in_dim3A_624 = vector.broadcast %jit3A_622 : f32 to vector<16xf32>
        %select_n3A_625 = arith.select %gt3A_602, %broadcast_in_dim3A_623, %broadcast_in_dim3A_624 : vector<16xi1>, vector<16xf32>
        %jit3A_626 = arith.constant 0.571428597 : f32
        %jit3A_627 = arith.constant 0.000000e+00 : f32
        %broadcast_in_dim3A_628 = vector.broadcast %jit3A_626 : f32 to vector<16xf32>
        %broadcast_in_dim3A_629 = vector.broadcast %jit3A_627 : f32 to vector<16xf32>
        %select_n3A_630 = arith.select %gt3A_608, %broadcast_in_dim3A_628, %broadcast_in_dim3A_629 : vector<16xi1>, vector<16xf32>
        %add3A_631 = arith.addf %select_n3A_625, %select_n3A_630 : vector<16xf32>
        %jit3A_632 = arith.constant -0.714285731 : f32
        %jit3A_633 = arith.constant -1.000000e+00 : f32
        %broadcast_in_dim3A_634 = vector.broadcast %jit3A_632 : f32 to vector<16xf32>
        %broadcast_in_dim3A_635 = vector.broadcast %jit3A_633 : f32 to vector<16xf32>
        %select_n3A_636 = arith.select %gt3A_620, %broadcast_in_dim3A_634, %broadcast_in_dim3A_635 : vector<16xi1>, vector<16xf32>
        %add3A_637 = arith.addf %add3A_631, %select_n3A_636 : vector<16xf32>
        %swap3A_638 = arith.index_cast %add3A_495 : i32 to index
        %swap3A_639 = arith.index_cast %multiple_of3A_595 : i32 to index
        %swap3A_640 = tpu.vector_load %arg6[%swap3A_638, %swap3A_639] {strides = array<i32>} : memref<128x64xf32, #tpu.memory_space<vmem>>, vector<1x16xf32>,
        %swap3A_641 = vector.shape_cast %swap3A_640 : vector<1x16xf32> to vector<16xf32>
        %swap3A_642 = vector.shape_cast %add3A_637 : vector<16xf32> to vector<1x16xf32>
        tpu.vector_store %arg6[%swap3A_638, %swap3A_639], %swap3A_642 {strides = array<i32>} : memref<128x64xf32, #tpu.memory_space<vmem>>, vector<1x16xf32>,
        %multiple_of3A_643 = arith.constant 48 : i32
        %multiple_of3A_644 = tpu.assume_multiple %multiple_of3A_643, 16 : i32
        %get3A_645 = arith.index_cast %add3A_495 : i32 to index
        %get3A_646 = arith.index_cast %multiple_of3A_644 : i32 to index
        %get3A_647 = tpu.vector_load %arg4[%get3A_645, %get3A_646] {strides = array<i32>} : memref<128x64xf32, #tpu.memory_space<vmem>>, vector<1x16xf32>,
        %get3A_648 = vector.shape_cast %get3A_647 : vector<1x16xf32> to vector<16xf32>
        %gt3A_649 = arith.constant 0.000000e+00 : f32
        %gt3A_650 = vector.broadcast %gt3A_649 : f32 to vector<16xf32>
        %gt3A_651 = arith.cmpf ogt, %get3A_648, %gt3A_650 : vector<16xf32>
        %jit3A_652 = arith.constant 0.649641513 : f32
        %jit3A_653 = arith.constant -0.649641513 : f32
        %broadcast_in_dim3A_654 = vector.broadcast %jit3A_652 : f32 to vector<16xf32>
        %broadcast_in_dim3A_655 = vector.broadcast %jit3A_653 : f32 to vector<16xf32>
        %select_n3A_656 = arith.select %gt3A_651, %broadcast_in_dim3A_654, %broadcast_in_dim3A_655 : vector<16xi1>, vector<16xf32>
        %gt3A_657 = arith.cmpf ogt, %get3A_648, %select_n3A_656 : vector<16xf32>
        %jit3A_658 = arith.constant 1.28247476 : f32
        %jit3A_659 = arith.constant 0.293893337 : f32
        %broadcast_in_dim3A_660 = vector.broadcast %jit3A_658 : f32 to vector<16xf32>
        %broadcast_in_dim3A_661 = vector.broadcast %jit3A_659 : f32 to vector<16xf32>
        %select_n3A_662 = arith.select %gt3A_657, %broadcast_in_dim3A_660, %broadcast_in_dim3A_661 : vector<16xi1>, vector<16xf32>
        %jit3A_663 = arith.constant -0.293893337 : f32
        %jit3A_664 = arith.constant -1.28247476 : f32
        %broadcast_in_dim3A_665 = vector.broadcast %jit3A_663 : f32 to vector<16xf32>
        %broadcast_in_dim3A_666 = vector.broadcast %jit3A_664 : f32 to vector<16xf32>
        %select_n3A_667 = arith.select %gt3A_657, %broadcast_in_dim3A_665, %broadcast_in_dim3A_666 : vector<16xi1>, vector<16xf32>
        %select_n3A_668 = arith.select %gt3A_651, %select_n3A_662, %select_n3A_667 : vector<16xi1>, vector<16xf32>
        %gt3A_669 = arith.cmpf ogt, %get3A_648, %select_n3A_668 : vector<16xf32>
        %jit3A_670 = arith.constant 1.14285719 : f32
        %jit3A_671 = arith.constant 0.000000e+00 : f32
        %broadcast_in_dim3A_672 = vector.broadcast %jit3A_670 : f32 to vector<16xf32>
        %broadcast_in_dim3A_673 = vector.broadcast %jit3A_671 : f32 to vector<16xf32>
        %select_n3A_674 = arith.select %gt3A_651, %broadcast_in_dim3A_672, %broadcast_in_dim3A_673 : vector<16xi1>, vector<16xf32>
        %jit3A_675 = arith.constant 0.571428597 : f32
        %jit3A_676 = arith.constant 0.000000e+00 : f32
        %broadcast_in_dim3A_677 = vector.broadcast %jit3A_675 : f32 to vector<16xf32>
        %broadcast_in_dim3A_678 = vector.broadcast %jit3A_676 : f32 to vector<16xf32>
        %select_n3A_679 = arith.select %gt3A_657, %broadcast_in_dim3A_677, %broadcast_in_dim3A_678 : vector<16xi1>, vector<16xf32>
        %add3A_680 = arith.addf %select_n3A_674, %select_n3A_679 : vector<16xf32>
        %jit3A_681 = arith.constant -0.714285731 : f32
        %jit3A_682 = arith.constant -1.000000e+00 : f32
        %broadcast_in_dim3A_683 = vector.broadcast %jit3A_681 : f32 to vector<16xf32>
        %broadcast_in_dim3A_684 = vector.broadcast %jit3A_682 : f32 to vector<16xf32>
        %select_n3A_685 = arith.select %gt3A_669, %broadcast_in_dim3A_683, %broadcast_in_dim3A_684 : vector<16xi1>, vector<16xf32>
        %add3A_686 = arith.addf %add3A_680, %select_n3A_685 : vector<16xf32>
        %swap3A_687 = arith.index_cast %add3A_495 : i32 to index
        %swap3A_688 = arith.index_cast %multiple_of3A_644 : i32 to index
        %swap3A_689 = tpu.vector_load %arg6[%swap3A_687, %swap3A_688] {strides = array<i32>} : memref<128x64xf32, #tpu.memory_space<vmem>>, vector<1x16xf32>,
        %swap3A_690 = vector.shape_cast %swap3A_689 : vector<1x16xf32> to vector<16xf32>
        %swap3A_691 = vector.shape_cast %add3A_686 : vector<16xf32> to vector<1x16xf32>
        tpu.vector_store %arg6[%swap3A_687, %swap3A_688], %swap3A_691 {strides = array<i32>} : memref<128x64xf32, #tpu.memory_space<vmem>>, vector<1x16xf32>,
        %mul3A_692 = arith.constant 4 : i32
        %mul3A_693 = arith.muli %scan3A_97, %mul3A_692 : i32
        %add3A_694 = arith.constant 3 : i32
        %add3A_695 = arith.addi %mul3A_693, %add3A_694 : i32
        %multiple_of3A_696 = arith.constant 0 : i32
        %multiple_of3A_697 = tpu.assume_multiple %multiple_of3A_696, 16 : i32
        %get3A_698 = arith.index_cast %add3A_695 : i32 to index
        %get3A_699 = arith.index_cast %multiple_of3A_697 : i32 to index
        %get3A_700 = tpu.vector_load %arg4[%get3A_698, %get3A_699] {strides = array<i32>} : memref<128x64xf32, #tpu.memory_space<vmem>>, vector<1x16xf32>,
        %get3A_701 = vector.shape_cast %get3A_700 : vector<1x16xf32> to vector<16xf32>
        %gt3A_702 = arith.constant 0.000000e+00 : f32
        %gt3A_703 = vector.broadcast %gt3A_702 : f32 to vector<16xf32>
        %gt3A_704 = arith.cmpf ogt, %get3A_701, %gt3A_703 : vector<16xf32>
        %jit3A_705 = arith.constant 0.649641513 : f32
        %jit3A_706 = arith.constant -0.649641513 : f32
        %broadcast_in_dim3A_707 = vector.broadcast %jit3A_705 : f32 to vector<16xf32>
        %broadcast_in_dim3A_708 = vector.broadcast %jit3A_706 : f32 to vector<16xf32>
        %select_n3A_709 = arith.select %gt3A_704, %broadcast_in_dim3A_707, %broadcast_in_dim3A_708 : vector<16xi1>, vector<16xf32>
        %gt3A_710 = arith.cmpf ogt, %get3A_701, %select_n3A_709 : vector<16xf32>
        %jit3A_711 = arith.constant 1.28247476 : f32
        %jit3A_712 = arith.constant 0.293893337 : f32
        %broadcast_in_dim3A_713 = vector.broadcast %jit3A_711 : f32 to vector<16xf32>
        %broadcast_in_dim3A_714 = vector.broadcast %jit3A_712 : f32 to vector<16xf32>
        %select_n3A_715 = arith.select %gt3A_710, %broadcast_in_dim3A_713, %broadcast_in_dim3A_714 : vector<16xi1>, vector<16xf32>
        %jit3A_716 = arith.constant -0.293893337 : f32
        %jit3A_717 = arith.constant -1.28247476 : f32
        %broadcast_in_dim3A_718 = vector.broadcast %jit3A_716 : f32 to vector<16xf32>
        %broadcast_in_dim3A_719 = vector.broadcast %jit3A_717 : f32 to vector<16xf32>
        %select_n3A_720 = arith.select %gt3A_710, %broadcast_in_dim3A_718, %broadcast_in_dim3A_719 : vector<16xi1>, vector<16xf32>
        %select_n3A_721 = arith.select %gt3A_704, %select_n3A_715, %select_n3A_720 : vector<16xi1>, vector<16xf32>
        %gt3A_722 = arith.cmpf ogt, %get3A_701, %select_n3A_721 : vector<16xf32>
        %jit3A_723 = arith.constant 1.14285719 : f32
        %jit3A_724 = arith.constant 0.000000e+00 : f32
        %broadcast_in_dim3A_725 = vector.broadcast %jit3A_723 : f32 to vector<16xf32>
        %broadcast_in_dim3A_726 = vector.broadcast %jit3A_724 : f32 to vector<16xf32>
        %select_n3A_727 = arith.select %gt3A_704, %broadcast_in_dim3A_725, %broadcast_in_dim3A_726 : vector<16xi1>, vector<16xf32>
        %jit3A_728 = arith.constant 0.571428597 : f32
        %jit3A_729 = arith.constant 0.000000e+00 : f32
        %broadcast_in_dim3A_730 = vector.broadcast %jit3A_728 : f32 to vector<16xf32>
        %broadcast_in_dim3A_731 = vector.broadcast %jit3A_729 : f32 to vector<16xf32>
        %select_n3A_732 = arith.select %gt3A_710, %broadcast_in_dim3A_730, %broadcast_in_dim3A_731 : vector<16xi1>, vector<16xf32>
        %add3A_733 = arith.addf %select_n3A_727, %select_n3A_732 : vector<16xf32>
        %jit3A_734 = arith.constant -0.714285731 : f32
        %jit3A_735 = arith.constant -1.000000e+00 : f32
        %broadcast_in_dim3A_736 = vector.broadcast %jit3A_734 : f32 to vector<16xf32>
        %broadcast_in_dim3A_737 = vector.broadcast %jit3A_735 : f32 to vector<16xf32>
        %select_n3A_738 = arith.select %gt3A_722, %broadcast_in_dim3A_736, %broadcast_in_dim3A_737 : vector<16xi1>, vector<16xf32>
        %add3A_739 = arith.addf %add3A_733, %select_n3A_738 : vector<16xf32>
        %swap3A_740 = arith.index_cast %add3A_695 : i32 to index
        %swap3A_741 = arith.index_cast %multiple_of3A_697 : i32 to index
        %swap3A_742 = tpu.vector_load %arg6[%swap3A_740, %swap3A_741] {strides = array<i32>} : memref<128x64xf32, #tpu.memory_space<vmem>>, vector<1x16xf32>,
        %swap3A_743 = vector.shape_cast %swap3A_742 : vector<1x16xf32> to vector<16xf32>
        %swap3A_744 = vector.shape_cast %add3A_739 : vector<16xf32> to vector<1x16xf32>
        tpu.vector_store %arg6[%swap3A_740, %swap3A_741], %swap3A_744 {strides = array<i32>} : memref<128x64xf32, #tpu.memory_space<vmem>>, vector<1x16xf32>,
        %multiple_of3A_745 = arith.constant 16 : i32
        %multiple_of3A_746 = tpu.assume_multiple %multiple_of3A_745, 16 : i32
        %get3A_747 = arith.index_cast %add3A_695 : i32 to index
        %get3A_748 = arith.index_cast %multiple_of3A_746 : i32 to index
        %get3A_749 = tpu.vector_load %arg4[%get3A_747, %get3A_748] {strides = array<i32>} : memref<128x64xf32, #tpu.memory_space<vmem>>, vector<1x16xf32>,
        %get3A_750 = vector.shape_cast %get3A_749 : vector<1x16xf32> to vector<16xf32>
        %gt3A_751 = arith.constant 0.000000e+00 : f32
        %gt3A_752 = vector.broadcast %gt3A_751 : f32 to vector<16xf32>
        %gt3A_753 = arith.cmpf ogt, %get3A_750, %gt3A_752 : vector<16xf32>
        %jit3A_754 = arith.constant 0.649641513 : f32
        %jit3A_755 = arith.constant -0.649641513 : f32
        %broadcast_in_dim3A_756 = vector.broadcast %jit3A_754 : f32 to vector<16xf32>
        %broadcast_in_dim3A_757 = vector.broadcast %jit3A_755 : f32 to vector<16xf32>
        %select_n3A_758 = arith.select %gt3A_753, %broadcast_in_dim3A_756, %broadcast_in_dim3A_757 : vector<16xi1>, vector<16xf32>
        %gt3A_759 = arith.cmpf ogt, %get3A_750, %select_n3A_758 : vector<16xf32>
        %jit3A_760 = arith.constant 1.28247476 : f32
        %jit3A_761 = arith.constant 0.293893337 : f32
        %broadcast_in_dim3A_762 = vector.broadcast %jit3A_760 : f32 to vector<16xf32>
        %broadcast_in_dim3A_763 = vector.broadcast %jit3A_761 : f32 to vector<16xf32>
        %select_n3A_764 = arith.select %gt3A_759, %broadcast_in_dim3A_762, %broadcast_in_dim3A_763 : vector<16xi1>, vector<16xf32>
        %jit3A_765 = arith.constant -0.293893337 : f32
        %jit3A_766 = arith.constant -1.28247476 : f32
        %broadcast_in_dim3A_767 = vector.broadcast %jit3A_765 : f32 to vector<16xf32>
        %broadcast_in_dim3A_768 = vector.broadcast %jit3A_766 : f32 to vector<16xf32>
        %select_n3A_769 = arith.select %gt3A_759, %broadcast_in_dim3A_767, %broadcast_in_dim3A_768 : vector<16xi1>, vector<16xf32>
        %select_n3A_770 = arith.select %gt3A_753, %select_n3A_764, %select_n3A_769 : vector<16xi1>, vector<16xf32>
        %gt3A_771 = arith.cmpf ogt, %get3A_750, %select_n3A_770 : vector<16xf32>
        %jit3A_772 = arith.constant 1.14285719 : f32
        %jit3A_773 = arith.constant 0.000000e+00 : f32
        %broadcast_in_dim3A_774 = vector.broadcast %jit3A_772 : f32 to vector<16xf32>
        %broadcast_in_dim3A_775 = vector.broadcast %jit3A_773 : f32 to vector<16xf32>
        %select_n3A_776 = arith.select %gt3A_753, %broadcast_in_dim3A_774, %broadcast_in_dim3A_775 : vector<16xi1>, vector<16xf32>
        %jit3A_777 = arith.constant 0.571428597 : f32
        %jit3A_778 = arith.constant 0.000000e+00 : f32
        %broadcast_in_dim3A_779 = vector.broadcast %jit3A_777 : f32 to vector<16xf32>
        %broadcast_in_dim3A_780 = vector.broadcast %jit3A_778 : f32 to vector<16xf32>
        %select_n3A_781 = arith.select %gt3A_759, %broadcast_in_dim3A_779, %broadcast_in_dim3A_780 : vector<16xi1>, vector<16xf32>
        %add3A_782 = arith.addf %select_n3A_776, %select_n3A_781 : vector<16xf32>
        %jit3A_783 = arith.constant -0.714285731 : f32
        %jit3A_784 = arith.constant -1.000000e+00 : f32
        %broadcast_in_dim3A_785 = vector.broadcast %jit3A_783 : f32 to vector<16xf32>
        %broadcast_in_dim3A_786 = vector.broadcast %jit3A_784 : f32 to vector<16xf32>
        %select_n3A_787 = arith.select %gt3A_771, %broadcast_in_dim3A_785, %broadcast_in_dim3A_786 : vector<16xi1>, vector<16xf32>
        %add3A_788 = arith.addf %add3A_782, %select_n3A_787 : vector<16xf32>
        %swap3A_789 = arith.index_cast %add3A_695 : i32 to index
        %swap3A_790 = arith.index_cast %multiple_of3A_746 : i32 to index
        %swap3A_791 = tpu.vector_load %arg6[%swap3A_789, %swap3A_790] {strides = array<i32>} : memref<128x64xf32, #tpu.memory_space<vmem>>, vector<1x16xf32>,
        %swap3A_792 = vector.shape_cast %swap3A_791 : vector<1x16xf32> to vector<16xf32>
        %swap3A_793 = vector.shape_cast %add3A_788 : vector<16xf32> to vector<1x16xf32>
        tpu.vector_store %arg6[%swap3A_789, %swap3A_790], %swap3A_793 {strides = array<i32>} : memref<128x64xf32, #tpu.memory_space<vmem>>, vector<1x16xf32>,
        %multiple_of3A_794 = arith.constant 32 : i32
        %multiple_of3A_795 = tpu.assume_multiple %multiple_of3A_794, 16 : i32
        %get3A_796 = arith.index_cast %add3A_695 : i32 to index
        %get3A_797 = arith.index_cast %multiple_of3A_795 : i32 to index
        %get3A_798 = tpu.vector_load %arg4[%get3A_796, %get3A_797] {strides = array<i32>} : memref<128x64xf32, #tpu.memory_space<vmem>>, vector<1x16xf32>,
        %get3A_799 = vector.shape_cast %get3A_798 : vector<1x16xf32> to vector<16xf32>
        %gt3A_800 = arith.constant 0.000000e+00 : f32
        %gt3A_801 = vector.broadcast %gt3A_800 : f32 to vector<16xf32>
        %gt3A_802 = arith.cmpf ogt, %get3A_799, %gt3A_801 : vector<16xf32>
        %jit3A_803 = arith.constant 0.649641513 : f32
        %jit3A_804 = arith.constant -0.649641513 : f32
        %broadcast_in_dim3A_805 = vector.broadcast %jit3A_803 : f32 to vector<16xf32>
        %broadcast_in_dim3A_806 = vector.broadcast %jit3A_804 : f32 to vector<16xf32>
        %select_n3A_807 = arith.select %gt3A_802, %broadcast_in_dim3A_805, %broadcast_in_dim3A_806 : vector<16xi1>, vector<16xf32>
        %gt3A_808 = arith.cmpf ogt, %get3A_799, %select_n3A_807 : vector<16xf32>
        %jit3A_809 = arith.constant 1.28247476 : f32
        %jit3A_810 = arith.constant 0.293893337 : f32
        %broadcast_in_dim3A_811 = vector.broadcast %jit3A_809 : f32 to vector<16xf32>
        %broadcast_in_dim3A_812 = vector.broadcast %jit3A_810 : f32 to vector<16xf32>
        %select_n3A_813 = arith.select %gt3A_808, %broadcast_in_dim3A_811, %broadcast_in_dim3A_812 : vector<16xi1>, vector<16xf32>
        %jit3A_814 = arith.constant -0.293893337 : f32
        %jit3A_815 = arith.constant -1.28247476 : f32
        %broadcast_in_dim3A_816 = vector.broadcast %jit3A_814 : f32 to vector<16xf32>
        %broadcast_in_dim3A_817 = vector.broadcast %jit3A_815 : f32 to vector<16xf32>
        %select_n3A_818 = arith.select %gt3A_808, %broadcast_in_dim3A_816, %broadcast_in_dim3A_817 : vector<16xi1>, vector<16xf32>
        %select_n3A_819 = arith.select %gt3A_802, %select_n3A_813, %select_n3A_818 : vector<16xi1>, vector<16xf32>
        %gt3A_820 = arith.cmpf ogt, %get3A_799, %select_n3A_819 : vector<16xf32>
        %jit3A_821 = arith.constant 1.14285719 : f32
        %jit3A_822 = arith.constant 0.000000e+00 : f32
        %broadcast_in_dim3A_823 = vector.broadcast %jit3A_821 : f32 to vector<16xf32>
        %broadcast_in_dim3A_824 = vector.broadcast %jit3A_822 : f32 to vector<16xf32>
        %select_n3A_825 = arith.select %gt3A_802, %broadcast_in_dim3A_823, %broadcast_in_dim3A_824 : vector<16xi1>, vector<16xf32>
        %jit3A_826 = arith.constant 0.571428597 : f32
        %jit3A_827 = arith.constant 0.000000e+00 : f32
        %broadcast_in_dim3A_828 = vector.broadcast %jit3A_826 : f32 to vector<16xf32>
        %broadcast_in_dim3A_829 = vector.broadcast %jit3A_827 : f32 to vector<16xf32>
        %select_n3A_830 = arith.select %gt3A_808, %broadcast_in_dim3A_828, %broadcast_in_dim3A_829 : vector<16xi1>, vector<16xf32>
        %add3A_831 = arith.addf %select_n3A_825, %select_n3A_830 : vector<16xf32>
        %jit3A_832 = arith.constant -0.714285731 : f32
        %jit3A_833 = arith.constant -1.000000e+00 : f32
        %broadcast_in_dim3A_834 = vector.broadcast %jit3A_832 : f32 to vector<16xf32>
        %broadcast_in_dim3A_835 = vector.broadcast %jit3A_833 : f32 to vector<16xf32>
        %select_n3A_836 = arith.select %gt3A_820, %broadcast_in_dim3A_834, %broadcast_in_dim3A_835 : vector<16xi1>, vector<16xf32>
        %add3A_837 = arith.addf %add3A_831, %select_n3A_836 : vector<16xf32>
        %swap3A_838 = arith.index_cast %add3A_695 : i32 to index
        %swap3A_839 = arith.index_cast %multiple_of3A_795 : i32 to index
        %swap3A_840 = tpu.vector_load %arg6[%swap3A_838, %swap3A_839] {strides = array<i32>} : memref<128x64xf32, #tpu.memory_space<vmem>>, vector<1x16xf32>,
        %swap3A_841 = vector.shape_cast %swap3A_840 : vector<1x16xf32> to vector<16xf32>
        %swap3A_842 = vector.shape_cast %add3A_837 : vector<16xf32> to vector<1x16xf32>
        tpu.vector_store %arg6[%swap3A_838, %swap3A_839], %swap3A_842 {strides = array<i32>} : memref<128x64xf32, #tpu.memory_space<vmem>>, vector<1x16xf32>,
        %multiple_of3A_843 = arith.constant 48 : i32
        %multiple_of3A_844 = tpu.assume_multiple %multiple_of3A_843, 16 : i32
        %get3A_845 = arith.index_cast %add3A_695 : i32 to index
        %get3A_846 = arith.index_cast %multiple_of3A_844 : i32 to index
        %get3A_847 = tpu.vector_load %arg4[%get3A_845, %get3A_846] {strides = array<i32>} : memref<128x64xf32, #tpu.memory_space<vmem>>, vector<1x16xf32>,
        %get3A_848 = vector.shape_cast %get3A_847 : vector<1x16xf32> to vector<16xf32>
        %gt3A_849 = arith.constant 0.000000e+00 : f32
        %gt3A_850 = vector.broadcast %gt3A_849 : f32 to vector<16xf32>
        %gt3A_851 = arith.cmpf ogt, %get3A_848, %gt3A_850 : vector<16xf32>
        %jit3A_852 = arith.constant 0.649641513 : f32
        %jit3A_853 = arith.constant -0.649641513 : f32
        %broadcast_in_dim3A_854 = vector.broadcast %jit3A_852 : f32 to vector<16xf32>
        %broadcast_in_dim3A_855 = vector.broadcast %jit3A_853 : f32 to vector<16xf32>
        %select_n3A_856 = arith.select %gt3A_851, %broadcast_in_dim3A_854, %broadcast_in_dim3A_855 : vector<16xi1>, vector<16xf32>
        %gt3A_857 = arith.cmpf ogt, %get3A_848, %select_n3A_856 : vector<16xf32>
        %jit3A_858 = arith.constant 1.28247476 : f32
        %jit3A_859 = arith.constant 0.293893337 : f32
        %broadcast_in_dim3A_860 = vector.broadcast %jit3A_858 : f32 to vector<16xf32>
        %broadcast_in_dim3A_861 = vector.broadcast %jit3A_859 : f32 to vector<16xf32>
        %select_n3A_862 = arith.select %gt3A_857, %broadcast_in_dim3A_860, %broadcast_in_dim3A_861 : vector<16xi1>, vector<16xf32>
        %jit3A_863 = arith.constant -0.293893337 : f32
        %jit3A_864 = arith.constant -1.28247476 : f32
        %broadcast_in_dim3A_865 = vector.broadcast %jit3A_863 : f32 to vector<16xf32>
        %broadcast_in_dim3A_866 = vector.broadcast %jit3A_864 : f32 to vector<16xf32>
        %select_n3A_867 = arith.select %gt3A_857, %broadcast_in_dim3A_865, %broadcast_in_dim3A_866 : vector<16xi1>, vector<16xf32>
        %select_n3A_868 = arith.select %gt3A_851, %select_n3A_862, %select_n3A_867 : vector<16xi1>, vector<16xf32>
        %gt3A_869 = arith.cmpf ogt, %get3A_848, %select_n3A_868 : vector<16xf32>
        %jit3A_870 = arith.constant 1.14285719 : f32
        %jit3A_871 = arith.constant 0.000000e+00 : f32
        %broadcast_in_dim3A_872 = vector.broadcast %jit3A_870 : f32 to vector<16xf32>
        %broadcast_in_dim3A_873 = vector.broadcast %jit3A_871 : f32 to vector<16xf32>
        %select_n3A_874 = arith.select %gt3A_851, %broadcast_in_dim3A_872, %broadcast_in_dim3A_873 : vector<16xi1>, vector<16xf32>
        %jit3A_875 = arith.constant 0.571428597 : f32
        %jit3A_876 = arith.constant 0.000000e+00 : f32
        %broadcast_in_dim3A_877 = vector.broadcast %jit3A_875 : f32 to vector<16xf32>
        %broadcast_in_dim3A_878 = vector.broadcast %jit3A_876 : f32 to vector<16xf32>
        %select_n3A_879 = arith.select %gt3A_857, %broadcast_in_dim3A_877, %broadcast_in_dim3A_878 : vector<16xi1>, vector<16xf32>
        %add3A_880 = arith.addf %select_n3A_874, %select_n3A_879 : vector<16xf32>
        %jit3A_881 = arith.constant -0.714285731 : f32
        %jit3A_882 = arith.constant -1.000000e+00 : f32
        %broadcast_in_dim3A_883 = vector.broadcast %jit3A_881 : f32 to vector<16xf32>
        %broadcast_in_dim3A_884 = vector.broadcast %jit3A_882 : f32 to vector<16xf32>
        %select_n3A_885 = arith.select %gt3A_869, %broadcast_in_dim3A_883, %broadcast_in_dim3A_884 : vector<16xi1>, vector<16xf32>
        %add3A_886 = arith.addf %add3A_880, %select_n3A_885 : vector<16xf32>
        %swap3A_887 = arith.index_cast %add3A_695 : i32 to index
        %swap3A_888 = arith.index_cast %multiple_of3A_844 : i32 to index
        %swap3A_889 = tpu.vector_load %arg6[%swap3A_887, %swap3A_888] {strides = array<i32>} : memref<128x64xf32, #tpu.memory_space<vmem>>, vector<1x16xf32>,
        %swap3A_890 = vector.shape_cast %swap3A_889 : vector<1x16xf32> to vector<16xf32>
        %swap3A_891 = vector.shape_cast %add3A_886 : vector<16xf32> to vector<1x16xf32>
        tpu.vector_store %arg6[%swap3A_887, %swap3A_888], %swap3A_891 {strides = array<i32>} : memref<128x64xf32, #tpu.memory_space<vmem>>, vector<1x16xf32>,
      }
      %scan3A_49 = arith.constant 32 : i32
      %add3A_50 = arith.constant 0 : i32
      %add3A_51 = arith.addi %mul3A_32, %add3A_50 : i32
      %mul3A_52 = arith.constant 128 : i32
      %mul3A_53 = arith.muli %add3A_51, %mul3A_52 : i32
      %add3A_54 = arith.addi %mul3A_2, %mul3A_53 : i32
      %dma_start3A_55 = arith.constant 0 : i32
      %dma_start3A_56 = tpu.memref_slice %arg3[%add3A_54, %dma_start3A_55] : memref<32768x64xf32, #tpu.memory_space<hbm>> -> memref<128x64xf32, #tpu.memory_space<hbm>>
      %dma_start3A_57 = arith.constant 0 : i32
      %dma_start3A_58 = tpu.memref_slice %arg3[%add3A_54, %dma_start3A_57] : memref<32768x64xf32, #tpu.memory_space<hbm>> -> memref<128x64xf32, #tpu.memory_space<hbm>>
      tpu.enqueue_dma source(%arg6 : memref<128x64xf32, #tpu.memory_space<vmem>>) target(%dma_start3A_58 : memref<128x64xf32, #tpu.memory_space<hbm>>) target_semaphore(%arg10 : memref<!tpu.dma_semaphore, #tpu.memory_space<semaphore_mem>>)
      %lt3A = arith.constant 3 : i32
      %lt3A_59 = arith.cmpi slt, %scan3A_30, %lt3A : i32
      %convert_element_type3A_60 = arith.extui %lt3A_59 : i1 to i32
      %cond3A_61 = arith.constant 0 : i32
      %cond3A_62 = arith.cmpi ne, %convert_element_type3A_60, %cond3A_61 : i32
      scf.if %cond3A_62 {
        %add3A_97 = arith.constant 0 : i32
        %add3A_98 = arith.addi %mul3A_32, %add3A_97 : i32
        %add3A_99 = arith.constant 2 : i32
        %add3A_100 = arith.addi %add3A_98, %add3A_99 : i32
        %mul3A_101 = arith.constant 128 : i32
        %mul3A_102 = arith.muli %add3A_100, %mul3A_101 : i32
        %add3A_103 = arith.addi %mul3A_2, %mul3A_102 : i32
        %dma_start3A_104 = arith.constant 0 : i32
        %dma_start3A_105 = tpu.memref_slice %arg2[%add3A_103, %dma_start3A_104] : memref<32768x64xf32, #tpu.memory_space<hbm>> -> memref<128x64xf32, #tpu.memory_space<hbm>>
        %dma_start3A_106 = arith.constant 0 : i32
        %dma_start3A_107 = tpu.memref_slice %arg2[%add3A_103, %dma_start3A_106] : memref<32768x64xf32, #tpu.memory_space<hbm>> -> memref<128x64xf32, #tpu.memory_space<hbm>>
        tpu.enqueue_dma source(%dma_start3A_107 : memref<128x64xf32, #tpu.memory_space<hbm>>) target(%arg4 : memref<128x64xf32, #tpu.memory_space<vmem>>) target_semaphore(%arg8 : memref<!tpu.dma_semaphore, #tpu.memory_space<semaphore_mem>>)
      } else {
      }
      %add3A_63 = arith.constant 1 : i32
      %add3A_64 = arith.addi %mul3A_32, %add3A_63 : i32
      %mul3A_65 = arith.constant 128 : i32
      %mul3A_66 = arith.muli %add3A_64, %mul3A_65 : i32
      %add3A_67 = arith.addi %mul3A_2, %mul3A_66 : i32
      %dma_wait3A_68 = arith.constant 0 : i32
      %dma_wait3A_69 = tpu.memref_slice %arg2[%add3A_67, %dma_wait3A_68] : memref<32768x64xf32, #tpu.memory_space<hbm>> -> memref<128x64xf32, #tpu.memory_space<hbm>>
      %dma_wait3A_70 = arith.constant 0 : i32
      %dma_wait3A_71 = tpu.memref_slice %arg2[%add3A_67, %dma_wait3A_70] : memref<32768x64xf32, #tpu.memory_space<hbm>> -> memref<128x64xf32, #tpu.memory_space<hbm>>
      tpu.wait_dma2 semaphore(%arg9 : memref<!tpu.dma_semaphore, #tpu.memory_space<semaphore_mem>>) src(%dma_wait3A_71 : memref<128x64xf32, #tpu.memory_space<hbm>>) dst(%arg5 : memref<128x64xf32, #tpu.memory_space<vmem>>)
      %gt3A_72 = arith.constant 0 : i32
      %gt3A_73 = arith.cmpi sgt, %scan3A_30, %gt3A_72 : i32
      %convert_element_type3A_74 = arith.extui %gt3A_73 : i1 to i32
      %cond3A_75 = arith.constant 0 : i32
      %cond3A_76 = arith.cmpi ne, %convert_element_type3A_74, %cond3A_75 : i32
      scf.if %cond3A_76 {
        %add3A_97 = arith.constant 1 : i32
        %add3A_98 = arith.addi %mul3A_32, %add3A_97 : i32
        %sub3A = arith.constant 2 : i32
        %sub3A_99 = arith.subi %add3A_98, %sub3A : i32
        %mul3A_100 = arith.constant 128 : i32
        %mul3A_101 = arith.muli %sub3A_99, %mul3A_100 : i32
        %add3A_102 = arith.addi %mul3A_2, %mul3A_101 : i32
        %dma_wait3A_103 = arith.constant 0 : i32
        %dma_wait3A_104 = tpu.memref_slice %arg3[%add3A_102, %dma_wait3A_103] : memref<32768x64xf32, #tpu.memory_space<hbm>> -> memref<128x64xf32, #tpu.memory_space<hbm>>
        %dma_wait3A_105 = arith.constant 0 : i32
        %dma_wait3A_106 = tpu.memref_slice %arg3[%add3A_102, %dma_wait3A_105] : memref<32768x64xf32, #tpu.memory_space<hbm>> -> memref<128x64xf32, #tpu.memory_space<hbm>>
        tpu.wait_dma2 semaphore(%arg11 : memref<!tpu.dma_semaphore, #tpu.memory_space<semaphore_mem>>) src(%arg7 : memref<128x64xf32, #tpu.memory_space<vmem>>) dst(%dma_wait3A_106 : memref<128x64xf32, #tpu.memory_space<hbm>>)
      } else {
      }
      %scan3A_77 = arith.constant 0 : i32
      %scan3A_78 = arith.constant 0 : i32
      %scan3A_79 = arith.constant 32 : i32
      %scan3A_80 = arith.addi %scan3A_78, %scan3A_79 : i32
      %scan3A_81 = arith.constant 1 : i32
      scf.for %scan3A_97 = %scan3A_78 to %scan3A_80 step %scan3A_81  : i32 {
        %mul3A_98 = arith.constant 4 : i32
        %mul3A_99 = arith.muli %scan3A_97, %mul3A_98 : i32
        %add3A_100 = arith.constant 0 : i32
        %add3A_101 = arith.addi %mul3A_99, %add3A_100 : i32
        %multiple_of3A = arith.constant 0 : i32
        %multiple_of3A_102 = tpu.assume_multiple %multiple_of3A, 16 : i32
        %get3A = arith.index_cast %add3A_101 : i32 to index
        %get3A_103 = arith.index_cast %multiple_of3A_102 : i32 to index
        %get3A_104 = tpu.vector_load %arg5[%get3A, %get3A_103] {strides = array<i32>} : memref<128x64xf32, #tpu.memory_space<vmem>>, vector<1x16xf32>,
        %get3A_105 = vector.shape_cast %get3A_104 : vector<1x16xf32> to vector<16xf32>
        %gt3A_106 = arith.constant 0.000000e+00 : f32
        %gt3A_107 = vector.broadcast %gt3A_106 : f32 to vector<16xf32>
        %gt3A_108 = arith.cmpf ogt, %get3A_105, %gt3A_107 : vector<16xf32>
        %jit3A = arith.constant 0.649641513 : f32
        %jit3A_109 = arith.constant -0.649641513 : f32
        %broadcast_in_dim3A = vector.broadcast %jit3A : f32 to vector<16xf32>
        %broadcast_in_dim3A_110 = vector.broadcast %jit3A_109 : f32 to vector<16xf32>
        %select_n3A = arith.select %gt3A_108, %broadcast_in_dim3A, %broadcast_in_dim3A_110 : vector<16xi1>, vector<16xf32>
        %gt3A_111 = arith.cmpf ogt, %get3A_105, %select_n3A : vector<16xf32>
        %jit3A_112 = arith.constant 1.28247476 : f32
        %jit3A_113 = arith.constant 0.293893337 : f32
        %broadcast_in_dim3A_114 = vector.broadcast %jit3A_112 : f32 to vector<16xf32>
        %broadcast_in_dim3A_115 = vector.broadcast %jit3A_113 : f32 to vector<16xf32>
        %select_n3A_116 = arith.select %gt3A_111, %broadcast_in_dim3A_114, %broadcast_in_dim3A_115 : vector<16xi1>, vector<16xf32>
        %jit3A_117 = arith.constant -0.293893337 : f32
        %jit3A_118 = arith.constant -1.28247476 : f32
        %broadcast_in_dim3A_119 = vector.broadcast %jit3A_117 : f32 to vector<16xf32>
        %broadcast_in_dim3A_120 = vector.broadcast %jit3A_118 : f32 to vector<16xf32>
        %select_n3A_121 = arith.select %gt3A_111, %broadcast_in_dim3A_119, %broadcast_in_dim3A_120 : vector<16xi1>, vector<16xf32>
        %select_n3A_122 = arith.select %gt3A_108, %select_n3A_116, %select_n3A_121 : vector<16xi1>, vector<16xf32>
        %gt3A_123 = arith.cmpf ogt, %get3A_105, %select_n3A_122 : vector<16xf32>
        %jit3A_124 = arith.constant 1.14285719 : f32
        %jit3A_125 = arith.constant 0.000000e+00 : f32
        %broadcast_in_dim3A_126 = vector.broadcast %jit3A_124 : f32 to vector<16xf32>
        %broadcast_in_dim3A_127 = vector.broadcast %jit3A_125 : f32 to vector<16xf32>
        %select_n3A_128 = arith.select %gt3A_108, %broadcast_in_dim3A_126, %broadcast_in_dim3A_127 : vector<16xi1>, vector<16xf32>
        %jit3A_129 = arith.constant 0.571428597 : f32
        %jit3A_130 = arith.constant 0.000000e+00 : f32
        %broadcast_in_dim3A_131 = vector.broadcast %jit3A_129 : f32 to vector<16xf32>
        %broadcast_in_dim3A_132 = vector.broadcast %jit3A_130 : f32 to vector<16xf32>
        %select_n3A_133 = arith.select %gt3A_111, %broadcast_in_dim3A_131, %broadcast_in_dim3A_132 : vector<16xi1>, vector<16xf32>
        %add3A_134 = arith.addf %select_n3A_128, %select_n3A_133 : vector<16xf32>
        %jit3A_135 = arith.constant -0.714285731 : f32
        %jit3A_136 = arith.constant -1.000000e+00 : f32
        %broadcast_in_dim3A_137 = vector.broadcast %jit3A_135 : f32 to vector<16xf32>
        %broadcast_in_dim3A_138 = vector.broadcast %jit3A_136 : f32 to vector<16xf32>
        %select_n3A_139 = arith.select %gt3A_123, %broadcast_in_dim3A_137, %broadcast_in_dim3A_138 : vector<16xi1>, vector<16xf32>
        %add3A_140 = arith.addf %add3A_134, %select_n3A_139 : vector<16xf32>
        %swap3A = arith.index_cast %add3A_101 : i32 to index
        %swap3A_141 = arith.index_cast %multiple_of3A_102 : i32 to index
        %swap3A_142 = tpu.vector_load %arg7[%swap3A, %swap3A_141] {strides = array<i32>} : memref<128x64xf32, #tpu.memory_space<vmem>>, vector<1x16xf32>,
        %swap3A_143 = vector.shape_cast %swap3A_142 : vector<1x16xf32> to vector<16xf32>
        %swap3A_144 = vector.shape_cast %add3A_140 : vector<16xf32> to vector<1x16xf32>
        tpu.vector_store %arg7[%swap3A, %swap3A_141], %swap3A_144 {strides = array<i32>} : memref<128x64xf32, #tpu.memory_space<vmem>>, vector<1x16xf32>,
        %multiple_of3A_145 = arith.constant 16 : i32
        %multiple_of3A_146 = tpu.assume_multiple %multiple_of3A_145, 16 : i32
        %get3A_147 = arith.index_cast %add3A_101 : i32 to index
        %get3A_148 = arith.index_cast %multiple_of3A_146 : i32 to index
        %get3A_149 = tpu.vector_load %arg5[%get3A_147, %get3A_148] {strides = array<i32>} : memref<128x64xf32, #tpu.memory_space<vmem>>, vector<1x16xf32>,
        %get3A_150 = vector.shape_cast %get3A_149 : vector<1x16xf32> to vector<16xf32>
        %gt3A_151 = arith.constant 0.000000e+00 : f32
        %gt3A_152 = vector.broadcast %gt3A_151 : f32 to vector<16xf32>
        %gt3A_153 = arith.cmpf ogt, %get3A_150, %gt3A_152 : vector<16xf32>
        %jit3A_154 = arith.constant 0.649641513 : f32
        %jit3A_155 = arith.constant -0.649641513 : f32
        %broadcast_in_dim3A_156 = vector.broadcast %jit3A_154 : f32 to vector<16xf32>
        %broadcast_in_dim3A_157 = vector.broadcast %jit3A_155 : f32 to vector<16xf32>
        %select_n3A_158 = arith.select %gt3A_153, %broadcast_in_dim3A_156, %broadcast_in_dim3A_157 : vector<16xi1>, vector<16xf32>
        %gt3A_159 = arith.cmpf ogt, %get3A_150, %select_n3A_158 : vector<16xf32>
        %jit3A_160 = arith.constant 1.28247476 : f32
        %jit3A_161 = arith.constant 0.293893337 : f32
        %broadcast_in_dim3A_162 = vector.broadcast %jit3A_160 : f32 to vector<16xf32>
        %broadcast_in_dim3A_163 = vector.broadcast %jit3A_161 : f32 to vector<16xf32>
        %select_n3A_164 = arith.select %gt3A_159, %broadcast_in_dim3A_162, %broadcast_in_dim3A_163 : vector<16xi1>, vector<16xf32>
        %jit3A_165 = arith.constant -0.293893337 : f32
        %jit3A_166 = arith.constant -1.28247476 : f32
        %broadcast_in_dim3A_167 = vector.broadcast %jit3A_165 : f32 to vector<16xf32>
        %broadcast_in_dim3A_168 = vector.broadcast %jit3A_166 : f32 to vector<16xf32>
        %select_n3A_169 = arith.select %gt3A_159, %broadcast_in_dim3A_167, %broadcast_in_dim3A_168 : vector<16xi1>, vector<16xf32>
        %select_n3A_170 = arith.select %gt3A_153, %select_n3A_164, %select_n3A_169 : vector<16xi1>, vector<16xf32>
        %gt3A_171 = arith.cmpf ogt, %get3A_150, %select_n3A_170 : vector<16xf32>
        %jit3A_172 = arith.constant 1.14285719 : f32
        %jit3A_173 = arith.constant 0.000000e+00 : f32
        %broadcast_in_dim3A_174 = vector.broadcast %jit3A_172 : f32 to vector<16xf32>
        %broadcast_in_dim3A_175 = vector.broadcast %jit3A_173 : f32 to vector<16xf32>
        %select_n3A_176 = arith.select %gt3A_153, %broadcast_in_dim3A_174, %broadcast_in_dim3A_175 : vector<16xi1>, vector<16xf32>
        %jit3A_177 = arith.constant 0.571428597 : f32
        %jit3A_178 = arith.constant 0.000000e+00 : f32
        %broadcast_in_dim3A_179 = vector.broadcast %jit3A_177 : f32 to vector<16xf32>
        %broadcast_in_dim3A_180 = vector.broadcast %jit3A_178 : f32 to vector<16xf32>
        %select_n3A_181 = arith.select %gt3A_159, %broadcast_in_dim3A_179, %broadcast_in_dim3A_180 : vector<16xi1>, vector<16xf32>
        %add3A_182 = arith.addf %select_n3A_176, %select_n3A_181 : vector<16xf32>
        %jit3A_183 = arith.constant -0.714285731 : f32
        %jit3A_184 = arith.constant -1.000000e+00 : f32
        %broadcast_in_dim3A_185 = vector.broadcast %jit3A_183 : f32 to vector<16xf32>
        %broadcast_in_dim3A_186 = vector.broadcast %jit3A_184 : f32 to vector<16xf32>
        %select_n3A_187 = arith.select %gt3A_171, %broadcast_in_dim3A_185, %broadcast_in_dim3A_186 : vector<16xi1>, vector<16xf32>
        %add3A_188 = arith.addf %add3A_182, %select_n3A_187 : vector<16xf32>
        %swap3A_189 = arith.index_cast %add3A_101 : i32 to index
        %swap3A_190 = arith.index_cast %multiple_of3A_146 : i32 to index
        %swap3A_191 = tpu.vector_load %arg7[%swap3A_189, %swap3A_190] {strides = array<i32>} : memref<128x64xf32, #tpu.memory_space<vmem>>, vector<1x16xf32>,
        %swap3A_192 = vector.shape_cast %swap3A_191 : vector<1x16xf32> to vector<16xf32>
        %swap3A_193 = vector.shape_cast %add3A_188 : vector<16xf32> to vector<1x16xf32>
        tpu.vector_store %arg7[%swap3A_189, %swap3A_190], %swap3A_193 {strides = array<i32>} : memref<128x64xf32, #tpu.memory_space<vmem>>, vector<1x16xf32>,
        %multiple_of3A_194 = arith.constant 32 : i32
        %multiple_of3A_195 = tpu.assume_multiple %multiple_of3A_194, 16 : i32
        %get3A_196 = arith.index_cast %add3A_101 : i32 to index
        %get3A_197 = arith.index_cast %multiple_of3A_195 : i32 to index
        %get3A_198 = tpu.vector_load %arg5[%get3A_196, %get3A_197] {strides = array<i32>} : memref<128x64xf32, #tpu.memory_space<vmem>>, vector<1x16xf32>,
        %get3A_199 = vector.shape_cast %get3A_198 : vector<1x16xf32> to vector<16xf32>
        %gt3A_200 = arith.constant 0.000000e+00 : f32
        %gt3A_201 = vector.broadcast %gt3A_200 : f32 to vector<16xf32>
        %gt3A_202 = arith.cmpf ogt, %get3A_199, %gt3A_201 : vector<16xf32>
        %jit3A_203 = arith.constant 0.649641513 : f32
        %jit3A_204 = arith.constant -0.649641513 : f32
        %broadcast_in_dim3A_205 = vector.broadcast %jit3A_203 : f32 to vector<16xf32>
        %broadcast_in_dim3A_206 = vector.broadcast %jit3A_204 : f32 to vector<16xf32>
        %select_n3A_207 = arith.select %gt3A_202, %broadcast_in_dim3A_205, %broadcast_in_dim3A_206 : vector<16xi1>, vector<16xf32>
        %gt3A_208 = arith.cmpf ogt, %get3A_199, %select_n3A_207 : vector<16xf32>
        %jit3A_209 = arith.constant 1.28247476 : f32
        %jit3A_210 = arith.constant 0.293893337 : f32
        %broadcast_in_dim3A_211 = vector.broadcast %jit3A_209 : f32 to vector<16xf32>
        %broadcast_in_dim3A_212 = vector.broadcast %jit3A_210 : f32 to vector<16xf32>
        %select_n3A_213 = arith.select %gt3A_208, %broadcast_in_dim3A_211, %broadcast_in_dim3A_212 : vector<16xi1>, vector<16xf32>
        %jit3A_214 = arith.constant -0.293893337 : f32
        %jit3A_215 = arith.constant -1.28247476 : f32
        %broadcast_in_dim3A_216 = vector.broadcast %jit3A_214 : f32 to vector<16xf32>
        %broadcast_in_dim3A_217 = vector.broadcast %jit3A_215 : f32 to vector<16xf32>
        %select_n3A_218 = arith.select %gt3A_208, %broadcast_in_dim3A_216, %broadcast_in_dim3A_217 : vector<16xi1>, vector<16xf32>
        %select_n3A_219 = arith.select %gt3A_202, %select_n3A_213, %select_n3A_218 : vector<16xi1>, vector<16xf32>
        %gt3A_220 = arith.cmpf ogt, %get3A_199, %select_n3A_219 : vector<16xf32>
        %jit3A_221 = arith.constant 1.14285719 : f32
        %jit3A_222 = arith.constant 0.000000e+00 : f32
        %broadcast_in_dim3A_223 = vector.broadcast %jit3A_221 : f32 to vector<16xf32>
        %broadcast_in_dim3A_224 = vector.broadcast %jit3A_222 : f32 to vector<16xf32>
        %select_n3A_225 = arith.select %gt3A_202, %broadcast_in_dim3A_223, %broadcast_in_dim3A_224 : vector<16xi1>, vector<16xf32>
        %jit3A_226 = arith.constant 0.571428597 : f32
        %jit3A_227 = arith.constant 0.000000e+00 : f32
        %broadcast_in_dim3A_228 = vector.broadcast %jit3A_226 : f32 to vector<16xf32>
        %broadcast_in_dim3A_229 = vector.broadcast %jit3A_227 : f32 to vector<16xf32>
        %select_n3A_230 = arith.select %gt3A_208, %broadcast_in_dim3A_228, %broadcast_in_dim3A_229 : vector<16xi1>, vector<16xf32>
        %add3A_231 = arith.addf %select_n3A_225, %select_n3A_230 : vector<16xf32>
        %jit3A_232 = arith.constant -0.714285731 : f32
        %jit3A_233 = arith.constant -1.000000e+00 : f32
        %broadcast_in_dim3A_234 = vector.broadcast %jit3A_232 : f32 to vector<16xf32>
        %broadcast_in_dim3A_235 = vector.broadcast %jit3A_233 : f32 to vector<16xf32>
        %select_n3A_236 = arith.select %gt3A_220, %broadcast_in_dim3A_234, %broadcast_in_dim3A_235 : vector<16xi1>, vector<16xf32>
        %add3A_237 = arith.addf %add3A_231, %select_n3A_236 : vector<16xf32>
        %swap3A_238 = arith.index_cast %add3A_101 : i32 to index
        %swap3A_239 = arith.index_cast %multiple_of3A_195 : i32 to index
        %swap3A_240 = tpu.vector_load %arg7[%swap3A_238, %swap3A_239] {strides = array<i32>} : memref<128x64xf32, #tpu.memory_space<vmem>>, vector<1x16xf32>,
        %swap3A_241 = vector.shape_cast %swap3A_240 : vector<1x16xf32> to vector<16xf32>
        %swap3A_242 = vector.shape_cast %add3A_237 : vector<16xf32> to vector<1x16xf32>
        tpu.vector_store %arg7[%swap3A_238, %swap3A_239], %swap3A_242 {strides = array<i32>} : memref<128x64xf32, #tpu.memory_space<vmem>>, vector<1x16xf32>,
        %multiple_of3A_243 = arith.constant 48 : i32
        %multiple_of3A_244 = tpu.assume_multiple %multiple_of3A_243, 16 : i32
        %get3A_245 = arith.index_cast %add3A_101 : i32 to index
        %get3A_246 = arith.index_cast %multiple_of3A_244 : i32 to index
        %get3A_247 = tpu.vector_load %arg5[%get3A_245, %get3A_246] {strides = array<i32>} : memref<128x64xf32, #tpu.memory_space<vmem>>, vector<1x16xf32>,
        %get3A_248 = vector.shape_cast %get3A_247 : vector<1x16xf32> to vector<16xf32>
        %gt3A_249 = arith.constant 0.000000e+00 : f32
        %gt3A_250 = vector.broadcast %gt3A_249 : f32 to vector<16xf32>
        %gt3A_251 = arith.cmpf ogt, %get3A_248, %gt3A_250 : vector<16xf32>
        %jit3A_252 = arith.constant 0.649641513 : f32
        %jit3A_253 = arith.constant -0.649641513 : f32
        %broadcast_in_dim3A_254 = vector.broadcast %jit3A_252 : f32 to vector<16xf32>
        %broadcast_in_dim3A_255 = vector.broadcast %jit3A_253 : f32 to vector<16xf32>
        %select_n3A_256 = arith.select %gt3A_251, %broadcast_in_dim3A_254, %broadcast_in_dim3A_255 : vector<16xi1>, vector<16xf32>
        %gt3A_257 = arith.cmpf ogt, %get3A_248, %select_n3A_256 : vector<16xf32>
        %jit3A_258 = arith.constant 1.28247476 : f32
        %jit3A_259 = arith.constant 0.293893337 : f32
        %broadcast_in_dim3A_260 = vector.broadcast %jit3A_258 : f32 to vector<16xf32>
        %broadcast_in_dim3A_261 = vector.broadcast %jit3A_259 : f32 to vector<16xf32>
        %select_n3A_262 = arith.select %gt3A_257, %broadcast_in_dim3A_260, %broadcast_in_dim3A_261 : vector<16xi1>, vector<16xf32>
        %jit3A_263 = arith.constant -0.293893337 : f32
        %jit3A_264 = arith.constant -1.28247476 : f32
        %broadcast_in_dim3A_265 = vector.broadcast %jit3A_263 : f32 to vector<16xf32>
        %broadcast_in_dim3A_266 = vector.broadcast %jit3A_264 : f32 to vector<16xf32>
        %select_n3A_267 = arith.select %gt3A_257, %broadcast_in_dim3A_265, %broadcast_in_dim3A_266 : vector<16xi1>, vector<16xf32>
        %select_n3A_268 = arith.select %gt3A_251, %select_n3A_262, %select_n3A_267 : vector<16xi1>, vector<16xf32>
        %gt3A_269 = arith.cmpf ogt, %get3A_248, %select_n3A_268 : vector<16xf32>
        %jit3A_270 = arith.constant 1.14285719 : f32
        %jit3A_271 = arith.constant 0.000000e+00 : f32
        %broadcast_in_dim3A_272 = vector.broadcast %jit3A_270 : f32 to vector<16xf32>
        %broadcast_in_dim3A_273 = vector.broadcast %jit3A_271 : f32 to vector<16xf32>
        %select_n3A_274 = arith.select %gt3A_251, %broadcast_in_dim3A_272, %broadcast_in_dim3A_273 : vector<16xi1>, vector<16xf32>
        %jit3A_275 = arith.constant 0.571428597 : f32
        %jit3A_276 = arith.constant 0.000000e+00 : f32
        %broadcast_in_dim3A_277 = vector.broadcast %jit3A_275 : f32 to vector<16xf32>
        %broadcast_in_dim3A_278 = vector.broadcast %jit3A_276 : f32 to vector<16xf32>
        %select_n3A_279 = arith.select %gt3A_257, %broadcast_in_dim3A_277, %broadcast_in_dim3A_278 : vector<16xi1>, vector<16xf32>
        %add3A_280 = arith.addf %select_n3A_274, %select_n3A_279 : vector<16xf32>
        %jit3A_281 = arith.constant -0.714285731 : f32
        %jit3A_282 = arith.constant -1.000000e+00 : f32
        %broadcast_in_dim3A_283 = vector.broadcast %jit3A_281 : f32 to vector<16xf32>
        %broadcast_in_dim3A_284 = vector.broadcast %jit3A_282 : f32 to vector<16xf32>
        %select_n3A_285 = arith.select %gt3A_269, %broadcast_in_dim3A_283, %broadcast_in_dim3A_284 : vector<16xi1>, vector<16xf32>
        %add3A_286 = arith.addf %add3A_280, %select_n3A_285 : vector<16xf32>
        %swap3A_287 = arith.index_cast %add3A_101 : i32 to index
        %swap3A_288 = arith.index_cast %multiple_of3A_244 : i32 to index
        %swap3A_289 = tpu.vector_load %arg7[%swap3A_287, %swap3A_288] {strides = array<i32>} : memref<128x64xf32, #tpu.memory_space<vmem>>, vector<1x16xf32>,
        %swap3A_290 = vector.shape_cast %swap3A_289 : vector<1x16xf32> to vector<16xf32>
        %swap3A_291 = vector.shape_cast %add3A_286 : vector<16xf32> to vector<1x16xf32>
        tpu.vector_store %arg7[%swap3A_287, %swap3A_288], %swap3A_291 {strides = array<i32>} : memref<128x64xf32, #tpu.memory_space<vmem>>, vector<1x16xf32>,
        %mul3A_292 = arith.constant 4 : i32
        %mul3A_293 = arith.muli %scan3A_97, %mul3A_292 : i32
        %add3A_294 = arith.constant 1 : i32
        %add3A_295 = arith.addi %mul3A_293, %add3A_294 : i32
        %multiple_of3A_296 = arith.constant 0 : i32
        %multiple_of3A_297 = tpu.assume_multiple %multiple_of3A_296, 16 : i32
        %get3A_298 = arith.index_cast %add3A_295 : i32 to index
        %get3A_299 = arith.index_cast %multiple_of3A_297 : i32 to index
        %get3A_300 = tpu.vector_load %arg5[%get3A_298, %get3A_299] {strides = array<i32>} : memref<128x64xf32, #tpu.memory_space<vmem>>, vector<1x16xf32>,
        %get3A_301 = vector.shape_cast %get3A_300 : vector<1x16xf32> to vector<16xf32>
        %gt3A_302 = arith.constant 0.000000e+00 : f32
        %gt3A_303 = vector.broadcast %gt3A_302 : f32 to vector<16xf32>
        %gt3A_304 = arith.cmpf ogt, %get3A_301, %gt3A_303 : vector<16xf32>
        %jit3A_305 = arith.constant 0.649641513 : f32
        %jit3A_306 = arith.constant -0.649641513 : f32
        %broadcast_in_dim3A_307 = vector.broadcast %jit3A_305 : f32 to vector<16xf32>
        %broadcast_in_dim3A_308 = vector.broadcast %jit3A_306 : f32 to vector<16xf32>
        %select_n3A_309 = arith.select %gt3A_304, %broadcast_in_dim3A_307, %broadcast_in_dim3A_308 : vector<16xi1>, vector<16xf32>
        %gt3A_310 = arith.cmpf ogt, %get3A_301, %select_n3A_309 : vector<16xf32>
        %jit3A_311 = arith.constant 1.28247476 : f32
        %jit3A_312 = arith.constant 0.293893337 : f32
        %broadcast_in_dim3A_313 = vector.broadcast %jit3A_311 : f32 to vector<16xf32>
        %broadcast_in_dim3A_314 = vector.broadcast %jit3A_312 : f32 to vector<16xf32>
        %select_n3A_315 = arith.select %gt3A_310, %broadcast_in_dim3A_313, %broadcast_in_dim3A_314 : vector<16xi1>, vector<16xf32>
        %jit3A_316 = arith.constant -0.293893337 : f32
        %jit3A_317 = arith.constant -1.28247476 : f32
        %broadcast_in_dim3A_318 = vector.broadcast %jit3A_316 : f32 to vector<16xf32>
        %broadcast_in_dim3A_319 = vector.broadcast %jit3A_317 : f32 to vector<16xf32>
        %select_n3A_320 = arith.select %gt3A_310, %broadcast_in_dim3A_318, %broadcast_in_dim3A_319 : vector<16xi1>, vector<16xf32>
        %select_n3A_321 = arith.select %gt3A_304, %select_n3A_315, %select_n3A_320 : vector<16xi1>, vector<16xf32>
        %gt3A_322 = arith.cmpf ogt, %get3A_301, %select_n3A_321 : vector<16xf32>
        %jit3A_323 = arith.constant 1.14285719 : f32
        %jit3A_324 = arith.constant 0.000000e+00 : f32
        %broadcast_in_dim3A_325 = vector.broadcast %jit3A_323 : f32 to vector<16xf32>
        %broadcast_in_dim3A_326 = vector.broadcast %jit3A_324 : f32 to vector<16xf32>
        %select_n3A_327 = arith.select %gt3A_304, %broadcast_in_dim3A_325, %broadcast_in_dim3A_326 : vector<16xi1>, vector<16xf32>
        %jit3A_328 = arith.constant 0.571428597 : f32
        %jit3A_329 = arith.constant 0.000000e+00 : f32
        %broadcast_in_dim3A_330 = vector.broadcast %jit3A_328 : f32 to vector<16xf32>
        %broadcast_in_dim3A_331 = vector.broadcast %jit3A_329 : f32 to vector<16xf32>
        %select_n3A_332 = arith.select %gt3A_310, %broadcast_in_dim3A_330, %broadcast_in_dim3A_331 : vector<16xi1>, vector<16xf32>
        %add3A_333 = arith.addf %select_n3A_327, %select_n3A_332 : vector<16xf32>
        %jit3A_334 = arith.constant -0.714285731 : f32
        %jit3A_335 = arith.constant -1.000000e+00 : f32
        %broadcast_in_dim3A_336 = vector.broadcast %jit3A_334 : f32 to vector<16xf32>
        %broadcast_in_dim3A_337 = vector.broadcast %jit3A_335 : f32 to vector<16xf32>
        %select_n3A_338 = arith.select %gt3A_322, %broadcast_in_dim3A_336, %broadcast_in_dim3A_337 : vector<16xi1>, vector<16xf32>
        %add3A_339 = arith.addf %add3A_333, %select_n3A_338 : vector<16xf32>
        %swap3A_340 = arith.index_cast %add3A_295 : i32 to index
        %swap3A_341 = arith.index_cast %multiple_of3A_297 : i32 to index
        %swap3A_342 = tpu.vector_load %arg7[%swap3A_340, %swap3A_341] {strides = array<i32>} : memref<128x64xf32, #tpu.memory_space<vmem>>, vector<1x16xf32>,
        %swap3A_343 = vector.shape_cast %swap3A_342 : vector<1x16xf32> to vector<16xf32>
        %swap3A_344 = vector.shape_cast %add3A_339 : vector<16xf32> to vector<1x16xf32>
        tpu.vector_store %arg7[%swap3A_340, %swap3A_341], %swap3A_344 {strides = array<i32>} : memref<128x64xf32, #tpu.memory_space<vmem>>, vector<1x16xf32>,
        %multiple_of3A_345 = arith.constant 16 : i32
        %multiple_of3A_346 = tpu.assume_multiple %multiple_of3A_345, 16 : i32
        %get3A_347 = arith.index_cast %add3A_295 : i32 to index
        %get3A_348 = arith.index_cast %multiple_of3A_346 : i32 to index
        %get3A_349 = tpu.vector_load %arg5[%get3A_347, %get3A_348] {strides = array<i32>} : memref<128x64xf32, #tpu.memory_space<vmem>>, vector<1x16xf32>,
        %get3A_350 = vector.shape_cast %get3A_349 : vector<1x16xf32> to vector<16xf32>
        %gt3A_351 = arith.constant 0.000000e+00 : f32
        %gt3A_352 = vector.broadcast %gt3A_351 : f32 to vector<16xf32>
        %gt3A_353 = arith.cmpf ogt, %get3A_350, %gt3A_352 : vector<16xf32>
        %jit3A_354 = arith.constant 0.649641513 : f32
        %jit3A_355 = arith.constant -0.649641513 : f32
        %broadcast_in_dim3A_356 = vector.broadcast %jit3A_354 : f32 to vector<16xf32>
        %broadcast_in_dim3A_357 = vector.broadcast %jit3A_355 : f32 to vector<16xf32>
        %select_n3A_358 = arith.select %gt3A_353, %broadcast_in_dim3A_356, %broadcast_in_dim3A_357 : vector<16xi1>, vector<16xf32>
        %gt3A_359 = arith.cmpf ogt, %get3A_350, %select_n3A_358 : vector<16xf32>
        %jit3A_360 = arith.constant 1.28247476 : f32
        %jit3A_361 = arith.constant 0.293893337 : f32
        %broadcast_in_dim3A_362 = vector.broadcast %jit3A_360 : f32 to vector<16xf32>
        %broadcast_in_dim3A_363 = vector.broadcast %jit3A_361 : f32 to vector<16xf32>
        %select_n3A_364 = arith.select %gt3A_359, %broadcast_in_dim3A_362, %broadcast_in_dim3A_363 : vector<16xi1>, vector<16xf32>
        %jit3A_365 = arith.constant -0.293893337 : f32
        %jit3A_366 = arith.constant -1.28247476 : f32
        %broadcast_in_dim3A_367 = vector.broadcast %jit3A_365 : f32 to vector<16xf32>
        %broadcast_in_dim3A_368 = vector.broadcast %jit3A_366 : f32 to vector<16xf32>
        %select_n3A_369 = arith.select %gt3A_359, %broadcast_in_dim3A_367, %broadcast_in_dim3A_368 : vector<16xi1>, vector<16xf32>
        %select_n3A_370 = arith.select %gt3A_353, %select_n3A_364, %select_n3A_369 : vector<16xi1>, vector<16xf32>
        %gt3A_371 = arith.cmpf ogt, %get3A_350, %select_n3A_370 : vector<16xf32>
        %jit3A_372 = arith.constant 1.14285719 : f32
        %jit3A_373 = arith.constant 0.000000e+00 : f32
        %broadcast_in_dim3A_374 = vector.broadcast %jit3A_372 : f32 to vector<16xf32>
        %broadcast_in_dim3A_375 = vector.broadcast %jit3A_373 : f32 to vector<16xf32>
        %select_n3A_376 = arith.select %gt3A_353, %broadcast_in_dim3A_374, %broadcast_in_dim3A_375 : vector<16xi1>, vector<16xf32>
        %jit3A_377 = arith.constant 0.571428597 : f32
        %jit3A_378 = arith.constant 0.000000e+00 : f32
        %broadcast_in_dim3A_379 = vector.broadcast %jit3A_377 : f32 to vector<16xf32>
        %broadcast_in_dim3A_380 = vector.broadcast %jit3A_378 : f32 to vector<16xf32>
        %select_n3A_381 = arith.select %gt3A_359, %broadcast_in_dim3A_379, %broadcast_in_dim3A_380 : vector<16xi1>, vector<16xf32>
        %add3A_382 = arith.addf %select_n3A_376, %select_n3A_381 : vector<16xf32>
        %jit3A_383 = arith.constant -0.714285731 : f32
        %jit3A_384 = arith.constant -1.000000e+00 : f32
        %broadcast_in_dim3A_385 = vector.broadcast %jit3A_383 : f32 to vector<16xf32>
        %broadcast_in_dim3A_386 = vector.broadcast %jit3A_384 : f32 to vector<16xf32>
        %select_n3A_387 = arith.select %gt3A_371, %broadcast_in_dim3A_385, %broadcast_in_dim3A_386 : vector<16xi1>, vector<16xf32>
        %add3A_388 = arith.addf %add3A_382, %select_n3A_387 : vector<16xf32>
        %swap3A_389 = arith.index_cast %add3A_295 : i32 to index
        %swap3A_390 = arith.index_cast %multiple_of3A_346 : i32 to index
        %swap3A_391 = tpu.vector_load %arg7[%swap3A_389, %swap3A_390] {strides = array<i32>} : memref<128x64xf32, #tpu.memory_space<vmem>>, vector<1x16xf32>,
        %swap3A_392 = vector.shape_cast %swap3A_391 : vector<1x16xf32> to vector<16xf32>
        %swap3A_393 = vector.shape_cast %add3A_388 : vector<16xf32> to vector<1x16xf32>
        tpu.vector_store %arg7[%swap3A_389, %swap3A_390], %swap3A_393 {strides = array<i32>} : memref<128x64xf32, #tpu.memory_space<vmem>>, vector<1x16xf32>,
        %multiple_of3A_394 = arith.constant 32 : i32
        %multiple_of3A_395 = tpu.assume_multiple %multiple_of3A_394, 16 : i32
        %get3A_396 = arith.index_cast %add3A_295 : i32 to index
        %get3A_397 = arith.index_cast %multiple_of3A_395 : i32 to index
        %get3A_398 = tpu.vector_load %arg5[%get3A_396, %get3A_397] {strides = array<i32>} : memref<128x64xf32, #tpu.memory_space<vmem>>, vector<1x16xf32>,
        %get3A_399 = vector.shape_cast %get3A_398 : vector<1x16xf32> to vector<16xf32>
        %gt3A_400 = arith.constant 0.000000e+00 : f32
        %gt3A_401 = vector.broadcast %gt3A_400 : f32 to vector<16xf32>
        %gt3A_402 = arith.cmpf ogt, %get3A_399, %gt3A_401 : vector<16xf32>
        %jit3A_403 = arith.constant 0.649641513 : f32
        %jit3A_404 = arith.constant -0.649641513 : f32
        %broadcast_in_dim3A_405 = vector.broadcast %jit3A_403 : f32 to vector<16xf32>
        %broadcast_in_dim3A_406 = vector.broadcast %jit3A_404 : f32 to vector<16xf32>
        %select_n3A_407 = arith.select %gt3A_402, %broadcast_in_dim3A_405, %broadcast_in_dim3A_406 : vector<16xi1>, vector<16xf32>
        %gt3A_408 = arith.cmpf ogt, %get3A_399, %select_n3A_407 : vector<16xf32>
        %jit3A_409 = arith.constant 1.28247476 : f32
        %jit3A_410 = arith.constant 0.293893337 : f32
        %broadcast_in_dim3A_411 = vector.broadcast %jit3A_409 : f32 to vector<16xf32>
        %broadcast_in_dim3A_412 = vector.broadcast %jit3A_410 : f32 to vector<16xf32>
        %select_n3A_413 = arith.select %gt3A_408, %broadcast_in_dim3A_411, %broadcast_in_dim3A_412 : vector<16xi1>, vector<16xf32>
        %jit3A_414 = arith.constant -0.293893337 : f32
        %jit3A_415 = arith.constant -1.28247476 : f32
        %broadcast_in_dim3A_416 = vector.broadcast %jit3A_414 : f32 to vector<16xf32>
        %broadcast_in_dim3A_417 = vector.broadcast %jit3A_415 : f32 to vector<16xf32>
        %select_n3A_418 = arith.select %gt3A_408, %broadcast_in_dim3A_416, %broadcast_in_dim3A_417 : vector<16xi1>, vector<16xf32>
        %select_n3A_419 = arith.select %gt3A_402, %select_n3A_413, %select_n3A_418 : vector<16xi1>, vector<16xf32>
        %gt3A_420 = arith.cmpf ogt, %get3A_399, %select_n3A_419 : vector<16xf32>
        %jit3A_421 = arith.constant 1.14285719 : f32
        %jit3A_422 = arith.constant 0.000000e+00 : f32
        %broadcast_in_dim3A_423 = vector.broadcast %jit3A_421 : f32 to vector<16xf32>
        %broadcast_in_dim3A_424 = vector.broadcast %jit3A_422 : f32 to vector<16xf32>
        %select_n3A_425 = arith.select %gt3A_402, %broadcast_in_dim3A_423, %broadcast_in_dim3A_424 : vector<16xi1>, vector<16xf32>
        %jit3A_426 = arith.constant 0.571428597 : f32
        %jit3A_427 = arith.constant 0.000000e+00 : f32
        %broadcast_in_dim3A_428 = vector.broadcast %jit3A_426 : f32 to vector<16xf32>
        %broadcast_in_dim3A_429 = vector.broadcast %jit3A_427 : f32 to vector<16xf32>
        %select_n3A_430 = arith.select %gt3A_408, %broadcast_in_dim3A_428, %broadcast_in_dim3A_429 : vector<16xi1>, vector<16xf32>
        %add3A_431 = arith.addf %select_n3A_425, %select_n3A_430 : vector<16xf32>
        %jit3A_432 = arith.constant -0.714285731 : f32
        %jit3A_433 = arith.constant -1.000000e+00 : f32
        %broadcast_in_dim3A_434 = vector.broadcast %jit3A_432 : f32 to vector<16xf32>
        %broadcast_in_dim3A_435 = vector.broadcast %jit3A_433 : f32 to vector<16xf32>
        %select_n3A_436 = arith.select %gt3A_420, %broadcast_in_dim3A_434, %broadcast_in_dim3A_435 : vector<16xi1>, vector<16xf32>
        %add3A_437 = arith.addf %add3A_431, %select_n3A_436 : vector<16xf32>
        %swap3A_438 = arith.index_cast %add3A_295 : i32 to index
        %swap3A_439 = arith.index_cast %multiple_of3A_395 : i32 to index
        %swap3A_440 = tpu.vector_load %arg7[%swap3A_438, %swap3A_439] {strides = array<i32>} : memref<128x64xf32, #tpu.memory_space<vmem>>, vector<1x16xf32>,
        %swap3A_441 = vector.shape_cast %swap3A_440 : vector<1x16xf32> to vector<16xf32>
        %swap3A_442 = vector.shape_cast %add3A_437 : vector<16xf32> to vector<1x16xf32>
        tpu.vector_store %arg7[%swap3A_438, %swap3A_439], %swap3A_442 {strides = array<i32>} : memref<128x64xf32, #tpu.memory_space<vmem>>, vector<1x16xf32>,
        %multiple_of3A_443 = arith.constant 48 : i32
        %multiple_of3A_444 = tpu.assume_multiple %multiple_of3A_443, 16 : i32
        %get3A_445 = arith.index_cast %add3A_295 : i32 to index
        %get3A_446 = arith.index_cast %multiple_of3A_444 : i32 to index
        %get3A_447 = tpu.vector_load %arg5[%get3A_445, %get3A_446] {strides = array<i32>} : memref<128x64xf32, #tpu.memory_space<vmem>>, vector<1x16xf32>,
        %get3A_448 = vector.shape_cast %get3A_447 : vector<1x16xf32> to vector<16xf32>
        %gt3A_449 = arith.constant 0.000000e+00 : f32
        %gt3A_450 = vector.broadcast %gt3A_449 : f32 to vector<16xf32>
        %gt3A_451 = arith.cmpf ogt, %get3A_448, %gt3A_450 : vector<16xf32>
        %jit3A_452 = arith.constant 0.649641513 : f32
        %jit3A_453 = arith.constant -0.649641513 : f32
        %broadcast_in_dim3A_454 = vector.broadcast %jit3A_452 : f32 to vector<16xf32>
        %broadcast_in_dim3A_455 = vector.broadcast %jit3A_453 : f32 to vector<16xf32>
        %select_n3A_456 = arith.select %gt3A_451, %broadcast_in_dim3A_454, %broadcast_in_dim3A_455 : vector<16xi1>, vector<16xf32>
        %gt3A_457 = arith.cmpf ogt, %get3A_448, %select_n3A_456 : vector<16xf32>
        %jit3A_458 = arith.constant 1.28247476 : f32
        %jit3A_459 = arith.constant 0.293893337 : f32
        %broadcast_in_dim3A_460 = vector.broadcast %jit3A_458 : f32 to vector<16xf32>
        %broadcast_in_dim3A_461 = vector.broadcast %jit3A_459 : f32 to vector<16xf32>
        %select_n3A_462 = arith.select %gt3A_457, %broadcast_in_dim3A_460, %broadcast_in_dim3A_461 : vector<16xi1>, vector<16xf32>
        %jit3A_463 = arith.constant -0.293893337 : f32
        %jit3A_464 = arith.constant -1.28247476 : f32
        %broadcast_in_dim3A_465 = vector.broadcast %jit3A_463 : f32 to vector<16xf32>
        %broadcast_in_dim3A_466 = vector.broadcast %jit3A_464 : f32 to vector<16xf32>
        %select_n3A_467 = arith.select %gt3A_457, %broadcast_in_dim3A_465, %broadcast_in_dim3A_466 : vector<16xi1>, vector<16xf32>
        %select_n3A_468 = arith.select %gt3A_451, %select_n3A_462, %select_n3A_467 : vector<16xi1>, vector<16xf32>
        %gt3A_469 = arith.cmpf ogt, %get3A_448, %select_n3A_468 : vector<16xf32>
        %jit3A_470 = arith.constant 1.14285719 : f32
        %jit3A_471 = arith.constant 0.000000e+00 : f32
        %broadcast_in_dim3A_472 = vector.broadcast %jit3A_470 : f32 to vector<16xf32>
        %broadcast_in_dim3A_473 = vector.broadcast %jit3A_471 : f32 to vector<16xf32>
        %select_n3A_474 = arith.select %gt3A_451, %broadcast_in_dim3A_472, %broadcast_in_dim3A_473 : vector<16xi1>, vector<16xf32>
        %jit3A_475 = arith.constant 0.571428597 : f32
        %jit3A_476 = arith.constant 0.000000e+00 : f32
        %broadcast_in_dim3A_477 = vector.broadcast %jit3A_475 : f32 to vector<16xf32>
        %broadcast_in_dim3A_478 = vector.broadcast %jit3A_476 : f32 to vector<16xf32>
        %select_n3A_479 = arith.select %gt3A_457, %broadcast_in_dim3A_477, %broadcast_in_dim3A_478 : vector<16xi1>, vector<16xf32>
        %add3A_480 = arith.addf %select_n3A_474, %select_n3A_479 : vector<16xf32>
        %jit3A_481 = arith.constant -0.714285731 : f32
        %jit3A_482 = arith.constant -1.000000e+00 : f32
        %broadcast_in_dim3A_483 = vector.broadcast %jit3A_481 : f32 to vector<16xf32>
        %broadcast_in_dim3A_484 = vector.broadcast %jit3A_482 : f32 to vector<16xf32>
        %select_n3A_485 = arith.select %gt3A_469, %broadcast_in_dim3A_483, %broadcast_in_dim3A_484 : vector<16xi1>, vector<16xf32>
        %add3A_486 = arith.addf %add3A_480, %select_n3A_485 : vector<16xf32>
        %swap3A_487 = arith.index_cast %add3A_295 : i32 to index
        %swap3A_488 = arith.index_cast %multiple_of3A_444 : i32 to index
        %swap3A_489 = tpu.vector_load %arg7[%swap3A_487, %swap3A_488] {strides = array<i32>} : memref<128x64xf32, #tpu.memory_space<vmem>>, vector<1x16xf32>,
        %swap3A_490 = vector.shape_cast %swap3A_489 : vector<1x16xf32> to vector<16xf32>
        %swap3A_491 = vector.shape_cast %add3A_486 : vector<16xf32> to vector<1x16xf32>
        tpu.vector_store %arg7[%swap3A_487, %swap3A_488], %swap3A_491 {strides = array<i32>} : memref<128x64xf32, #tpu.memory_space<vmem>>, vector<1x16xf32>,
        %mul3A_492 = arith.constant 4 : i32
        %mul3A_493 = arith.muli %scan3A_97, %mul3A_492 : i32
        %add3A_494 = arith.constant 2 : i32
        %add3A_495 = arith.addi %mul3A_493, %add3A_494 : i32
        %multiple_of3A_496 = arith.constant 0 : i32
        %multiple_of3A_497 = tpu.assume_multiple %multiple_of3A_496, 16 : i32
        %get3A_498 = arith.index_cast %add3A_495 : i32 to index
        %get3A_499 = arith.index_cast %multiple_of3A_497 : i32 to index
        %get3A_500 = tpu.vector_load %arg5[%get3A_498, %get3A_499] {strides = array<i32>} : memref<128x64xf32, #tpu.memory_space<vmem>>, vector<1x16xf32>,
        %get3A_501 = vector.shape_cast %get3A_500 : vector<1x16xf32> to vector<16xf32>
        %gt3A_502 = arith.constant 0.000000e+00 : f32
        %gt3A_503 = vector.broadcast %gt3A_502 : f32 to vector<16xf32>
        %gt3A_504 = arith.cmpf ogt, %get3A_501, %gt3A_503 : vector<16xf32>
        %jit3A_505 = arith.constant 0.649641513 : f32
        %jit3A_506 = arith.constant -0.649641513 : f32
        %broadcast_in_dim3A_507 = vector.broadcast %jit3A_505 : f32 to vector<16xf32>
        %broadcast_in_dim3A_508 = vector.broadcast %jit3A_506 : f32 to vector<16xf32>
        %select_n3A_509 = arith.select %gt3A_504, %broadcast_in_dim3A_507, %broadcast_in_dim3A_508 : vector<16xi1>, vector<16xf32>
        %gt3A_510 = arith.cmpf ogt, %get3A_501, %select_n3A_509 : vector<16xf32>
        %jit3A_511 = arith.constant 1.28247476 : f32
        %jit3A_512 = arith.constant 0.293893337 : f32
        %broadcast_in_dim3A_513 = vector.broadcast %jit3A_511 : f32 to vector<16xf32>
        %broadcast_in_dim3A_514 = vector.broadcast %jit3A_512 : f32 to vector<16xf32>
        %select_n3A_515 = arith.select %gt3A_510, %broadcast_in_dim3A_513, %broadcast_in_dim3A_514 : vector<16xi1>, vector<16xf32>
        %jit3A_516 = arith.constant -0.293893337 : f32
        %jit3A_517 = arith.constant -1.28247476 : f32
        %broadcast_in_dim3A_518 = vector.broadcast %jit3A_516 : f32 to vector<16xf32>
        %broadcast_in_dim3A_519 = vector.broadcast %jit3A_517 : f32 to vector<16xf32>
        %select_n3A_520 = arith.select %gt3A_510, %broadcast_in_dim3A_518, %broadcast_in_dim3A_519 : vector<16xi1>, vector<16xf32>
        %select_n3A_521 = arith.select %gt3A_504, %select_n3A_515, %select_n3A_520 : vector<16xi1>, vector<16xf32>
        %gt3A_522 = arith.cmpf ogt, %get3A_501, %select_n3A_521 : vector<16xf32>
        %jit3A_523 = arith.constant 1.14285719 : f32
        %jit3A_524 = arith.constant 0.000000e+00 : f32
        %broadcast_in_dim3A_525 = vector.broadcast %jit3A_523 : f32 to vector<16xf32>
        %broadcast_in_dim3A_526 = vector.broadcast %jit3A_524 : f32 to vector<16xf32>
        %select_n3A_527 = arith.select %gt3A_504, %broadcast_in_dim3A_525, %broadcast_in_dim3A_526 : vector<16xi1>, vector<16xf32>
        %jit3A_528 = arith.constant 0.571428597 : f32
        %jit3A_529 = arith.constant 0.000000e+00 : f32
        %broadcast_in_dim3A_530 = vector.broadcast %jit3A_528 : f32 to vector<16xf32>
        %broadcast_in_dim3A_531 = vector.broadcast %jit3A_529 : f32 to vector<16xf32>
        %select_n3A_532 = arith.select %gt3A_510, %broadcast_in_dim3A_530, %broadcast_in_dim3A_531 : vector<16xi1>, vector<16xf32>
        %add3A_533 = arith.addf %select_n3A_527, %select_n3A_532 : vector<16xf32>
        %jit3A_534 = arith.constant -0.714285731 : f32
        %jit3A_535 = arith.constant -1.000000e+00 : f32
        %broadcast_in_dim3A_536 = vector.broadcast %jit3A_534 : f32 to vector<16xf32>
        %broadcast_in_dim3A_537 = vector.broadcast %jit3A_535 : f32 to vector<16xf32>
        %select_n3A_538 = arith.select %gt3A_522, %broadcast_in_dim3A_536, %broadcast_in_dim3A_537 : vector<16xi1>, vector<16xf32>
        %add3A_539 = arith.addf %add3A_533, %select_n3A_538 : vector<16xf32>
        %swap3A_540 = arith.index_cast %add3A_495 : i32 to index
        %swap3A_541 = arith.index_cast %multiple_of3A_497 : i32 to index
        %swap3A_542 = tpu.vector_load %arg7[%swap3A_540, %swap3A_541] {strides = array<i32>} : memref<128x64xf32, #tpu.memory_space<vmem>>, vector<1x16xf32>,
        %swap3A_543 = vector.shape_cast %swap3A_542 : vector<1x16xf32> to vector<16xf32>
        %swap3A_544 = vector.shape_cast %add3A_539 : vector<16xf32> to vector<1x16xf32>
        tpu.vector_store %arg7[%swap3A_540, %swap3A_541], %swap3A_544 {strides = array<i32>} : memref<128x64xf32, #tpu.memory_space<vmem>>, vector<1x16xf32>,
        %multiple_of3A_545 = arith.constant 16 : i32
        %multiple_of3A_546 = tpu.assume_multiple %multiple_of3A_545, 16 : i32
        %get3A_547 = arith.index_cast %add3A_495 : i32 to index
        %get3A_548 = arith.index_cast %multiple_of3A_546 : i32 to index
        %get3A_549 = tpu.vector_load %arg5[%get3A_547, %get3A_548] {strides = array<i32>} : memref<128x64xf32, #tpu.memory_space<vmem>>, vector<1x16xf32>,
        %get3A_550 = vector.shape_cast %get3A_549 : vector<1x16xf32> to vector<16xf32>
        %gt3A_551 = arith.constant 0.000000e+00 : f32
        %gt3A_552 = vector.broadcast %gt3A_551 : f32 to vector<16xf32>
        %gt3A_553 = arith.cmpf ogt, %get3A_550, %gt3A_552 : vector<16xf32>
        %jit3A_554 = arith.constant 0.649641513 : f32
        %jit3A_555 = arith.constant -0.649641513 : f32
        %broadcast_in_dim3A_556 = vector.broadcast %jit3A_554 : f32 to vector<16xf32>
        %broadcast_in_dim3A_557 = vector.broadcast %jit3A_555 : f32 to vector<16xf32>
        %select_n3A_558 = arith.select %gt3A_553, %broadcast_in_dim3A_556, %broadcast_in_dim3A_557 : vector<16xi1>, vector<16xf32>
        %gt3A_559 = arith.cmpf ogt, %get3A_550, %select_n3A_558 : vector<16xf32>
        %jit3A_560 = arith.constant 1.28247476 : f32
        %jit3A_561 = arith.constant 0.293893337 : f32
        %broadcast_in_dim3A_562 = vector.broadcast %jit3A_560 : f32 to vector<16xf32>
        %broadcast_in_dim3A_563 = vector.broadcast %jit3A_561 : f32 to vector<16xf32>
        %select_n3A_564 = arith.select %gt3A_559, %broadcast_in_dim3A_562, %broadcast_in_dim3A_563 : vector<16xi1>, vector<16xf32>
        %jit3A_565 = arith.constant -0.293893337 : f32
        %jit3A_566 = arith.constant -1.28247476 : f32
        %broadcast_in_dim3A_567 = vector.broadcast %jit3A_565 : f32 to vector<16xf32>
        %broadcast_in_dim3A_568 = vector.broadcast %jit3A_566 : f32 to vector<16xf32>
        %select_n3A_569 = arith.select %gt3A_559, %broadcast_in_dim3A_567, %broadcast_in_dim3A_568 : vector<16xi1>, vector<16xf32>
        %select_n3A_570 = arith.select %gt3A_553, %select_n3A_564, %select_n3A_569 : vector<16xi1>, vector<16xf32>
        %gt3A_571 = arith.cmpf ogt, %get3A_550, %select_n3A_570 : vector<16xf32>
        %jit3A_572 = arith.constant 1.14285719 : f32
        %jit3A_573 = arith.constant 0.000000e+00 : f32
        %broadcast_in_dim3A_574 = vector.broadcast %jit3A_572 : f32 to vector<16xf32>
        %broadcast_in_dim3A_575 = vector.broadcast %jit3A_573 : f32 to vector<16xf32>
        %select_n3A_576 = arith.select %gt3A_553, %broadcast_in_dim3A_574, %broadcast_in_dim3A_575 : vector<16xi1>, vector<16xf32>
        %jit3A_577 = arith.constant 0.571428597 : f32
        %jit3A_578 = arith.constant 0.000000e+00 : f32
        %broadcast_in_dim3A_579 = vector.broadcast %jit3A_577 : f32 to vector<16xf32>
        %broadcast_in_dim3A_580 = vector.broadcast %jit3A_578 : f32 to vector<16xf32>
        %select_n3A_581 = arith.select %gt3A_559, %broadcast_in_dim3A_579, %broadcast_in_dim3A_580 : vector<16xi1>, vector<16xf32>
        %add3A_582 = arith.addf %select_n3A_576, %select_n3A_581 : vector<16xf32>
        %jit3A_583 = arith.constant -0.714285731 : f32
        %jit3A_584 = arith.constant -1.000000e+00 : f32
        %broadcast_in_dim3A_585 = vector.broadcast %jit3A_583 : f32 to vector<16xf32>
        %broadcast_in_dim3A_586 = vector.broadcast %jit3A_584 : f32 to vector<16xf32>
        %select_n3A_587 = arith.select %gt3A_571, %broadcast_in_dim3A_585, %broadcast_in_dim3A_586 : vector<16xi1>, vector<16xf32>
        %add3A_588 = arith.addf %add3A_582, %select_n3A_587 : vector<16xf32>
        %swap3A_589 = arith.index_cast %add3A_495 : i32 to index
        %swap3A_590 = arith.index_cast %multiple_of3A_546 : i32 to index
        %swap3A_591 = tpu.vector_load %arg7[%swap3A_589, %swap3A_590] {strides = array<i32>} : memref<128x64xf32, #tpu.memory_space<vmem>>, vector<1x16xf32>,
        %swap3A_592 = vector.shape_cast %swap3A_591 : vector<1x16xf32> to vector<16xf32>
        %swap3A_593 = vector.shape_cast %add3A_588 : vector<16xf32> to vector<1x16xf32>
        tpu.vector_store %arg7[%swap3A_589, %swap3A_590], %swap3A_593 {strides = array<i32>} : memref<128x64xf32, #tpu.memory_space<vmem>>, vector<1x16xf32>,
        %multiple_of3A_594 = arith.constant 32 : i32
        %multiple_of3A_595 = tpu.assume_multiple %multiple_of3A_594, 16 : i32
        %get3A_596 = arith.index_cast %add3A_495 : i32 to index
        %get3A_597 = arith.index_cast %multiple_of3A_595 : i32 to index
        %get3A_598 = tpu.vector_load %arg5[%get3A_596, %get3A_597] {strides = array<i32>} : memref<128x64xf32, #tpu.memory_space<vmem>>, vector<1x16xf32>,
        %get3A_599 = vector.shape_cast %get3A_598 : vector<1x16xf32> to vector<16xf32>
        %gt3A_600 = arith.constant 0.000000e+00 : f32
        %gt3A_601 = vector.broadcast %gt3A_600 : f32 to vector<16xf32>
        %gt3A_602 = arith.cmpf ogt, %get3A_599, %gt3A_601 : vector<16xf32>
        %jit3A_603 = arith.constant 0.649641513 : f32
        %jit3A_604 = arith.constant -0.649641513 : f32
        %broadcast_in_dim3A_605 = vector.broadcast %jit3A_603 : f32 to vector<16xf32>
        %broadcast_in_dim3A_606 = vector.broadcast %jit3A_604 : f32 to vector<16xf32>
        %select_n3A_607 = arith.select %gt3A_602, %broadcast_in_dim3A_605, %broadcast_in_dim3A_606 : vector<16xi1>, vector<16xf32>
        %gt3A_608 = arith.cmpf ogt, %get3A_599, %select_n3A_607 : vector<16xf32>
        %jit3A_609 = arith.constant 1.28247476 : f32
        %jit3A_610 = arith.constant 0.293893337 : f32
        %broadcast_in_dim3A_611 = vector.broadcast %jit3A_609 : f32 to vector<16xf32>
        %broadcast_in_dim3A_612 = vector.broadcast %jit3A_610 : f32 to vector<16xf32>
        %select_n3A_613 = arith.select %gt3A_608, %broadcast_in_dim3A_611, %broadcast_in_dim3A_612 : vector<16xi1>, vector<16xf32>
        %jit3A_614 = arith.constant -0.293893337 : f32
        %jit3A_615 = arith.constant -1.28247476 : f32
        %broadcast_in_dim3A_616 = vector.broadcast %jit3A_614 : f32 to vector<16xf32>
        %broadcast_in_dim3A_617 = vector.broadcast %jit3A_615 : f32 to vector<16xf32>
        %select_n3A_618 = arith.select %gt3A_608, %broadcast_in_dim3A_616, %broadcast_in_dim3A_617 : vector<16xi1>, vector<16xf32>
        %select_n3A_619 = arith.select %gt3A_602, %select_n3A_613, %select_n3A_618 : vector<16xi1>, vector<16xf32>
        %gt3A_620 = arith.cmpf ogt, %get3A_599, %select_n3A_619 : vector<16xf32>
        %jit3A_621 = arith.constant 1.14285719 : f32
        %jit3A_622 = arith.constant 0.000000e+00 : f32
        %broadcast_in_dim3A_623 = vector.broadcast %jit3A_621 : f32 to vector<16xf32>
        %broadcast_in_dim3A_624 = vector.broadcast %jit3A_622 : f32 to vector<16xf32>
        %select_n3A_625 = arith.select %gt3A_602, %broadcast_in_dim3A_623, %broadcast_in_dim3A_624 : vector<16xi1>, vector<16xf32>
        %jit3A_626 = arith.constant 0.571428597 : f32
        %jit3A_627 = arith.constant 0.000000e+00 : f32
        %broadcast_in_dim3A_628 = vector.broadcast %jit3A_626 : f32 to vector<16xf32>
        %broadcast_in_dim3A_629 = vector.broadcast %jit3A_627 : f32 to vector<16xf32>
        %select_n3A_630 = arith.select %gt3A_608, %broadcast_in_dim3A_628, %broadcast_in_dim3A_629 : vector<16xi1>, vector<16xf32>
        %add3A_631 = arith.addf %select_n3A_625, %select_n3A_630 : vector<16xf32>
        %jit3A_632 = arith.constant -0.714285731 : f32
        %jit3A_633 = arith.constant -1.000000e+00 : f32
        %broadcast_in_dim3A_634 = vector.broadcast %jit3A_632 : f32 to vector<16xf32>
        %broadcast_in_dim3A_635 = vector.broadcast %jit3A_633 : f32 to vector<16xf32>
        %select_n3A_636 = arith.select %gt3A_620, %broadcast_in_dim3A_634, %broadcast_in_dim3A_635 : vector<16xi1>, vector<16xf32>
        %add3A_637 = arith.addf %add3A_631, %select_n3A_636 : vector<16xf32>
        %swap3A_638 = arith.index_cast %add3A_495 : i32 to index
        %swap3A_639 = arith.index_cast %multiple_of3A_595 : i32 to index
        %swap3A_640 = tpu.vector_load %arg7[%swap3A_638, %swap3A_639] {strides = array<i32>} : memref<128x64xf32, #tpu.memory_space<vmem>>, vector<1x16xf32>,
        %swap3A_641 = vector.shape_cast %swap3A_640 : vector<1x16xf32> to vector<16xf32>
        %swap3A_642 = vector.shape_cast %add3A_637 : vector<16xf32> to vector<1x16xf32>
        tpu.vector_store %arg7[%swap3A_638, %swap3A_639], %swap3A_642 {strides = array<i32>} : memref<128x64xf32, #tpu.memory_space<vmem>>, vector<1x16xf32>,
        %multiple_of3A_643 = arith.constant 48 : i32
        %multiple_of3A_644 = tpu.assume_multiple %multiple_of3A_643, 16 : i32
        %get3A_645 = arith.index_cast %add3A_495 : i32 to index
        %get3A_646 = arith.index_cast %multiple_of3A_644 : i32 to index
        %get3A_647 = tpu.vector_load %arg5[%get3A_645, %get3A_646] {strides = array<i32>} : memref<128x64xf32, #tpu.memory_space<vmem>>, vector<1x16xf32>,
        %get3A_648 = vector.shape_cast %get3A_647 : vector<1x16xf32> to vector<16xf32>
        %gt3A_649 = arith.constant 0.000000e+00 : f32
        %gt3A_650 = vector.broadcast %gt3A_649 : f32 to vector<16xf32>
        %gt3A_651 = arith.cmpf ogt, %get3A_648, %gt3A_650 : vector<16xf32>
        %jit3A_652 = arith.constant 0.649641513 : f32
        %jit3A_653 = arith.constant -0.649641513 : f32
        %broadcast_in_dim3A_654 = vector.broadcast %jit3A_652 : f32 to vector<16xf32>
        %broadcast_in_dim3A_655 = vector.broadcast %jit3A_653 : f32 to vector<16xf32>
        %select_n3A_656 = arith.select %gt3A_651, %broadcast_in_dim3A_654, %broadcast_in_dim3A_655 : vector<16xi1>, vector<16xf32>
        %gt3A_657 = arith.cmpf ogt, %get3A_648, %select_n3A_656 : vector<16xf32>
        %jit3A_658 = arith.constant 1.28247476 : f32
        %jit3A_659 = arith.constant 0.293893337 : f32
        %broadcast_in_dim3A_660 = vector.broadcast %jit3A_658 : f32 to vector<16xf32>
        %broadcast_in_dim3A_661 = vector.broadcast %jit3A_659 : f32 to vector<16xf32>
        %select_n3A_662 = arith.select %gt3A_657, %broadcast_in_dim3A_660, %broadcast_in_dim3A_661 : vector<16xi1>, vector<16xf32>
        %jit3A_663 = arith.constant -0.293893337 : f32
        %jit3A_664 = arith.constant -1.28247476 : f32
        %broadcast_in_dim3A_665 = vector.broadcast %jit3A_663 : f32 to vector<16xf32>
        %broadcast_in_dim3A_666 = vector.broadcast %jit3A_664 : f32 to vector<16xf32>
        %select_n3A_667 = arith.select %gt3A_657, %broadcast_in_dim3A_665, %broadcast_in_dim3A_666 : vector<16xi1>, vector<16xf32>
        %select_n3A_668 = arith.select %gt3A_651, %select_n3A_662, %select_n3A_667 : vector<16xi1>, vector<16xf32>
        %gt3A_669 = arith.cmpf ogt, %get3A_648, %select_n3A_668 : vector<16xf32>
        %jit3A_670 = arith.constant 1.14285719 : f32
        %jit3A_671 = arith.constant 0.000000e+00 : f32
        %broadcast_in_dim3A_672 = vector.broadcast %jit3A_670 : f32 to vector<16xf32>
        %broadcast_in_dim3A_673 = vector.broadcast %jit3A_671 : f32 to vector<16xf32>
        %select_n3A_674 = arith.select %gt3A_651, %broadcast_in_dim3A_672, %broadcast_in_dim3A_673 : vector<16xi1>, vector<16xf32>
        %jit3A_675 = arith.constant 0.571428597 : f32
        %jit3A_676 = arith.constant 0.000000e+00 : f32
        %broadcast_in_dim3A_677 = vector.broadcast %jit3A_675 : f32 to vector<16xf32>
        %broadcast_in_dim3A_678 = vector.broadcast %jit3A_676 : f32 to vector<16xf32>
        %select_n3A_679 = arith.select %gt3A_657, %broadcast_in_dim3A_677, %broadcast_in_dim3A_678 : vector<16xi1>, vector<16xf32>
        %add3A_680 = arith.addf %select_n3A_674, %select_n3A_679 : vector<16xf32>
        %jit3A_681 = arith.constant -0.714285731 : f32
        %jit3A_682 = arith.constant -1.000000e+00 : f32
        %broadcast_in_dim3A_683 = vector.broadcast %jit3A_681 : f32 to vector<16xf32>
        %broadcast_in_dim3A_684 = vector.broadcast %jit3A_682 : f32 to vector<16xf32>
        %select_n3A_685 = arith.select %gt3A_669, %broadcast_in_dim3A_683, %broadcast_in_dim3A_684 : vector<16xi1>, vector<16xf32>
        %add3A_686 = arith.addf %add3A_680, %select_n3A_685 : vector<16xf32>
        %swap3A_687 = arith.index_cast %add3A_495 : i32 to index
        %swap3A_688 = arith.index_cast %multiple_of3A_644 : i32 to index
        %swap3A_689 = tpu.vector_load %arg7[%swap3A_687, %swap3A_688] {strides = array<i32>} : memref<128x64xf32, #tpu.memory_space<vmem>>, vector<1x16xf32>,
        %swap3A_690 = vector.shape_cast %swap3A_689 : vector<1x16xf32> to vector<16xf32>
        %swap3A_691 = vector.shape_cast %add3A_686 : vector<16xf32> to vector<1x16xf32>
        tpu.vector_store %arg7[%swap3A_687, %swap3A_688], %swap3A_691 {strides = array<i32>} : memref<128x64xf32, #tpu.memory_space<vmem>>, vector<1x16xf32>,
        %mul3A_692 = arith.constant 4 : i32
        %mul3A_693 = arith.muli %scan3A_97, %mul3A_692 : i32
        %add3A_694 = arith.constant 3 : i32
        %add3A_695 = arith.addi %mul3A_693, %add3A_694 : i32
        %multiple_of3A_696 = arith.constant 0 : i32
        %multiple_of3A_697 = tpu.assume_multiple %multiple_of3A_696, 16 : i32
        %get3A_698 = arith.index_cast %add3A_695 : i32 to index
        %get3A_699 = arith.index_cast %multiple_of3A_697 : i32 to index
        %get3A_700 = tpu.vector_load %arg5[%get3A_698, %get3A_699] {strides = array<i32>} : memref<128x64xf32, #tpu.memory_space<vmem>>, vector<1x16xf32>,
        %get3A_701 = vector.shape_cast %get3A_700 : vector<1x16xf32> to vector<16xf32>
        %gt3A_702 = arith.constant 0.000000e+00 : f32
        %gt3A_703 = vector.broadcast %gt3A_702 : f32 to vector<16xf32>
        %gt3A_704 = arith.cmpf ogt, %get3A_701, %gt3A_703 : vector<16xf32>
        %jit3A_705 = arith.constant 0.649641513 : f32
        %jit3A_706 = arith.constant -0.649641513 : f32
        %broadcast_in_dim3A_707 = vector.broadcast %jit3A_705 : f32 to vector<16xf32>
        %broadcast_in_dim3A_708 = vector.broadcast %jit3A_706 : f32 to vector<16xf32>
        %select_n3A_709 = arith.select %gt3A_704, %broadcast_in_dim3A_707, %broadcast_in_dim3A_708 : vector<16xi1>, vector<16xf32>
        %gt3A_710 = arith.cmpf ogt, %get3A_701, %select_n3A_709 : vector<16xf32>
        %jit3A_711 = arith.constant 1.28247476 : f32
        %jit3A_712 = arith.constant 0.293893337 : f32
        %broadcast_in_dim3A_713 = vector.broadcast %jit3A_711 : f32 to vector<16xf32>
        %broadcast_in_dim3A_714 = vector.broadcast %jit3A_712 : f32 to vector<16xf32>
        %select_n3A_715 = arith.select %gt3A_710, %broadcast_in_dim3A_713, %broadcast_in_dim3A_714 : vector<16xi1>, vector<16xf32>
        %jit3A_716 = arith.constant -0.293893337 : f32
        %jit3A_717 = arith.constant -1.28247476 : f32
        %broadcast_in_dim3A_718 = vector.broadcast %jit3A_716 : f32 to vector<16xf32>
        %broadcast_in_dim3A_719 = vector.broadcast %jit3A_717 : f32 to vector<16xf32>
        %select_n3A_720 = arith.select %gt3A_710, %broadcast_in_dim3A_718, %broadcast_in_dim3A_719 : vector<16xi1>, vector<16xf32>
        %select_n3A_721 = arith.select %gt3A_704, %select_n3A_715, %select_n3A_720 : vector<16xi1>, vector<16xf32>
        %gt3A_722 = arith.cmpf ogt, %get3A_701, %select_n3A_721 : vector<16xf32>
        %jit3A_723 = arith.constant 1.14285719 : f32
        %jit3A_724 = arith.constant 0.000000e+00 : f32
        %broadcast_in_dim3A_725 = vector.broadcast %jit3A_723 : f32 to vector<16xf32>
        %broadcast_in_dim3A_726 = vector.broadcast %jit3A_724 : f32 to vector<16xf32>
        %select_n3A_727 = arith.select %gt3A_704, %broadcast_in_dim3A_725, %broadcast_in_dim3A_726 : vector<16xi1>, vector<16xf32>
        %jit3A_728 = arith.constant 0.571428597 : f32
        %jit3A_729 = arith.constant 0.000000e+00 : f32
        %broadcast_in_dim3A_730 = vector.broadcast %jit3A_728 : f32 to vector<16xf32>
        %broadcast_in_dim3A_731 = vector.broadcast %jit3A_729 : f32 to vector<16xf32>
        %select_n3A_732 = arith.select %gt3A_710, %broadcast_in_dim3A_730, %broadcast_in_dim3A_731 : vector<16xi1>, vector<16xf32>
        %add3A_733 = arith.addf %select_n3A_727, %select_n3A_732 : vector<16xf32>
        %jit3A_734 = arith.constant -0.714285731 : f32
        %jit3A_735 = arith.constant -1.000000e+00 : f32
        %broadcast_in_dim3A_736 = vector.broadcast %jit3A_734 : f32 to vector<16xf32>
        %broadcast_in_dim3A_737 = vector.broadcast %jit3A_735 : f32 to vector<16xf32>
        %select_n3A_738 = arith.select %gt3A_722, %broadcast_in_dim3A_736, %broadcast_in_dim3A_737 : vector<16xi1>, vector<16xf32>
        %add3A_739 = arith.addf %add3A_733, %select_n3A_738 : vector<16xf32>
        %swap3A_740 = arith.index_cast %add3A_695 : i32 to index
        %swap3A_741 = arith.index_cast %multiple_of3A_697 : i32 to index
        %swap3A_742 = tpu.vector_load %arg7[%swap3A_740, %swap3A_741] {strides = array<i32>} : memref<128x64xf32, #tpu.memory_space<vmem>>, vector<1x16xf32>,
        %swap3A_743 = vector.shape_cast %swap3A_742 : vector<1x16xf32> to vector<16xf32>
        %swap3A_744 = vector.shape_cast %add3A_739 : vector<16xf32> to vector<1x16xf32>
        tpu.vector_store %arg7[%swap3A_740, %swap3A_741], %swap3A_744 {strides = array<i32>} : memref<128x64xf32, #tpu.memory_space<vmem>>, vector<1x16xf32>,
        %multiple_of3A_745 = arith.constant 16 : i32
        %multiple_of3A_746 = tpu.assume_multiple %multiple_of3A_745, 16 : i32
        %get3A_747 = arith.index_cast %add3A_695 : i32 to index
        %get3A_748 = arith.index_cast %multiple_of3A_746 : i32 to index
        %get3A_749 = tpu.vector_load %arg5[%get3A_747, %get3A_748] {strides = array<i32>} : memref<128x64xf32, #tpu.memory_space<vmem>>, vector<1x16xf32>,
        %get3A_750 = vector.shape_cast %get3A_749 : vector<1x16xf32> to vector<16xf32>
        %gt3A_751 = arith.constant 0.000000e+00 : f32
        %gt3A_752 = vector.broadcast %gt3A_751 : f32 to vector<16xf32>
        %gt3A_753 = arith.cmpf ogt, %get3A_750, %gt3A_752 : vector<16xf32>
        %jit3A_754 = arith.constant 0.649641513 : f32
        %jit3A_755 = arith.constant -0.649641513 : f32
        %broadcast_in_dim3A_756 = vector.broadcast %jit3A_754 : f32 to vector<16xf32>
        %broadcast_in_dim3A_757 = vector.broadcast %jit3A_755 : f32 to vector<16xf32>
        %select_n3A_758 = arith.select %gt3A_753, %broadcast_in_dim3A_756, %broadcast_in_dim3A_757 : vector<16xi1>, vector<16xf32>
        %gt3A_759 = arith.cmpf ogt, %get3A_750, %select_n3A_758 : vector<16xf32>
        %jit3A_760 = arith.constant 1.28247476 : f32
        %jit3A_761 = arith.constant 0.293893337 : f32
        %broadcast_in_dim3A_762 = vector.broadcast %jit3A_760 : f32 to vector<16xf32>
        %broadcast_in_dim3A_763 = vector.broadcast %jit3A_761 : f32 to vector<16xf32>
        %select_n3A_764 = arith.select %gt3A_759, %broadcast_in_dim3A_762, %broadcast_in_dim3A_763 : vector<16xi1>, vector<16xf32>
        %jit3A_765 = arith.constant -0.293893337 : f32
        %jit3A_766 = arith.constant -1.28247476 : f32
        %broadcast_in_dim3A_767 = vector.broadcast %jit3A_765 : f32 to vector<16xf32>
        %broadcast_in_dim3A_768 = vector.broadcast %jit3A_766 : f32 to vector<16xf32>
        %select_n3A_769 = arith.select %gt3A_759, %broadcast_in_dim3A_767, %broadcast_in_dim3A_768 : vector<16xi1>, vector<16xf32>
        %select_n3A_770 = arith.select %gt3A_753, %select_n3A_764, %select_n3A_769 : vector<16xi1>, vector<16xf32>
        %gt3A_771 = arith.cmpf ogt, %get3A_750, %select_n3A_770 : vector<16xf32>
        %jit3A_772 = arith.constant 1.14285719 : f32
        %jit3A_773 = arith.constant 0.000000e+00 : f32
        %broadcast_in_dim3A_774 = vector.broadcast %jit3A_772 : f32 to vector<16xf32>
        %broadcast_in_dim3A_775 = vector.broadcast %jit3A_773 : f32 to vector<16xf32>
        %select_n3A_776 = arith.select %gt3A_753, %broadcast_in_dim3A_774, %broadcast_in_dim3A_775 : vector<16xi1>, vector<16xf32>
        %jit3A_777 = arith.constant 0.571428597 : f32
        %jit3A_778 = arith.constant 0.000000e+00 : f32
        %broadcast_in_dim3A_779 = vector.broadcast %jit3A_777 : f32 to vector<16xf32>
        %broadcast_in_dim3A_780 = vector.broadcast %jit3A_778 : f32 to vector<16xf32>
        %select_n3A_781 = arith.select %gt3A_759, %broadcast_in_dim3A_779, %broadcast_in_dim3A_780 : vector<16xi1>, vector<16xf32>
        %add3A_782 = arith.addf %select_n3A_776, %select_n3A_781 : vector<16xf32>
        %jit3A_783 = arith.constant -0.714285731 : f32
        %jit3A_784 = arith.constant -1.000000e+00 : f32
        %broadcast_in_dim3A_785 = vector.broadcast %jit3A_783 : f32 to vector<16xf32>
        %broadcast_in_dim3A_786 = vector.broadcast %jit3A_784 : f32 to vector<16xf32>
        %select_n3A_787 = arith.select %gt3A_771, %broadcast_in_dim3A_785, %broadcast_in_dim3A_786 : vector<16xi1>, vector<16xf32>
        %add3A_788 = arith.addf %add3A_782, %select_n3A_787 : vector<16xf32>
        %swap3A_789 = arith.index_cast %add3A_695 : i32 to index
        %swap3A_790 = arith.index_cast %multiple_of3A_746 : i32 to index
        %swap3A_791 = tpu.vector_load %arg7[%swap3A_789, %swap3A_790] {strides = array<i32>} : memref<128x64xf32, #tpu.memory_space<vmem>>, vector<1x16xf32>,
        %swap3A_792 = vector.shape_cast %swap3A_791 : vector<1x16xf32> to vector<16xf32>
        %swap3A_793 = vector.shape_cast %add3A_788 : vector<16xf32> to vector<1x16xf32>
        tpu.vector_store %arg7[%swap3A_789, %swap3A_790], %swap3A_793 {strides = array<i32>} : memref<128x64xf32, #tpu.memory_space<vmem>>, vector<1x16xf32>,
        %multiple_of3A_794 = arith.constant 32 : i32
        %multiple_of3A_795 = tpu.assume_multiple %multiple_of3A_794, 16 : i32
        %get3A_796 = arith.index_cast %add3A_695 : i32 to index
        %get3A_797 = arith.index_cast %multiple_of3A_795 : i32 to index
        %get3A_798 = tpu.vector_load %arg5[%get3A_796, %get3A_797] {strides = array<i32>} : memref<128x64xf32, #tpu.memory_space<vmem>>, vector<1x16xf32>,
        %get3A_799 = vector.shape_cast %get3A_798 : vector<1x16xf32> to vector<16xf32>
        %gt3A_800 = arith.constant 0.000000e+00 : f32
        %gt3A_801 = vector.broadcast %gt3A_800 : f32 to vector<16xf32>
        %gt3A_802 = arith.cmpf ogt, %get3A_799, %gt3A_801 : vector<16xf32>
        %jit3A_803 = arith.constant 0.649641513 : f32
        %jit3A_804 = arith.constant -0.649641513 : f32
        %broadcast_in_dim3A_805 = vector.broadcast %jit3A_803 : f32 to vector<16xf32>
        %broadcast_in_dim3A_806 = vector.broadcast %jit3A_804 : f32 to vector<16xf32>
        %select_n3A_807 = arith.select %gt3A_802, %broadcast_in_dim3A_805, %broadcast_in_dim3A_806 : vector<16xi1>, vector<16xf32>
        %gt3A_808 = arith.cmpf ogt, %get3A_799, %select_n3A_807 : vector<16xf32>
        %jit3A_809 = arith.constant 1.28247476 : f32
        %jit3A_810 = arith.constant 0.293893337 : f32
        %broadcast_in_dim3A_811 = vector.broadcast %jit3A_809 : f32 to vector<16xf32>
        %broadcast_in_dim3A_812 = vector.broadcast %jit3A_810 : f32 to vector<16xf32>
        %select_n3A_813 = arith.select %gt3A_808, %broadcast_in_dim3A_811, %broadcast_in_dim3A_812 : vector<16xi1>, vector<16xf32>
        %jit3A_814 = arith.constant -0.293893337 : f32
        %jit3A_815 = arith.constant -1.28247476 : f32
        %broadcast_in_dim3A_816 = vector.broadcast %jit3A_814 : f32 to vector<16xf32>
        %broadcast_in_dim3A_817 = vector.broadcast %jit3A_815 : f32 to vector<16xf32>
        %select_n3A_818 = arith.select %gt3A_808, %broadcast_in_dim3A_816, %broadcast_in_dim3A_817 : vector<16xi1>, vector<16xf32>
        %select_n3A_819 = arith.select %gt3A_802, %select_n3A_813, %select_n3A_818 : vector<16xi1>, vector<16xf32>
        %gt3A_820 = arith.cmpf ogt, %get3A_799, %select_n3A_819 : vector<16xf32>
        %jit3A_821 = arith.constant 1.14285719 : f32
        %jit3A_822 = arith.constant 0.000000e+00 : f32
        %broadcast_in_dim3A_823 = vector.broadcast %jit3A_821 : f32 to vector<16xf32>
        %broadcast_in_dim3A_824 = vector.broadcast %jit3A_822 : f32 to vector<16xf32>
        %select_n3A_825 = arith.select %gt3A_802, %broadcast_in_dim3A_823, %broadcast_in_dim3A_824 : vector<16xi1>, vector<16xf32>
        %jit3A_826 = arith.constant 0.571428597 : f32
        %jit3A_827 = arith.constant 0.000000e+00 : f32
        %broadcast_in_dim3A_828 = vector.broadcast %jit3A_826 : f32 to vector<16xf32>
        %broadcast_in_dim3A_829 = vector.broadcast %jit3A_827 : f32 to vector<16xf32>
        %select_n3A_830 = arith.select %gt3A_808, %broadcast_in_dim3A_828, %broadcast_in_dim3A_829 : vector<16xi1>, vector<16xf32>
        %add3A_831 = arith.addf %select_n3A_825, %select_n3A_830 : vector<16xf32>
        %jit3A_832 = arith.constant -0.714285731 : f32
        %jit3A_833 = arith.constant -1.000000e+00 : f32
        %broadcast_in_dim3A_834 = vector.broadcast %jit3A_832 : f32 to vector<16xf32>
        %broadcast_in_dim3A_835 = vector.broadcast %jit3A_833 : f32 to vector<16xf32>
        %select_n3A_836 = arith.select %gt3A_820, %broadcast_in_dim3A_834, %broadcast_in_dim3A_835 : vector<16xi1>, vector<16xf32>
        %add3A_837 = arith.addf %add3A_831, %select_n3A_836 : vector<16xf32>
        %swap3A_838 = arith.index_cast %add3A_695 : i32 to index
        %swap3A_839 = arith.index_cast %multiple_of3A_795 : i32 to index
        %swap3A_840 = tpu.vector_load %arg7[%swap3A_838, %swap3A_839] {strides = array<i32>} : memref<128x64xf32, #tpu.memory_space<vmem>>, vector<1x16xf32>,
        %swap3A_841 = vector.shape_cast %swap3A_840 : vector<1x16xf32> to vector<16xf32>
        %swap3A_842 = vector.shape_cast %add3A_837 : vector<16xf32> to vector<1x16xf32>
        tpu.vector_store %arg7[%swap3A_838, %swap3A_839], %swap3A_842 {strides = array<i32>} : memref<128x64xf32, #tpu.memory_space<vmem>>, vector<1x16xf32>,
        %multiple_of3A_843 = arith.constant 48 : i32
        %multiple_of3A_844 = tpu.assume_multiple %multiple_of3A_843, 16 : i32
        %get3A_845 = arith.index_cast %add3A_695 : i32 to index
        %get3A_846 = arith.index_cast %multiple_of3A_844 : i32 to index
        %get3A_847 = tpu.vector_load %arg5[%get3A_845, %get3A_846] {strides = array<i32>} : memref<128x64xf32, #tpu.memory_space<vmem>>, vector<1x16xf32>,
        %get3A_848 = vector.shape_cast %get3A_847 : vector<1x16xf32> to vector<16xf32>
        %gt3A_849 = arith.constant 0.000000e+00 : f32
        %gt3A_850 = vector.broadcast %gt3A_849 : f32 to vector<16xf32>
        %gt3A_851 = arith.cmpf ogt, %get3A_848, %gt3A_850 : vector<16xf32>
        %jit3A_852 = arith.constant 0.649641513 : f32
        %jit3A_853 = arith.constant -0.649641513 : f32
        %broadcast_in_dim3A_854 = vector.broadcast %jit3A_852 : f32 to vector<16xf32>
        %broadcast_in_dim3A_855 = vector.broadcast %jit3A_853 : f32 to vector<16xf32>
        %select_n3A_856 = arith.select %gt3A_851, %broadcast_in_dim3A_854, %broadcast_in_dim3A_855 : vector<16xi1>, vector<16xf32>
        %gt3A_857 = arith.cmpf ogt, %get3A_848, %select_n3A_856 : vector<16xf32>
        %jit3A_858 = arith.constant 1.28247476 : f32
        %jit3A_859 = arith.constant 0.293893337 : f32
        %broadcast_in_dim3A_860 = vector.broadcast %jit3A_858 : f32 to vector<16xf32>
        %broadcast_in_dim3A_861 = vector.broadcast %jit3A_859 : f32 to vector<16xf32>
        %select_n3A_862 = arith.select %gt3A_857, %broadcast_in_dim3A_860, %broadcast_in_dim3A_861 : vector<16xi1>, vector<16xf32>
        %jit3A_863 = arith.constant -0.293893337 : f32
        %jit3A_864 = arith.constant -1.28247476 : f32
        %broadcast_in_dim3A_865 = vector.broadcast %jit3A_863 : f32 to vector<16xf32>
        %broadcast_in_dim3A_866 = vector.broadcast %jit3A_864 : f32 to vector<16xf32>
        %select_n3A_867 = arith.select %gt3A_857, %broadcast_in_dim3A_865, %broadcast_in_dim3A_866 : vector<16xi1>, vector<16xf32>
        %select_n3A_868 = arith.select %gt3A_851, %select_n3A_862, %select_n3A_867 : vector<16xi1>, vector<16xf32>
        %gt3A_869 = arith.cmpf ogt, %get3A_848, %select_n3A_868 : vector<16xf32>
        %jit3A_870 = arith.constant 1.14285719 : f32
        %jit3A_871 = arith.constant 0.000000e+00 : f32
        %broadcast_in_dim3A_872 = vector.broadcast %jit3A_870 : f32 to vector<16xf32>
        %broadcast_in_dim3A_873 = vector.broadcast %jit3A_871 : f32 to vector<16xf32>
        %select_n3A_874 = arith.select %gt3A_851, %broadcast_in_dim3A_872, %broadcast_in_dim3A_873 : vector<16xi1>, vector<16xf32>
        %jit3A_875 = arith.constant 0.571428597 : f32
        %jit3A_876 = arith.constant 0.000000e+00 : f32
        %broadcast_in_dim3A_877 = vector.broadcast %jit3A_875 : f32 to vector<16xf32>
        %broadcast_in_dim3A_878 = vector.broadcast %jit3A_876 : f32 to vector<16xf32>
        %select_n3A_879 = arith.select %gt3A_857, %broadcast_in_dim3A_877, %broadcast_in_dim3A_878 : vector<16xi1>, vector<16xf32>
        %add3A_880 = arith.addf %select_n3A_874, %select_n3A_879 : vector<16xf32>
        %jit3A_881 = arith.constant -0.714285731 : f32
        %jit3A_882 = arith.constant -1.000000e+00 : f32
        %broadcast_in_dim3A_883 = vector.broadcast %jit3A_881 : f32 to vector<16xf32>
        %broadcast_in_dim3A_884 = vector.broadcast %jit3A_882 : f32 to vector<16xf32>
        %select_n3A_885 = arith.select %gt3A_869, %broadcast_in_dim3A_883, %broadcast_in_dim3A_884 : vector<16xi1>, vector<16xf32>
        %add3A_886 = arith.addf %add3A_880, %select_n3A_885 : vector<16xf32>
        %swap3A_887 = arith.index_cast %add3A_695 : i32 to index
        %swap3A_888 = arith.index_cast %multiple_of3A_844 : i32 to index
        %swap3A_889 = tpu.vector_load %arg7[%swap3A_887, %swap3A_888] {strides = array<i32>} : memref<128x64xf32, #tpu.memory_space<vmem>>, vector<1x16xf32>,
        %swap3A_890 = vector.shape_cast %swap3A_889 : vector<1x16xf32> to vector<16xf32>
        %swap3A_891 = vector.shape_cast %add3A_886 : vector<16xf32> to vector<1x16xf32>
        tpu.vector_store %arg7[%swap3A_887, %swap3A_888], %swap3A_891 {strides = array<i32>} : memref<128x64xf32, #tpu.memory_space<vmem>>, vector<1x16xf32>,
      }
      %scan3A_82 = arith.constant 32 : i32
      %add3A_83 = arith.constant 1 : i32
      %add3A_84 = arith.addi %mul3A_32, %add3A_83 : i32
      %mul3A_85 = arith.constant 128 : i32
      %mul3A_86 = arith.muli %add3A_84, %mul3A_85 : i32
      %add3A_87 = arith.addi %mul3A_2, %mul3A_86 : i32
      %dma_start3A_88 = arith.constant 0 : i32
      %dma_start3A_89 = tpu.memref_slice %arg3[%add3A_87, %dma_start3A_88] : memref<32768x64xf32, #tpu.memory_space<hbm>> -> memref<128x64xf32, #tpu.memory_space<hbm>>
      %dma_start3A_90 = arith.constant 0 : i32
      %dma_start3A_91 = tpu.memref_slice %arg3[%add3A_87, %dma_start3A_90] : memref<32768x64xf32, #tpu.memory_space<hbm>> -> memref<128x64xf32, #tpu.memory_space<hbm>>
      tpu.enqueue_dma source(%arg7 : memref<128x64xf32, #tpu.memory_space<vmem>>) target(%dma_start3A_91 : memref<128x64xf32, #tpu.memory_space<hbm>>) target_semaphore(%arg11 : memref<!tpu.dma_semaphore, #tpu.memory_space<semaphore_mem>>)
      %lt3A_92 = arith.constant 3 : i32
      %lt3A_93 = arith.cmpi slt, %scan3A_30, %lt3A_92 : i32
      %convert_element_type3A_94 = arith.extui %lt3A_93 : i1 to i32
      %cond3A_95 = arith.constant 0 : i32
      %cond3A_96 = arith.cmpi ne, %convert_element_type3A_94, %cond3A_95 : i32
      scf.if %cond3A_96 {
        %add3A_97 = arith.constant 1 : i32
        %add3A_98 = arith.addi %mul3A_32, %add3A_97 : i32
        %add3A_99 = arith.constant 2 : i32
        %add3A_100 = arith.addi %add3A_98, %add3A_99 : i32
        %mul3A_101 = arith.constant 128 : i32
        %mul3A_102 = arith.muli %add3A_100, %mul3A_101 : i32
        %add3A_103 = arith.addi %mul3A_2, %mul3A_102 : i32
        %dma_start3A_104 = arith.constant 0 : i32
        %dma_start3A_105 = tpu.memref_slice %arg2[%add3A_103, %dma_start3A_104] : memref<32768x64xf32, #tpu.memory_space<hbm>> -> memref<128x64xf32, #tpu.memory_space<hbm>>
        %dma_start3A_106 = arith.constant 0 : i32
        %dma_start3A_107 = tpu.memref_slice %arg2[%add3A_103, %dma_start3A_106] : memref<32768x64xf32, #tpu.memory_space<hbm>> -> memref<128x64xf32, #tpu.memory_space<hbm>>
        tpu.enqueue_dma source(%dma_start3A_107 : memref<128x64xf32, #tpu.memory_space<hbm>>) target(%arg5 : memref<128x64xf32, #tpu.memory_space<vmem>>) target_semaphore(%arg9 : memref<!tpu.dma_semaphore, #tpu.memory_space<semaphore_mem>>)
      } else {
      }
    }
    %scan3A_18 = arith.constant 4 : i32
    %add3A_19 = arith.constant 768 : i32
    %add3A_20 = arith.addi %mul3A_2, %add3A_19 : i32
    %dma_wait3A = arith.constant 0 : i32
    %dma_wait3A_21 = tpu.memref_slice %arg3[%add3A_20, %dma_wait3A] : memref<32768x64xf32, #tpu.memory_space<hbm>> -> memref<128x64xf32, #tpu.memory_space<hbm>>
    %dma_wait3A_22 = arith.constant 0 : i32
    %dma_wait3A_23 = tpu.memref_slice %arg3[%add3A_20, %dma_wait3A_22] : memref<32768x64xf32, #tpu.memory_space<hbm>> -> memref<128x64xf32, #tpu.memory_space<hbm>>
    tpu.wait_dma2 semaphore(%arg10 : memref<!tpu.dma_semaphore, #tpu.memory_space<semaphore_mem>>) src(%arg6 : memref<128x64xf32, #tpu.memory_space<vmem>>) dst(%dma_wait3A_23 : memref<128x64xf32, #tpu.memory_space<hbm>>)
    %add3A_24 = arith.constant 896 : i32
    %add3A_25 = arith.addi %mul3A_2, %add3A_24 : i32
    %dma_wait3A_26 = arith.constant 0 : i32
    %dma_wait3A_27 = tpu.memref_slice %arg3[%add3A_25, %dma_wait3A_26] : memref<32768x64xf32, #tpu.memory_space<hbm>> -> memref<128x64xf32, #tpu.memory_space<hbm>>
    %dma_wait3A_28 = arith.constant 0 : i32
    %dma_wait3A_29 = tpu.memref_slice %arg3[%add3A_25, %dma_wait3A_28] : memref<32768x64xf32, #tpu.memory_space<hbm>> -> memref<128x64xf32, #tpu.memory_space<hbm>>
    tpu.wait_dma2 semaphore(%arg11 : memref<!tpu.dma_semaphore, #tpu.memory_space<semaphore_mem>>) src(%arg7 : memref<128x64xf32, #tpu.memory_space<vmem>>) dst(%dma_wait3A_29 : memref<128x64xf32, #tpu.memory_space<hbm>>)
    return
  }
}

module attributes {stable_mosaic.version = 14 : i64} {
  func.func @_idx_tc_body(%arg0: i32, %arg1: memref<64x8xf32, #tpu.memory_space<vmem>>, %arg2: memref<16384x64xf32, #tpu.memory_space<vmem>>, %arg3: memref<16x8x32x32xi32, #tpu.memory_space<vmem>>) attributes {dimension_semantics = [#tpu.dimension_semantics<arbitrary>], iteration_bounds = array<i64: 2>, scalar_prefetch = 0 : i64, scratch_operands = 0 : i64, tpu.core_type = #tpu.core_type<tc>, window_params = [{pipeline_mode = #tpu.pipeline_mode<synchronous>, transform_indices = @transform_0, window_bounds = array<i64: 64, 8>}, {transform_indices = @transform_1, window_bounds = array<i64: 16384, 64>}, {transform_indices = @transform_2, window_bounds = array<i64: 16, 8, 32, 32>}]} {
    %get3A = arith.constant 0 : index
    %get3A_0 = arith.constant 0 : index
    %get3A_1 = vector.load %arg2[%get3A, %get3A_0] : memref<16384x64xf32, #tpu.memory_space<vmem>>, vector<16384x64xf32>
    %gt3A = arith.constant 0.000000e+00 : f32
    %gt3A_2 = vector.broadcast %gt3A : f32 to vector<16384x64xf32>
    %gt3A_3 = arith.cmpf ogt, %get3A_1, %gt3A_2 : vector<16384x64xf32>
    %jit3A = arith.constant 0.649641513 : f32
    %jit3A_4 = arith.constant -0.649641513 : f32
    %broadcast_in_dim3A = vector.broadcast %jit3A : f32 to vector<16384x64xf32>
    %broadcast_in_dim3A_5 = vector.broadcast %jit3A_4 : f32 to vector<16384x64xf32>
    %select_n3A = arith.select %gt3A_3, %broadcast_in_dim3A, %broadcast_in_dim3A_5 : vector<16384x64xi1>, vector<16384x64xf32>
    %gt3A_6 = arith.cmpf ogt, %get3A_1, %select_n3A : vector<16384x64xf32>
    %jit3A_7 = arith.constant 1.28247476 : f32
    %jit3A_8 = arith.constant 0.293893337 : f32
    %broadcast_in_dim3A_9 = vector.broadcast %jit3A_7 : f32 to vector<16384x64xf32>
    %broadcast_in_dim3A_10 = vector.broadcast %jit3A_8 : f32 to vector<16384x64xf32>
    %select_n3A_11 = arith.select %gt3A_6, %broadcast_in_dim3A_9, %broadcast_in_dim3A_10 : vector<16384x64xi1>, vector<16384x64xf32>
    %jit3A_12 = arith.constant -0.293893337 : f32
    %jit3A_13 = arith.constant -1.28247476 : f32
    %broadcast_in_dim3A_14 = vector.broadcast %jit3A_12 : f32 to vector<16384x64xf32>
    %broadcast_in_dim3A_15 = vector.broadcast %jit3A_13 : f32 to vector<16384x64xf32>
    %select_n3A_16 = arith.select %gt3A_6, %broadcast_in_dim3A_14, %broadcast_in_dim3A_15 : vector<16384x64xi1>, vector<16384x64xf32>
    %select_n3A_17 = arith.select %gt3A_3, %select_n3A_11, %select_n3A_16 : vector<16384x64xi1>, vector<16384x64xf32>
    %gt3A_18 = arith.cmpf ogt, %get3A_1, %select_n3A_17 : vector<16384x64xf32>
    %jit3A_19 = arith.constant 4.000000e+00 : f32
    %jit3A_20 = arith.constant 0.000000e+00 : f32
    %broadcast_in_dim3A_21 = vector.broadcast %jit3A_19 : f32 to vector<16384x64xf32>
    %broadcast_in_dim3A_22 = vector.broadcast %jit3A_20 : f32 to vector<16384x64xf32>
    %select_n3A_23 = arith.select %gt3A_3, %broadcast_in_dim3A_21, %broadcast_in_dim3A_22 : vector<16384x64xi1>, vector<16384x64xf32>
    %jit3A_24 = arith.constant 2.000000e+00 : f32
    %jit3A_25 = arith.constant 0.000000e+00 : f32
    %broadcast_in_dim3A_26 = vector.broadcast %jit3A_24 : f32 to vector<16384x64xf32>
    %broadcast_in_dim3A_27 = vector.broadcast %jit3A_25 : f32 to vector<16384x64xf32>
    %select_n3A_28 = arith.select %gt3A_6, %broadcast_in_dim3A_26, %broadcast_in_dim3A_27 : vector<16384x64xi1>, vector<16384x64xf32>
    %add3A = arith.addf %select_n3A_23, %select_n3A_28 : vector<16384x64xf32>
    %jit3A_29 = arith.constant 1.000000e+00 : f32
    %jit3A_30 = arith.constant 0.000000e+00 : f32
    %broadcast_in_dim3A_31 = vector.broadcast %jit3A_29 : f32 to vector<16384x64xf32>
    %broadcast_in_dim3A_32 = vector.broadcast %jit3A_30 : f32 to vector<16384x64xf32>
    %select_n3A_33 = arith.select %gt3A_18, %broadcast_in_dim3A_31, %broadcast_in_dim3A_32 : vector<16384x64xi1>, vector<16384x64xf32>
    %add3A_34 = arith.addf %add3A, %select_n3A_33 : vector<16384x64xf32>
    %get3A_35 = arith.constant 0 : index
    %get3A_36 = arith.constant 0 : index
    %get3A_37 = vector.load %arg1[%get3A_35, %get3A_36] : memref<64x8xf32, #tpu.memory_space<vmem>>, vector<64x8xf32>
    %dot_general3A = arith.constant dense<0.000000e+00> : vector<16384x8xf32>
    %dot_general3A_38 = tpu.matmul %add3A_34, %get3A_37, %dot_general3A {dimension_numbers = #tpu.dot_dimension_numbers<[1], [0], [0], [1], [0, 0, 1, 1], [], []>, transpose_lhs_hint = false} : vector<16384x64xf32>, vector<64x8xf32>, vector<16384x8xf32> -> vector<16384x8xf32>
    %convert_element_type3A = arith.fptosi %dot_general3A_38 : vector<16384x8xf32> to vector<16384x8xi32>
    %reshape3A = vector.shape_cast %convert_element_type3A : vector<16384x8xi32> to vector<16x1024x8xi32>
    %transpose3A = tpu.transpose %reshape3A, [0, 2, 1] : vector<16x1024x8xi32> -> vector<16x8x1024xi32>
    %reshape3A_39 = vector.shape_cast %transpose3A : vector<16x8x1024xi32> to vector<16x8x32x32xi32>
    %swap3A = arith.constant 0 : index
    %swap3A_40 = arith.constant 0 : index
    %swap3A_41 = arith.constant 0 : index
    %swap3A_42 = arith.constant 0 : index
    %swap3A_43 = vector.load %arg3[%swap3A, %swap3A_40, %swap3A_41, %swap3A_42] : memref<16x8x32x32xi32, #tpu.memory_space<vmem>>, vector<16x8x32x32xi32>
    tpu.vector_store %arg3[%swap3A, %swap3A_40, %swap3A_41, %swap3A_42], %reshape3A_39 {strides = array<i32>} : memref<16x8x32x32xi32, #tpu.memory_space<vmem>>, vector<16x8x32x32xi32>,
    return
  }
  func.func @transform_0(%arg0: i32) -> (i32, i32) {
    %c0_i32 = arith.constant 0 : i32
    %c0_i32_0 = arith.constant 0 : i32
    %c0_i32_1 = arith.constant 0 : i32
    return %c0_i32, %c0_i32_0 : i32, i32
  }
  func.func @transform_1(%arg0: i32) -> (i32, i32) {
    %c0_i32 = arith.constant 0 : i32
    %c0_i32_0 = arith.constant 0 : i32
    return %arg0, %c0_i32 : i32, i32
  }
  func.func @transform_2(%arg0: i32) -> (i32, i32, i32, i32) {
    %c0_i32 = arith.constant 0 : i32
    %c0_i32_0 = arith.constant 0 : i32
    %c0_i32_1 = arith.constant 0 : i32
    %c0_i32_2 = arith.constant 0 : i32
    return %arg0, %c0_i32, %c0_i32_0, %c0_i32_1 : i32, i32, i32, i32
  }
}

</mosaic_0001>

<sc_bundles>
// kernel: kernel.4.cloned.1.call-start
scs
__scs_entry_jumppad:
0x0: {  	(pc) =	sbr.rel $0x88, $3  }
0x1: {  	(tag) =	ssettag $0x0;
	lr =	simm.s32 $0x1  }
0x2: {  	[smem:$0x3FA0] =	sst lr;
	_ =	strace $0xD0000000  }
0x3: {  	_ = 	snop  }
0x4: {  	_ = 	snop  }
0x5: {  	_ = 	snop  }
0x6: {  	_ = 	snop  }
0x7: {  	_ = 	snop  }
__scs_overlays_trampoline_lowered:
0x8: {  	[smem:$0x3FAF] =	sst s0  }
0x9: {  	[smem:$0x3FB0] =	sst s1  }
0xa: {  	[smem:$0x3FB1] =	sst s2  }
0xb: {  	[smem:$0x3FB2] =	sst s3  }
0xc: {  	[smem:$0x3FB3] =	sst s4  }
0xd: {  	[smem:$0x3FB4] =	sst s5  }
0xe: {  	[smem:$0x3FB5] =	sst s6  }
0xf: {  	[smem:$0x3FB6] =	sst s7  }
0x10: {  	[smem:$0x3FB7] =	sst s8  }
0x11: {  	[smem:$0x3FB8] =	sst s9;
	s0 =	simm.s32 @!p0 $0x0  }
0x12: {  	s1 =	sld [smem:$0x3F9E];
	s0 =	simm.s32 @p0 $0x1  }
0x13: {  	[smem:$0x3FB9] =	sst s0;
	s0 =	simm.s32 @!p1 $0x0  }
0x14: {  	s2 =	sld [smem:$0x3F9D];
	s0 =	simm.s32 @p1 $0x1  }
0x15: {  	[smem:$0x3FBA] =	sst s0;
	s0 =	simm.s32 @!p2 $0x0  }
0x16: {  	s3 =	sld [smem:$0x3FDB];
	s0 =	simm.s32 @p2 $0x1  }
0x17: {  	s4 =	simm.s32 $0x1BF5;
	[smem:$0x3FBC] =	sst s0  }
0x18: {  	s0 =	sld [smem:$0x3F9F];
	_ =	swait.ge [sflag:s4], $0x0  }
0x19: {  	s7 =	sld [smem:$0x3FA0]  }
0x1a: {  	s8 =	sadd.s32 $0xFFFFE003, lr  }
0x1b: {  	s9 =	sadd.s32 $0xFFFFFEF7, lr;
	s5 =	simm.s32 $0xFFFFFFFF;
	p2 =	slt.u32 s8, $0xFFFFF086  }
0x1c: {  	p1 =	slt.u32 s9, $0xF7A;
	s5 =	simm.s32 @!p2 $0x0  }
0x1d: {  	s5 =	simm.s32 @p1 $0x1;
	p0 =	seq.s32 s7, s2  }
0x1e: {  	s7 =	smul.u32 @!p0 $0xF7A, s2;
	p2 =	seq.s32 @!p0 s5, $0x0  }
0x1f: {  	s9 =	smul.u32 $0xF7A, s1;
	s8 =	simm.s32 @!p0 $0x1BF5;
	p2 =	por !p2, p0  }
0x20: {  	[sflag:s8] =	ssyncset.s32 @!p0 $0xFFFFF086;
	s6 =	sadd.s32 @!p0 s3, s7;
	s7 =	simm.s32 @!p0 $0x108  }
0x21: {  	s3 =	sadd.s32 s3, s9;
	s6 =	sadd.s32 @!p0 $0x88, s6;
	s7 =	simm.s32 @p2 $0x1082  }
0x22: {  	[simem:s7], [sflag:s8] =	dma.local @!p0 [hbm:s6], $0xF7A  }
0x23: {  	s9 =	sor.u32 $0xD0000000, s2;
	s6 =	simm.s32 $0x108;
	_ =	swait.ge @!p0 [sflag:s8], $0x0  }
0x24: {  	s3 =	sadd.s32 $0x88, s3;
	s6 =	simm.s32 @!p1 $0x1082;
	[sflag:s4] =	ssyncset.s32 $0xFFFFF086  }
0x25: {  	[simem:s6], [sflag:s4] =	dma.local [hbm:s3], $0xF7A  }
0x26: {  	[smem:$0x3FA0] =	sst s1;
	(tag) =	ssettag s2;
	_ =	strace s9  }
0x27: {  	s1 =	sld [smem:$0x3FB0]  }
0x28: {  	s2 =	sld [smem:$0x3FB1]  }
0x29: {  	s4 =	sld [smem:$0x3FB3]  }
0x2a: {  	p0 =	seq.s32 s5, $0x0;
	s5 =	sld [smem:$0x3FB4]  }
0x2b: {  	s6 =	sld [smem:$0x3FB5]  }
0x2c: {  	s7 =	sld [smem:$0x3FB6]  }
0x2d: {  	s3 =	simm.s32 $0x108;
	s8 =	sld [smem:$0x3FB7]  }
0x2e: {  	s3 =	simm.s32 @!p0 $0x1082;
	s9 =	sld [smem:$0x3FB8]  }
0x2f: {  	lr =	sadd.s32 s0, s3;
	s0 =	sld [smem:$0x3FAF]  }
0x30: {  	s3 =	sld [smem:$0x3FB2]  }
0x31: {  	[smem:$0x3FBB] =	sst s10  }
0x32: {  	s10 =	sld [smem:$0x3FB9];
	_ =	sdelay $0x3  }
0x33: {  	p0 =	seq.s32 s10, $0x1;
	s10 =	sld [smem:$0x3FBB];
	_ =	sdelay $0x3  }
0x34: {  	[smem:$0x3FBB] =	sst s10  }
0x35: {  	s10 =	sld [smem:$0x3FBA];
	_ =	sdelay $0x3  }
0x36: {  	p1 =	seq.s32 s10, $0x1;
	s10 =	sld [smem:$0x3FBB];
	_ =	sdelay $0x3  }
0x37: {  	[smem:$0x3FBB] =	sst s10  }
0x38: {  	s10 =	sld [smem:$0x3FBC]  }
0x39: {  	_ = 	snop;
	(pc) =	sbr.ind lr, $3  }
0x3a: {  	_ = 	snop  }
0x3b: {  	_ = 	snop  }
0x3c: {  	p2 =	seq.s32 s10, $0x1;
	s10 =	sld [smem:$0x3FBB]  }
0x3d: {  	_ =	shalt  }
0x3e: {  	_ =	shalt  }
0x3f: {  	_ =	shalt  }
0x40: {  	_ =	shalt  }
0x41: {  	_ =	shalt  }
0x42: {  	_ =	shalt  }
0x43: {  	_ =	shalt  }
0x44: {  	_ =	shalt  }
0x45: {  	_ =	shalt  }
0x46: {  	_ =	shalt  }
0x47: {  	_ =	shalt  }
0x48: {  	_ =	shalt  }
0x49: {  	_ =	shalt  }
0x4a: {  	_ =	shalt  }
0x4b: {  	_ =	shalt  }
0x4c: {  	_ =	shalt  }
0x4d: {  	_ =	shalt  }
0x4e: {  	_ =	shalt  }
0x4f: {  	_ =	shalt  }
0x50: {  	_ =	shalt  }
0x51: {  	_ =	shalt  }
0x52: {  	_ =	shalt  }
0x53: {  	_ =	shalt  }
0x54: {  	_ =	shalt  }
0x55: {  	_ =	shalt  }
0x56: {  	_ =	shalt  }
0x57: {  	_ =	shalt  }
0x58: {  	_ =	shalt  }
0x59: {  	_ =	shalt  }
0x5a: {  	_ =	shalt  }
0x5b: {  	_ =	shalt  }
0x5c: {  	_ =	shalt  }
0x5d: {  	_ =	shalt  }
0x5e: {  	_ =	shalt  }
0x5f: {  	_ =	shalt  }
0x60: {  	_ =	shalt  }
0x61: {  	_ =	shalt  }
0x62: {  	_ =	shalt  }
0x63: {  	_ =	shalt  }
0x64: {  	_ =	shalt  }
0x65: {  	_ =	shalt  }
0x66: {  	_ =	shalt  }
0x67: {  	_ =	shalt  }
0x68: {  	_ =	shalt  }
0x69: {  	_ =	shalt  }
0x6a: {  	_ =	shalt  }
0x6b: {  	_ =	shalt  }
0x6c: {  	_ =	shalt  }
0x6d: {  	_ =	shalt  }
0x6e: {  	_ =	shalt  }
0x6f: {  	_ =	shalt  }
0x70: {  	_ =	shalt  }
0x71: {  	_ =	shalt  }
0x72: {  	_ =	shalt  }
0x73: {  	_ =	shalt  }
0x74: {  	_ =	shalt  }
0x75: {  	_ =	shalt  }
0x76: {  	_ =	shalt  }
0x77: {  	_ =	shalt  }
0x78: {  	_ =	shalt  }
0x79: {  	_ =	shalt  }
0x7a: {  	_ =	shalt  }
0x7b: {  	_ =	shalt  }
0x7c: {  	_ =	shalt  }
0x7d: {  	_ =	shalt  }
0x7e: {  	_ =	shalt  }
0x7f: {  	_ =	shalt  }
0x80: {  	_ =	shalt  }
0x81: {  	_ =	shalt  }
0x82: {  	_ =	shalt  }
0x83: {  	_ =	shalt  }
0x84: {  	_ =	shalt  }
0x85: {  	_ =	shalt  }
0x86: {  	_ =	shalt  }
0x87: {  	_ =	shalt  }
.Lfunc_end0:
.L_simem_size_0:
called_computation_lowered:
.L_overlay_start_0:
0x88: {  	s2 =	sld [smem:$0x3FD9]  }
0x89: {  	s3 =	sld [smem:$0x3FFE];
	_ =	sdelay $0x1  }
0x8a: {  	s1 =	srdreg.scid  }
0x8b: {  	s0 =	sand.u32 $0x1, s1  }
0x8c: {  	s15 =	sshll.u32 s0, $0xA;
	s2 =	sadd.s32 s3, s2  }
0x8d: {  	s2 =	sadd.s32 s2, s15  }
0x8e: {  	[smem:$0x3FC7] =	sst s2  }
0x8f: {  	_ = 	snop  }
0x90: {  	s2 =	sld [smem:$0x3FD0];
	_ =	sdelay $0x2  }
0x91: {  	s4 =	simm.s32 $0xA;
	s5 =	simm.s32 $0x10;
	s16 =	sld [smem:$0x3FC9]  }
0x92: {  	[smem:s5], [sflag:s4] =	dma.local [hbm:s2], $0x1  }
0x93: {  	_ =	swait.eq [sflag:s4], $0x1  }
0x94: {  	[sflag:s4] =	ssyncset.done $0x0  }
0x95: {  	[sflag:s4] =	ssyncadd.s32 $0xFFFFFFFF  }
0x96: {  	s17 =	sld [smem:$0x10];
	(tm) =	ssettm $0x1  }
0x97: {  	s18 =	sld [smem:$0x3FFB];
	_ =	sdelay $0x3  }
0x98: {  	_ =	strace s18  }
0x99: {  	s4 =	sld [smem:$0x3FFC];
	_ =	sdelay $0x3  }
0x9a: {  	_ =	strace s4  }
0x9b: {  	s4 =	sld [smem:$0x3FFD];
	_ =	sdelay $0x3  }
0x9c: {  	_ =	strace s4  }
0x9d: {  	_ =	strace $0x8FFFFFFF  }
0x9e: {  	s19 =	sld [smem:$0x3FDB];
	_ =	sdelay $0x1  }
0x9f: {  	s20 =	simm.s32 $_scs_section_size  }
0xa0: {  	s6 =	simm.s32 $_size__tile_overlayer_lowered;
	s7 =	simm.s32 $_tile_overlayer_lowered  }
0xa1: {  	s23 =	simm.s32 $0x1BFF;
	s22 =	sshll.u32 s7, $0x1;
	s4 =	sadd.s32 s20, s19  }
0xa2: {  	s8 =	simm.s32 $0x0;
	s21 =	sshll.u32 s6, $0x1;
	s6 =	sadd.s32 s22, s4  }
0xa3: {  	[timem:s8], [sflag:s23] =	dma.local [hbm:s6], s21  }
0xa4: {  	_ =	swait.ge [sflag:s23], s21  }
0xa5: {  	s5 =	ssub.s32 $0x0, s21;
	[sflag:s23] =	ssyncset.done $0x0  }
0xa6: {  	[sflag:s23] =	ssyncadd.s32 s5;
	_ =	sdelay $0x1  }
0xa7: {  	s24 =	simm.s32 $0x1B8B  }
0xa8: {  	_ =	swait.ge [sflag:s24], $0x1  }
0xa9: {  	[sflag:s24] =	ssyncset.done $0x0  }
0xaa: {  	s25 =	simm.s32 $0x1B8E;
	[sflag:s24] =	ssyncadd.s32 $0xFFFFFFFF  }
0xab: {  	s26 =	simm.s32 $execute0_lowered;
	[smem:$0x3FD2] =	sst s25  }
0xac: {  	s5 =	sshll.u32 s26, $0x1;
	_ =	strace $0x80000046;
	[dreg:$0x1] =	wrdreg $0xFFFFFFFF  }
0xad: {  	s28 =	simm.s32 $_size_execute0_lowered;
	s4 =	sadd.s32 s4, s5;
	[dreg:$0x0] =	wrdreg $0x0  }
0xae: {  	s5 =	sshll.u32 s28, $0x1;
	[dreg:$0x2] =	wrdreg s4  }
0xaf: {  	[dreg:$0x3] =	wrdreg s5  }
0xb0: {  	[dreg:$0x4] =	wrdreg $0xC0  }
0xb1: {  	_ =	task [dreg:s8], $0x5FFFF  }
0xb2: {  	[dreg:$0x1] =	wrdreg $0xFFFFFFFF  }
0xb3: {  	[dreg:$0x0] =	wrdreg $0x60  }
0xb4: {  	[dreg:$0x2] =	wrdreg s16  }
0xb5: {  	[dreg:$0x3] =	wrdreg s17  }
0xb6: {  	[dreg:$0x4] =	wrdreg $0x9  }
0xb7: {  	_ =	task.clear_ibuf [dreg:s8], $0x5FFFF;
	_ =	strace $0x90000046  }
0xb8: {  	s29 =	simm.s32 $0x9;
	_ =	strace $0x80000048  }
0xb9: {  	_ =	swait.ge [sflag:s29], $0x1  }
0xba: {  	[sflag:s29] =	ssyncadd.s32 $0xFFFFFFFF  }
0xbb: {  	_ =	strace $0x90000048  }
0xbc: {  	_ =	sfence  }
0xbd: {  	s30 =	sld [smem:$0x0];
	_ =	sdelay $0x2  }
0xbe: {  	s31 =	sshll.u32 s1, $0xD;
	s1 =	sshrl.u32 s1, $0x2  }
0xbf: {  	s3 =	sand.u32 $0x4000, s31;
	s1 =	sadd.s32 s1, s30  }
0xc0: {  	s0 =	sor.u32 s3, s0;
	s1 =	sshll.u32 s1, $0x11  }
0xc1: {  	s0 =	sor.u32 s1, s0  }
0xc2: {  	s0 =	sadd.s32 $0x8F2B, s0  }
0xc3: {  	[sflag:s0] =	ssyncadd.remote.s32 $0x1  }
0xc4: {  	_ =	sfence.sel $0xFFFF  }
0xc5: {  	[dreg:$0x0] =	wrdreg $0xFFFFFFFF;
	(pc) =	sbr.abs _section_cstart, $3  }
0xc6: {  	[dreg:$0x1] =	wrdreg $0xFFFFFFFF  }
0xc7: {  	_ =	task.clear_ibuf [dreg:s8], $0x2FFFF;
	_ =	strace $0x9FFFFFFF  }
0xc8: {  	(tm) =	ssettm $0x7FFFFFFF  }
0xc9: {  	_ =	shalt  }
tec
execute0_lowered:
.L_overlay_start_1:
0x0: {  	(tag) =	ssettag $0x1  }
0x1: {  	s1 =	srdreg.scid;
	s2 =	rddreg [dreg:$0x0]  }
0x2: {  	s0 =	stileid.u32;
	s3 =	rddreg [dreg:$0x1]  }
0x3: {  	s12 =	simm.s32 $0x4000;
	s13 =	simm.s32 $0x1;
	s14 =	simm.s32 $0x8000  }
0x4: {  	s15 =	simm.s32 $0x2;
	s16 =	simm.s32 $0xC000;
	s17 =	simm.s32 $0x3  }
0x5: {  	s18 =	simm.s32 $0x4;
	s19 =	simm.s32 $0x0;
	s6 =	sand.u32 $0x1, s1  }
0x6: {  	s4 =	sshll.u32 s0, $0xB;
	s1 =	rddreg [dreg:$0x2];
	s5 =	sshll.u32 s6, $0xA  }
.Ltmp0:
0x7: {  	s7 =	ssub.s32 $0x2, s6;
	s4 =	sor.u32 s5, s4;
	(pc) =	sbr.rel .LBB2_1-.Ltmp0, $4  }
0x8: {  	s5 =	simm.s32 $0x0;
	s9 =	sshrl.u32 s7, $0x1;
	s8 =	sshll.u32 s4, $0x4  }
0x9: {  	[smem:$0x7FF] =	sst s5;
	s11 =	ssub.s32 s7, s9;
	s9 =	sor.u32 $0x100, s4  }
0xa: {  	v0 =	vimm.f32 $0.0e+00;
	v1 =	vimm.f32 $-6.496415130e-01;
	s10 =	sor.u32 $0x180, s4;
	s6 =	sadd.s32 s2, s8;
	_ =	strace $0x80000047  }
0xb: {  	v2 =	vimm.f32 $2.938933370e-01;
	v3 =	vimm.f32 $-1.282474760e+00;
	v4 =	vimm.f32 $-1.000000000e+00;
	s8 =	sadd.s32 s3, s8;
	s11 =	smax.u32 s11, $0x1;
	s7 =	sadd.s32 $0x800, s6  }
.LBB2_8:
0xc: {  	s19 =	sadd.s32 $0x1, s19  }
0xd: {  	_ =	swait.ge [sflag:s17], $0x4000;
	p0 =	sne.s32 s19, s11  }
.Ltmp1:
0xe: {  	[sflag:s17] =	ssyncset.done $0x0;
	(pc) =	sbr.rel @!p0 .LBB2_9-.Ltmp1, $4  }
0xf: {  	[sflag:s17] =	ssyncadd.s32 $0xFFFFC000  }
0x10: {  	_ =	swait.ge [sflag:s18], $0x4000  }
0x11: {  	[sflag:s18] =	ssyncset.done $0x0  }
0x12: {  	[sflag:s18] =	ssyncadd.s32 $0xFFFFC000  }
.LBB2_1:
0x13: {  	[tilespmem:s5], [sflag:$0x1] =	stream.linear.gather [hbm4b:s6+s5], $0x4000, $0x38;
	[tilespmem:$0x10000] =	vst v63  }
0x14: {  	s20 =	simm.s32 $0x0  }
0x15: {  	[tilespmem:s12], [sflag:$0x2] =	stream.linear.gather [hbm4b:s7+s5], $0x4000, $0x38;
	[tilespmem:$0x10000] =	vst v63  }
.LBB2_2:
0x16: {  	_ =	swait.ge [sflag:s13], $0x4000  }
0x17: {  	p0 =	seq.s32 s20, $0x0;
	[sflag:s13] =	ssyncset.done $0x0  }
0x18: {  	s21 =	simm.s32 @!p0 $0x3;
	[sflag:s13] =	ssyncadd.s32 $0xFFFFC000  }
0x19: {  	_ =	swait.ge @!p0 [sflag:s21], $0x4000  }
0x1a: {  	[sflag:s21] =	ssyncset.done @!p0 $0x0  }
0x1b: {  	s22 =	simm.s32 $0x0;
	[sflag:s21] =	ssyncadd.s32 @!p0 $0xFFFFC000  }
0x1c: {  	v7 =	vld [tilespmem:s22+$0x180];
	_ =	sdelay $0x2  }
0x1d: {  	v10 =	vld [tilespmem:s22+$0x10]  }
0x1e: {  	v9 =	vld [tilespmem:s22+$0x190]  }
0x1f: {  	v18 =	vld [tilespmem:s22+$0x130];
	vm0 =	vgt.f32 v7, $0.0e+00  }
0x20: {  	v12 =	vld [tilespmem:s22+$0x90];
	v5 =	vsel vm0, $0x3F264EE8, v1  }
0x21: {  	vm1 =	vgt.f32 v7, v5  }
0x22: {  	vm4 =	vgt.f32 v10, $0.0e+00;
	v6 =	vsel vm1, $0x3FA42822, v2;
	v11 =	vsel vm1, $0xBE967930, v3  }
0x23: {  	v13 =	vsel vm0, $0x3F924925, v0;
	v14 =	vsel vm1, $0x3F124925, v0;
	v11 =	vsel vm0, v6, v11  }
0x24: {  	vm5 =	vgt.f32 v9, $0.0e+00;
	v13 =	vadd.f32 v14, v13;
	vm0 =	vgt.f32 v7, v11  }
0x25: {  	v16 =	vld [tilespmem:s22+$0x20];
	vm2 =	vgt.f32 v18, $0.0e+00;
	vm3 =	vgt.f32 v12, $0.0e+00;
	v11 =	vsel vm0, $0xBF36DB6E, v4  }
0x26: {  	v20 =	vsel vm5, $0x3F264EE8, v1;
	v24 =	vsel vm2, $0x3F924925, v0;
	v11 =	vadd.f32 v11, v13  }
0x27: {  	v8 =	vld [tilespmem:s22+$0x1A0];
	v22 =	vsel vm3, $0x3F264EE8, v1;
	v25 =	vsel vm5, $0x3F924925, v0;
	v26 =	vsel vm4, $0x3F924925, v0  }
0x28: {  	v40 =	vsel vm2, $0x3F264EE8, v1;
	vm6 =	vgt.f32 v9, v20;
	v20 =	vsel vm3, $0x3F924925, v0;
	[tilespmem:s22+$0x8180] =	vst v11;
	v11 =	vld [tilespmem:s22+$0x1B0]  }
0x29: {  	v21 =	vsel vm6, $0xBE967930, v3;
	v23 =	vsel vm6, $0x3FA42822, v2;
	v6 =	vld [tilespmem:s22+$0x30]  }
0x2a: {  	vm1 =	vgt.f32 v16, $0.0e+00;
	v21 =	vsel vm5, v23, v21;
	v23 =	vsel vm6, $0x3F124925, v0  }
0x2b: {  	v43 =	vsel vm1, $0x3F924925, v0;
	vm5 =	vgt.f32 v9, v21;
	v25 =	vadd.f32 v23, v25  }
0x2c: {  	vm0 =	vgt.f32 v8, $0.0e+00;
	v21 =	vsel vm5, $0xBF36DB6E, v4;
	v13 =	vsel vm4, $0x3F264EE8, v1  }
0x2d: {  	v14 =	vld [tilespmem:s22+$0x100];
	v25 =	vadd.f32 v21, v25;
	vm7 =	vgt.f32 v10, v13;
	vm6 =	vgt.f32 v11, $0.0e+00  }
0x2e: {  	v13 =	vsel vm7, $0xBE967930, v3;
	vm8 =	vgt.f32 v6, $0.0e+00;
	v9 =	vsel vm6, $0x3F264EE8, v1  }
0x2f: {  	v51 =	vsel vm7, $0x3F124925, v0;
	v33 =	vsel vm8, $0x3F264EE8, v1;
	vm5 =	vgt.f32 v11, v9  }
0x30: {  	v26 =	vadd.f32 v51, v26;
	v9 =	vsel vm5, $0x3FA42822, v2;
	v28 =	vsel vm5, $0xBE967930, v3  }
0x31: {  	vm10 =	vgt.f32 v6, v33;
	v27 =	vsel vm6, $0x3F924925, v0;
	v9 =	vsel vm6, v9, v28  }
0x32: {  	v19 =	vld [tilespmem:s22+$0x110];
	v28 =	vsel vm5, $0x3F124925, v0;
	vm6 =	vgt.f32 v14, $0.0e+00;
	vm5 =	vgt.f32 v11, v9  }
0x33: {  	v15 =	vld [tilespmem:s22+$0xA0];
	v9 =	vsel vm7, $0x3FA42822, v2;
	v11 =	vsel vm0, $0x3F264EE8, v1;
	v34 =	vsel vm6, $0x3F264EE8, v1  }
0x34: {  	v58 =	vadd.f32 v28, v27;
	v29 =	vsel vm5, $0xBF36DB6E, v4;
	vm5 =	vgt.f32 v8, v11  }
0x35: {  	v9 =	vsel vm4, v9, v13;
	vm4 =	vgt.f32 v12, v22;
	vm7 =	vgt.f32 v14, v34  }
0x36: {  	v11 =	vsel vm5, $0x3FA42822, v2;
	v13 =	vsel vm5, $0xBE967930, v3;
	v22 =	vsel vm4, $0x3F124925, v0  }
0x37: {  	v30 =	vsel vm4, $0xBE967930, v3;
	v31 =	vsel vm4, $0x3FA42822, v2;
	v32 =	vsel vm5, $0x3F124925, v0  }
0x38: {  	vm5 =	vgt.f32 v19, $0.0e+00;
	vm4 =	vgt.f32 v15, $0.0e+00;
	v41 =	vsel vm7, $0xBE967930, v3  }
0x39: {  	v42 =	vsel vm7, $0x3FA42822, v2;
	v11 =	vsel vm0, v11, v13;
	v13 =	vsel vm0, $0x3F924925, v0  }
0x3a: {  	v35 =	vsel vm5, $0x3F264EE8, v1;
	v30 =	vsel vm3, v31, v30;
	v55 =	vsel vm5, $0x3F924925, v0  }
0x3b: {  	v56 =	vsel vm6, v42, v41;
	v27 =	vsel vm4, $0x3F264EE8, v1;
	vm3 =	vgt.f32 v8, v11  }
0x3c: {  	v8 =	vsel vm1, $0x3F264EE8, v1;
	v11 =	vsel vm7, $0x3F124925, v0;
	vm7 =	vgt.f32 v18, v40  }
0x3d: {  	v5 =	vld [tilespmem:s22+$0xB0];
	v23 =	vadd.f32 v32, v13;
	v31 =	vsel vm3, $0xBF36DB6E, v4;
	vm3 =	vgt.f32 v19, v35  }
0x3e: {  	v13 =	vsel vm6, $0x3F924925, v0;
	v46 =	vsel vm7, $0x3F124925, v0;
	v52 =	vsel vm3, $0x3FA42822, v2  }
0x3f: {  	v36 =	vsel vm3, $0x3F124925, v0;
	v37 =	vsel vm3, $0xBE967930, v3;
	vm3 =	vgt.f32 v16, v8  }
0x40: {  	v23 =	vadd.f32 v31, v23;
	v24 =	vadd.f32 v46, v24;
	v8 =	vsel vm3, $0xBE967930, v3  }
0x41: {  	v38 =	vsel vm3, $0x3F124925, v0;
	v39 =	vsel vm3, $0x3FA42822, v2;
	vm3 =	vgt.f32 v10, v9  }
0x42: {  	v17 =	vld [tilespmem:s22+$0x80];
	v10 =	vsel vm7, $0xBE967930, v3;
	v36 =	vadd.f32 v36, v55;
	v44 =	vsel vm3, $0xBF36DB6E, v4  }
0x43: {  	vm3 =	vgt.f32 v12, v30;
	v9 =	vsel vm1, v39, v8;
	vm1 =	vgt.f32 v5, $0.0e+00  }
0x44: {  	v8 =	vsel vm7, $0x3FA42822, v2;
	v30 =	vsel vm4, $0x3F924925, v0;
	v12 =	vsel vm3, $0xBF36DB6E, v4  }
0x45: {  	v53 =	vsel vm2, v8, v10;
	v54 =	vsel vm1, $0x3F264EE8, v1;
	v8 =	vsel vm10, $0x3F124925, v0  }
0x46: {  	v45 =	vsel vm1, $0x3F924925, v0;
	v10 =	vsel vm8, $0x3F924925, v0;
	vm6 =	vgt.f32 v16, v9  }
0x47: {  	v9 =	vsel vm5, v52, v37;
	vm5 =	vgt.f32 v17, $0.0e+00;
	vm3 =	vgt.f32 v5, v54  }
0x48: {  	v7 =	vld [tilespmem:s22+$0x0];
	v16 =	vsel vm6, $0xBF36DB6E, v4;
	vm6 =	vgt.f32 v18, v53;
	v18 =	vsel vm5, $0x3F264EE8, v1  }
0x49: {  	v33 =	vsel vm3, $0x3F124925, v0;
	v31 =	vsel vm6, $0xBF36DB6E, v4;
	vm6 =	vgt.f32 v19, v9  }
0x4a: {  	v9 =	vadd.f32 v22, v20;
	v57 =	vsel vm6, $0xBF36DB6E, v4;
	vm6 =	vgt.f32 v17, v18  }
0x4b: {  	v20 =	vsel vm5, $0x3F924925, v0;
	v18 =	vsel vm6, $0x3FA42822, v2;
	v19 =	vsel vm6, $0xBE967930, v3  }
0x4c: {  	v22 =	vadd.f32 v38, v43;
	v28 =	vsel vm6, $0x3F124925, v0;
	v18 =	vsel vm5, v18, v19;
	v19 =	vld [tilespmem:s22+$0x120]  }
0x4d: {  	v24 =	vadd.f32 v31, v24;
	vm5 =	vgt.f32 v7, $0.0e+00;
	v28 =	vadd.f32 v28, v20  }
0x4e: {  	[tilespmem:s22+$0x81A0] =	vst v23;
	v23 =	vsel vm5, $0x3F924925, v0;
	vm6 =	vgt.f32 v17, v18;
	v59 =	vsel vm5, $0x3F264EE8, v1  }
0x4f: {  	v18 =	vsel vm3, $0x3FA42822, v2;
	v17 =	vsel vm6, $0xBF36DB6E, v4;
	vm6 =	vgt.f32 v15, v27  }
0x50: {  	v27 =	vsel vm10, $0xBE967930, v3;
	v60 =	vsel vm6, $0x3F124925, v0;
	v61 =	vsel vm6, $0x3FA42822, v2  }
0x51: {  	v62 =	vsel vm6, $0xBE967930, v3;
	v17 =	vadd.f32 v17, v28;
	vm6 =	vgt.f32 v19, $0.0e+00  }
0x52: {  	v39 =	vsel vm4, v61, v62;
	v20 =	vadd.f32 v60, v30;
	v63 =	vsel vm6, $0x3F264EE8, v1  }
0x53: {  	vm4 =	vgt.f32 v15, v39;
	v15 =	vadd.f32 v33, v45;
	vm7 =	vgt.f32 v19, v63  }
0x54: {  	v30 =	vsel vm6, $0x3F924925, v0;
	v31 =	vsel vm7, $0x3FA42822, v2;
	v40 =	vsel vm7, $0xBE967930, v3  }
0x55: {  	[tilespmem:s22+$0x8130] =	vst v24;
	v24 =	vsel vm7, $0x3F124925, v0;
	v28 =	vsel vm6, v31, v40;
	v31 =	vadd.f32 v44, v26  }
0x56: {  	[tilespmem:s22+$0x8080] =	vst v17;
	v26 =	vadd.f32 v57, v36;
	vm6 =	vgt.f32 v14, v56;
	v17 =	vadd.f32 v24, v30  }
0x57: {  	s25 =	simm.s32 $0x800;
	s21 =	sshll.u32 s20, $0x8;
	v14 =	vadd.f32 v29, v58;
	v24 =	vsel vm6, $0xBF36DB6E, v4;
	vm6 =	vgt.f32 v7, v59;
	[tilespmem:s22+$0x8010] =	vst v31  }
.LBB2_3:
0x58: {  	v29 =	vsel vm6, $0x3FA42822, v2  }
0x59: {  	v30 =	vsel vm6, $0xBE967930, v3;
	v11 =	vadd.f32 v11, v13;
	v8 =	vadd.f32 v8, v10  }
0x5a: {  	s24 =	sshra.s32 s25, $0x2;
	v9 =	vadd.f32 v12, v9;
	[tilespmem:s22+$0x8110] =	vst v26;
	v13 =	vsel vm5, v29, v30;
	v26 =	vsel vm6, $0x3F124925, v0  }
0x5b: {  	v21 =	vld [tilespmem:s24+$0x1A0];
	[tilespmem:s22+$0x8190] =	vst v25;
	vm5 =	vgt.f32 v7, v13;
	v7 =	vadd.f32 v26, v23;
	v13 =	vsel vm10, $0x3FA42822, v2  }
0x5c: {  	v26 =	vadd.f32 v16, v22;
	v10 =	vld [tilespmem:s24+$0x180];
	v25 =	vsel vm5, $0xBF36DB6E, v4;
	v13 =	vsel vm8, v13, v27  }
0x5d: {  	v23 =	vld [tilespmem:s24+$0x190];
	[tilespmem:s22+$0x81B0] =	vst v14;
	v7 =	vadd.f32 v25, v7;
	vm0 =	vgt.f32 v6, v13;
	v6 =	vsel vm3, $0xBE967930, v3  }
0x5e: {  	v16 =	vld [tilespmem:s24+$0x20];
	v25 =	vimm.s32 $0x0;
	v13 =	vsel vm0, $0xBF36DB6E, v4;
	v6 =	vsel vm1, v18, v6  }
0x5f: {  	v22 =	vld [tilespmem:s24+$0x10];
	[tilespmem:s22+$0x8020] =	vst v26;
	v8 =	vadd.f32 v13, v8;
	v13 =	vsel vm4, $0xBF36DB6E, v4;
	vm0 =	vgt.f32 v5, v6  }
0x60: {  	v18 =	vld [tilespmem:s24+$0x130];
	v5 =	vadd.f32 v13, v20;
	v6 =	vsel vm0, $0xBF36DB6E, v4;
	vm0 =	vgt.f32 v19, v28  }
0x61: {  	v12 =	vld [tilespmem:s24+$0x90];
	[tilespmem:s22+$0x8000] =	vst v7;
	vm5 =	vgt.f32 v21, $0.0e+00;
	v7 =	vadd.f32 v6, v15;
	v6 =	vadd.f32 v24, v11  }
0x62: {  	v14 =	vld [tilespmem:s24+$0x80];
	[tilespmem:s22+$0x8030] =	vst v8;
	v8 =	vsel vm0, $0xBF36DB6E, v4;
	vm0 =	vgt.f32 v10, $0.0e+00;
	vm3 =	vgt.f32 v23, $0.0e+00  }
0x63: {  	v51 =	vsel vm5, $0x3F924925, v0;
	vm6 =	vgt.f32 v16, $0.0e+00;
	v8 =	vadd.f32 v8, v17  }
0x64: {  	v20 =	vld [tilespmem:s24+$0x110];
	[tilespmem:s22+$0x80A0] =	vst v5;
	vm2 =	vgt.f32 v22, $0.0e+00;
	v13 =	vsel vm0, $0x3F264EE8, v1;
	v19 =	vsel vm0, $0x3F924925, v0  }
0x65: {  	v5 =	vld [tilespmem:s24+$0xB0];
	[tilespmem:s22+$0x8100] =	vst v6;
	v11 =	vsel vm2, $0x3F264EE8, v1;
	vm7 =	vgt.f32 v18, $0.0e+00;
	vm1 =	vgt.f32 v10, v13  }
0x66: {  	v13 =	vsel vm3, $0x3F264EE8, v1;
	v50 =	vsel vm6, $0x3F264EE8, v1;
	v41 =	vsel vm6, $0x3F924925, v0;
	v6 =	vld [tilespmem:s24+$0x30];
	[tilespmem:s22+$0x80B0] =	vst v7  }
0x67: {  	v28 =	vsel vm7, $0x3F924925, v0;
	vm12 =	vgt.f32 v23, v13;
	v13 =	vsel vm1, $0x3F124925, v0;
	v7 =	vld [tilespmem:s24+$0x0];
	[tilespmem:s22+$0x8120] =	vst v8  }
0x68: {  	vm11 =	vgt.f32 v12, $0.0e+00;
	v8 =	vsel vm1, $0x3FA42822, v2;
	v15 =	vld [tilespmem:s24+$0xA0];
	[tilespmem:s22+$0x8090] =	vst v9;
	v9 =	vsel vm1, $0xBE967930, v3  }
0x69: {  	v27 =	vsel vm11, $0x3F924925, v0;
	v32 =	vsel vm7, $0x3F264EE8, v1;
	v8 =	vsel vm0, v8, v9  }
0x6a: {  	v9 =	vadd.f32 v13, v19;
	v13 =	vsel vm11, $0x3F264EE8, v1;
	vm8 =	vgt.f32 v20, $0.0e+00  }
0x6b: {  	s22 =	smov.u32 s24;
	v19 =	vsel vm2, $0x3F924925, v0;
	vm0 =	vgt.f32 v10, v8;
	v10 =	vsel vm12, $0xBE967930, v3  }
0x6c: {  	v17 =	vld [tilespmem:s22+$0x100];
	vm1 =	vgt.f32 v5, $0.0e+00;
	v34 =	vsel vm8, $0x3F264EE8, v1;
	v35 =	vsel vm8, $0x3F924925, v0  }
0x6d: {  	v30 =	vld [tilespmem:s22+$0x1B0];
	vm13 =	vgt.f32 v12, v13;
	v8 =	vsel vm0, $0xBF36DB6E, v4;
	vm4 =	vgt.f32 v6, $0.0e+00  }
0x6e: {  	v31 =	vsel vm1, $0x3F264EE8, v1;
	v26 =	vsel vm1, $0x3F924925, v0;
	v36 =	vsel vm13, $0x3F124925, v0  }
0x6f: {  	v38 =	vsel vm13, $0xBE967930, v3;
	v8 =	vadd.f32 v8, v9;
	v24 =	vsel vm4, $0x3F264EE8, v1  }
0x70: {  	v9 =	vsel vm12, $0x3FA42822, v2;
	vm0 =	vgt.f32 v15, $0.0e+00;
	vm10 =	vgt.f32 v6, v24  }
0x71: {  	v9 =	vsel vm3, v9, v10;
	v10 =	vsel vm12, $0x3F124925, v0;
	v25 =	vsel vm0, $0xFFFFFFFF, v25  }
0x72: {  	v29 =	vsel vm0, $0x3F924925, v0;
	vm9 =	vgt.f32 v17, $0.0e+00;
	[tilespmem:s22+$0x8180] =	vst v8;
	v8 =	vsel vm10, $0x3F124925, v0  }
0x73: {  	vm12 =	vgt.f32 v23, v9;
	v9 =	vsel vm3, $0x3F924925, v0;
	vm14 =	vgt.f32 v30, $0.0e+00  }
0x74: {  	vm3 =	vgt.f32 v5, v31;
	v33 =	vsel vm9, $0x3F264EE8, v1;
	v24 =	vadd.f32 v10, v9  }
0x75: {  	[tilespmem:$0x1FFF0] =	vst v25;
	v25 =	vsel vm12, $0xBF36DB6E, v4;
	v10 =	vsel vm4, $0x3F924925, v0;
	vm12 =	vgt.f32 v20, v34  }
0x76: {  	v9 =	vsel vm14, $0x3F264EE8, v1;
	v23 =	vsel vm14, $0x3F924925, v0;
	v31 =	vsel vm3, $0x3F124925, v0  }
0x77: {  	v13 =	vsel vm9, $0x3F924925, v0;
	vm15 =	vgt.f32 v30, v9;
	v37 =	vsel vm12, $0x3FA42822, v2  }
0x78: {  	v9 =	vsel vm15, $0x3FA42822, v2;
	v47 =	vsel vm15, $0xBE967930, v3;
	v48 =	vsel vm15, $0x3F124925, v0  }
0x79: {  	vm15 =	vgt.f32 v22, v11;
	v9 =	vsel vm14, v9, v47;
	vm14 =	vgt.f32 v17, v33  }
0x7a: {  	v49 =	vsel vm15, $0xBE967930, v3;
	vm0 =	vgt.f32 v30, v9;
	v9 =	vsel vm15, $0x3FA42822, v2  }
0x7b: {  	v33 =	vsel vm2, v9, v49;
	v9 =	vadd.f32 v36, v27;
	v27 =	vsel vm5, $0x3F264EE8, v1  }
0x7c: {  	v39 =	vsel vm12, $0x3F124925, v0;
	v30 =	vsel vm0, $0xBF36DB6E, v4;
	vm0 =	vgt.f32 v21, v27  }
0x7d: {  	v42 =	vsel vm12, $0xBE967930, v3;
	v27 =	vsel vm0, $0x3FA42822, v2;
	v40 =	vsel vm0, $0xBE967930, v3  }
0x7e: {  	v34 =	vadd.f32 v48, v23;
	v53 =	vsel vm15, $0x3F124925, v0;
	v27 =	vsel vm5, v27, v40  }
0x7f: {  	vm5 =	vgt.f32 v21, v27;
	v21 =	vsel vm0, $0x3F124925, v0;
	vm0 =	vgt.f32 v16, v50  }
0x80: {  	v23 =	vsel vm13, $0x3FA42822, v2;
	v54 =	vadd.f32 v53, v19;
	v43 =	vsel vm0, $0xBE967930, v3  }
0x81: {  	v44 =	vsel vm0, $0x3F124925, v0;
	v46 =	vsel vm0, $0x3FA42822, v2;
	vm0 =	vgt.f32 v22, v33  }
0x82: {  	v27 =	vsel vm11, v23, v38;
	v19 =	vadd.f32 v21, v51;
	v55 =	vsel vm0, $0xBF36DB6E, v4  }
0x83: {  	v21 =	vsel vm6, v46, v43;
	vm0 =	vgt.f32 v12, v27;
	vm6 =	vgt.f32 v18, v32  }
0x84: {  	v12 =	vsel vm0, $0xBF36DB6E, v4;
	v57 =	vsel vm6, $0x3FA42822, v2;
	v58 =	vsel vm6, $0xBE967930, v3  }
0x85: {  	vm0 =	vgt.f32 v16, v21;
	v21 =	vsel vm6, $0x3F124925, v0;
	v16 =	vsel vm7, v57, v58  }
0x86: {  	v35 =	vadd.f32 v39, v35;
	v21 =	vadd.f32 v21, v28;
	vm6 =	vgt.f32 v18, v16  }
0x87: {  	v25 =	vadd.f32 v25, v24;
	v52 =	vsel vm5, $0xBF36DB6E, v4;
	v28 =	vsel vm6, $0xBF36DB6E, v4  }
0x88: {  	v37 =	vsel vm8, v37, v42;
	v19 =	vadd.f32 v52, v19;
	v21 =	vadd.f32 v28, v21;
	v28 =	vld [tilespmem:$0x1FFF0]  }
0x89: {  	v45 =	vsel vm14, $0xBE967930, v3;
	v47 =	vsel vm14, $0x3FA42822, v2;
	vm5 =	vgt.f32 v7, $0.0e+00  }
0x8a: {  	v11 =	vsel vm14, $0x3F124925, v0;
	v59 =	vsel vm9, v47, v45;
	v23 =	vsel vm5, $0x3F924925, v0;
	[tilespmem:s22+$0x81A0] =	vst v19;
	v19 =	vld [tilespmem:s22+$0x120]  }
0x8b: {  	v22 =	vadd.f32 v44, v41;
	v56 =	vsel vm5, $0x3F264EE8, v1;
	v27 =	vsel vm10, $0xBE967930, v3  }
0x8c: {  	v16 =	vsel vm0, $0xBF36DB6E, v4;
	v18 =	vsel vm3, $0x3FA42822, v2;
	vm0 =	vgt.f32 v14, $0.0e+00  }
0x8d: {  	vm6 =	vgt.f32 v20, v37;
	v60 =	vsel vm0, $0x3F924925, v0;
	vm2 =	vnez.u8 v28  }
0x8e: {  	v20 =	vsel vm0, $0x3F264EE8, v1;
	v61 =	vsel vm6, $0xBF36DB6E, v4;
	v28 =	vsel vm2, $0x3F264EE8, v1  }
0x8f: {  	vm8 =	vgt.f32 v14, v20;
	vm6 =	vgt.f32 v19, $0.0e+00;
	vm7 =	vgt.f32 v15, v28  }
0x90: {  	[tilespmem:s22+$0x8130] =	vst v21;
	v28 =	vsel vm8, $0x3FA42822, v2;
	v21 =	vsel vm7, $0x3F124925, v0;
	v62 =	vsel vm7, $0x3FA42822, v2  }
0x91: {  	v20 =	vadd.f32 v21, v29;
	v21 =	vsel vm6, $0x3F264EE8, v1;
	v29 =	vsel vm8, $0xBE967930, v3  }
0x92: {  	v28 =	vsel vm0, v28, v29;
	v29 =	vsel vm8, $0x3F124925, v0;
	vm0 =	vgt.f32 v19, v21  }
0x93: {  	vm8 =	vgt.f32 v14, v28;
	v14 =	vadd.f32 v29, v60;
	v21 =	vsel vm0, $0x3FA42822, v2  }
0x94: {  	p1 =	sne.s32 s25, $0xF800;
	v29 =	vsel vm7, $0xBE967930, v3;
	v63 =	vsel vm0, $0xBE967930, v3;
	v28 =	vsel vm8, $0xBF36DB6E, v4  }
.Ltmp2:
0x95: {  	vm8 =	vmmov vm4;
	v29 =	vsel vm2, v62, v29;
	v14 =	vadd.f32 v28, v14;
	(pc) =	sbr.rel @p1 .LBB2_3-.Ltmp2, $4  }
0x96: {  	v28 =	vsel vm6, v21, v63;
	vm4 =	vgt.f32 v15, v29;
	v15 =	vadd.f32 v31, v26  }
0x97: {  	s23 =	smov.u32 s25;
	v21 =	vsel vm6, $0x3F924925, v0;
	v29 =	vadd.f32 v55, v54;
	v26 =	vadd.f32 v61, v35  }
0x98: {  	s23 =	sadd.s32 $0x800, s25;
	vm6 =	vgt.f32 v7, v56;
	[tilespmem:s22+$0x8080] =	vst v14;
	v14 =	vsel vm0, $0x3F124925, v0;
	vm0 =	vgt.f32 v17, v59  }
0x99: {  	s25 =	smov.u32 s23;
	[tilespmem:s22+$0x8010] =	vst v29;
	v17 =	vadd.f32 v14, v21;
	v24 =	vsel vm0, $0xBF36DB6E, v4;
	v14 =	vadd.f32 v30, v34  }
0x9a: {  	v21 =	vsel vm6, $0x3FA42822, v2  }
0x9b: {  	v29 =	vsel vm6, $0xBE967930, v3;
	v11 =	vadd.f32 v11, v13;
	v8 =	vadd.f32 v8, v10  }
0x9c: {  	v10 =	vsel vm10, $0x3FA42822, v2;
	v13 =	vsel vm5, v21, v29;
	v21 =	vsel vm6, $0x3F124925, v0  }
0x9d: {  	[tilespmem:s22+$0x8110] =	vst v26;
	v10 =	vsel vm8, v10, v27;
	vm0 =	vgt.f32 v7, v13;
	v7 =	vadd.f32 v21, v23  }
0x9e: {  	[tilespmem:s22+$0x8190] =	vst v25;
	v16 =	vadd.f32 v16, v22;
	v13 =	vsel vm0, $0xBF36DB6E, v4;
	vm0 =	vgt.f32 v6, v10  }
0x9f: {  	[tilespmem:s22+$0x81B0] =	vst v14;
	v6 =	vadd.f32 v13, v7;
	v7 =	vsel vm3, $0xBE967930, v3;
	v10 =	vsel vm0, $0xBF36DB6E, v4  }
0xa0: {  	[tilespmem:s22+$0x8020] =	vst v16;
	v7 =	vsel vm1, v18, v7;
	v8 =	vadd.f32 v10, v8;
	v10 =	vsel vm4, $0xBF36DB6E, v4  }
0xa1: {  	vm0 =	vgt.f32 v5, v7;
	[tilespmem:s22+$0x8000] =	vst v6;
	v5 =	vadd.f32 v10, v20  }
0xa2: {  	v7 =	vadd.f32 v24, v11;
	v6 =	vsel vm0, $0xBF36DB6E, v4;
	[tilespmem:s22+$0x8030] =	vst v8  }
0xa3: {  	vm0 =	vgt.f32 v19, v28;
	v6 =	vadd.f32 v6, v15;
	[tilespmem:s22+$0x80A0] =	vst v5  }
0xa4: {  	v8 =	vsel vm0, $0xBF36DB6E, v4;
	[tilespmem:s22+$0x8100] =	vst v7;
	v7 =	vadd.f32 v12, v9  }
0xa5: {  	v5 =	vadd.f32 v8, v17;
	[tilespmem:s22+$0x80B0] =	vst v6  }
0xa6: {  	s23 =	sshll.u32 s20, $0xC;
	p1 =	seq.s32 s20, $0x3;
	[tilespmem:s22+$0x8090] =	vst v7  }
0xa7: {  	s30 =	sadd.s32 s23, s8;
	[tilespmem:s22+$0x8120] =	vst v5;
	s22 =	sadd.s32 @!p1 s21, s9  }
0xa8: {  	[hbm4b:s30+s5] =	stream.linear.scatter [tilespmem:s14], [sflag:$0x3], $0x4000, $0x38;
	[tilespmem:$0x10000] =	vst v63  }
0xa9: {  	s22 =	sshll.u32 @!p1 s22, $0x4  }
0xaa: {  	s23 =	simm.s32 @!p1 $0x0;
	s22 =	sadd.s32 @!p1 s2, s22  }
0xab: {  	[tilespmem:s23], [sflag:$0x1] =	stream.linear.gather @!p1 [hbm4b:s22+s23], $0x4000, $0x38;
	[tilespmem:$0x10000] =	vst v63  }
0xac: {  	_ =	swait.ge [sflag:s15], $0x4000  }
0xad: {  	[sflag:s15] =	ssyncset.done $0x0  }
0xae: {  	s22 =	simm.s32 @!p0 $0x4;
	[sflag:s15] =	ssyncadd.s32 $0xFFFFC000  }
0xaf: {  	_ =	swait.ge @!p0 [sflag:s22], $0x4000  }
0xb0: {  	[sflag:s22] =	ssyncset.done @!p0 $0x0  }
0xb1: {  	[sflag:s22] =	ssyncadd.s32 @!p0 $0xFFFFC000;
	s22 =	simm.s32 $0x0  }
0xb2: {  	v7 =	vld [tilespmem:s22+$0x4180];
	_ =	sdelay $0x2  }
0xb3: {  	v10 =	vld [tilespmem:s22+$0x4010]  }
0xb4: {  	v9 =	vld [tilespmem:s22+$0x4190]  }
0xb5: {  	v18 =	vld [tilespmem:s22+$0x4130];
	vm0 =	vgt.f32 v7, $0.0e+00  }
0xb6: {  	v12 =	vld [tilespmem:s22+$0x4090];
	v5 =	vsel vm0, $0x3F264EE8, v1  }
0xb7: {  	vm1 =	vgt.f32 v7, v5  }
0xb8: {  	vm4 =	vgt.f32 v10, $0.0e+00;
	v6 =	vsel vm1, $0x3FA42822, v2;
	v11 =	vsel vm1, $0xBE967930, v3  }
0xb9: {  	v13 =	vsel vm0, $0x3F924925, v0;
	v14 =	vsel vm1, $0x3F124925, v0;
	v11 =	vsel vm0, v6, v11  }
0xba: {  	vm5 =	vgt.f32 v9, $0.0e+00;
	v13 =	vadd.f32 v14, v13;
	vm0 =	vgt.f32 v7, v11  }
0xbb: {  	v16 =	vld [tilespmem:s22+$0x4020];
	vm2 =	vgt.f32 v18, $0.0e+00;
	vm3 =	vgt.f32 v12, $0.0e+00;
	v11 =	vsel vm0, $0xBF36DB6E, v4  }
0xbc: {  	v20 =	vsel vm5, $0x3F264EE8, v1;
	v24 =	vsel vm2, $0x3F924925, v0;
	v11 =	vadd.f32 v11, v13  }
0xbd: {  	v8 =	vld [tilespmem:s22+$0x41A0];
	v22 =	vsel vm3, $0x3F264EE8, v1;
	v25 =	vsel vm5, $0x3F924925, v0;
	v26 =	vsel vm4, $0x3F924925, v0  }
0xbe: {  	v40 =	vsel vm2, $0x3F264EE8, v1;
	vm6 =	vgt.f32 v9, v20;
	v20 =	vsel vm3, $0x3F924925, v0;
	[tilespmem:s22+$0xC180] =	vst v11;
	v11 =	vld [tilespmem:s22+$0x41B0]  }
0xbf: {  	v21 =	vsel vm6, $0xBE967930, v3;
	v23 =	vsel vm6, $0x3FA42822, v2;
	v6 =	vld [tilespmem:s22+$0x4030]  }
0xc0: {  	vm1 =	vgt.f32 v16, $0.0e+00;
	v21 =	vsel vm5, v23, v21;
	v23 =	vsel vm6, $0x3F124925, v0  }
0xc1: {  	v43 =	vsel vm1, $0x3F924925, v0;
	vm5 =	vgt.f32 v9, v21;
	v25 =	vadd.f32 v23, v25  }
0xc2: {  	vm0 =	vgt.f32 v8, $0.0e+00;
	v21 =	vsel vm5, $0xBF36DB6E, v4;
	v13 =	vsel vm4, $0x3F264EE8, v1  }
0xc3: {  	v14 =	vld [tilespmem:s22+$0x4100];
	v25 =	vadd.f32 v21, v25;
	vm7 =	vgt.f32 v10, v13;
	vm6 =	vgt.f32 v11, $0.0e+00  }
0xc4: {  	v13 =	vsel vm7, $0xBE967930, v3;
	vm8 =	vgt.f32 v6, $0.0e+00;
	v9 =	vsel vm6, $0x3F264EE8, v1  }
0xc5: {  	v51 =	vsel vm7, $0x3F124925, v0;
	v33 =	vsel vm8, $0x3F264EE8, v1;
	vm5 =	vgt.f32 v11, v9  }
0xc6: {  	v26 =	vadd.f32 v51, v26;
	v9 =	vsel vm5, $0x3FA42822, v2;
	v28 =	vsel vm5, $0xBE967930, v3  }
0xc7: {  	vm10 =	vgt.f32 v6, v33;
	v27 =	vsel vm6, $0x3F924925, v0;
	v9 =	vsel vm6, v9, v28  }
0xc8: {  	v19 =	vld [tilespmem:s22+$0x4110];
	v28 =	vsel vm5, $0x3F124925, v0;
	vm6 =	vgt.f32 v14, $0.0e+00;
	vm5 =	vgt.f32 v11, v9  }
0xc9: {  	v15 =	vld [tilespmem:s22+$0x40A0];
	v9 =	vsel vm7, $0x3FA42822, v2;
	v11 =	vsel vm0, $0x3F264EE8, v1;
	v34 =	vsel vm6, $0x3F264EE8, v1  }
0xca: {  	v58 =	vadd.f32 v28, v27;
	v29 =	vsel vm5, $0xBF36DB6E, v4;
	vm5 =	vgt.f32 v8, v11  }
0xcb: {  	v9 =	vsel vm4, v9, v13;
	vm4 =	vgt.f32 v12, v22;
	vm7 =	vgt.f32 v14, v34  }
0xcc: {  	v11 =	vsel vm5, $0x3FA42822, v2;
	v13 =	vsel vm5, $0xBE967930, v3;
	v22 =	vsel vm4, $0x3F124925, v0  }
0xcd: {  	v30 =	vsel vm4, $0xBE967930, v3;
	v31 =	vsel vm4, $0x3FA42822, v2;
	v32 =	vsel vm5, $0x3F124925, v0  }
0xce: {  	vm5 =	vgt.f32 v19, $0.0e+00;
	vm4 =	vgt.f32 v15, $0.0e+00;
	v41 =	vsel vm7, $0xBE967930, v3  }
0xcf: {  	v42 =	vsel vm7, $0x3FA42822, v2;
	v11 =	vsel vm0, v11, v13;
	v13 =	vsel vm0, $0x3F924925, v0  }
0xd0: {  	v35 =	vsel vm5, $0x3F264EE8, v1;
	v30 =	vsel vm3, v31, v30;
	v55 =	vsel vm5, $0x3F924925, v0  }
0xd1: {  	v56 =	vsel vm6, v42, v41;
	v27 =	vsel vm4, $0x3F264EE8, v1;
	vm3 =	vgt.f32 v8, v11  }
0xd2: {  	v8 =	vsel vm1, $0x3F264EE8, v1;
	v11 =	vsel vm7, $0x3F124925, v0;
	vm7 =	vgt.f32 v18, v40  }
0xd3: {  	v5 =	vld [tilespmem:s22+$0x40B0];
	v23 =	vadd.f32 v32, v13;
	v31 =	vsel vm3, $0xBF36DB6E, v4;
	vm3 =	vgt.f32 v19, v35  }
0xd4: {  	v13 =	vsel vm6, $0x3F924925, v0;
	v46 =	vsel vm7, $0x3F124925, v0;
	v52 =	vsel vm3, $0x3FA42822, v2  }
0xd5: {  	v36 =	vsel vm3, $0x3F124925, v0;
	v37 =	vsel vm3, $0xBE967930, v3;
	vm3 =	vgt.f32 v16, v8  }
0xd6: {  	v23 =	vadd.f32 v31, v23;
	v24 =	vadd.f32 v46, v24;
	v8 =	vsel vm3, $0xBE967930, v3  }
0xd7: {  	v38 =	vsel vm3, $0x3F124925, v0;
	v39 =	vsel vm3, $0x3FA42822, v2;
	vm3 =	vgt.f32 v10, v9  }
0xd8: {  	v17 =	vld [tilespmem:s22+$0x4080];
	v10 =	vsel vm7, $0xBE967930, v3;
	v36 =	vadd.f32 v36, v55;
	v44 =	vsel vm3, $0xBF36DB6E, v4  }
0xd9: {  	vm3 =	vgt.f32 v12, v30;
	v9 =	vsel vm1, v39, v8;
	vm1 =	vgt.f32 v5, $0.0e+00  }
0xda: {  	v8 =	vsel vm7, $0x3FA42822, v2;
	v30 =	vsel vm4, $0x3F924925, v0;
	v12 =	vsel vm3, $0xBF36DB6E, v4  }
0xdb: {  	v53 =	vsel vm2, v8, v10;
	v54 =	vsel vm1, $0x3F264EE8, v1;
	v8 =	vsel vm10, $0x3F124925, v0  }
0xdc: {  	v45 =	vsel vm1, $0x3F924925, v0;
	v10 =	vsel vm8, $0x3F924925, v0;
	vm6 =	vgt.f32 v16, v9  }
0xdd: {  	v9 =	vsel vm5, v52, v37;
	vm5 =	vgt.f32 v17, $0.0e+00;
	vm3 =	vgt.f32 v5, v54  }
0xde: {  	v7 =	vld [tilespmem:s22+$0x4000];
	v16 =	vsel vm6, $0xBF36DB6E, v4;
	vm6 =	vgt.f32 v18, v53;
	v18 =	vsel vm5, $0x3F264EE8, v1  }
0xdf: {  	v33 =	vsel vm3, $0x3F124925, v0;
	v31 =	vsel vm6, $0xBF36DB6E, v4;
	vm6 =	vgt.f32 v19, v9  }
0xe0: {  	v9 =	vadd.f32 v22, v20;
	v57 =	vsel vm6, $0xBF36DB6E, v4;
	vm6 =	vgt.f32 v17, v18  }
0xe1: {  	v20 =	vsel vm5, $0x3F924925, v0;
	v18 =	vsel vm6, $0x3FA42822, v2;
	v19 =	vsel vm6, $0xBE967930, v3  }
0xe2: {  	v22 =	vadd.f32 v38, v43;
	v28 =	vsel vm6, $0x3F124925, v0;
	v19 =	vsel vm5, v18, v19;
	v18 =	vld [tilespmem:s22+$0x4120]  }
0xe3: {  	v24 =	vadd.f32 v31, v24;
	vm5 =	vgt.f32 v7, $0.0e+00;
	v28 =	vadd.f32 v28, v20  }
0xe4: {  	[tilespmem:s22+$0xC1A0] =	vst v23;
	v23 =	vsel vm5, $0x3F924925, v0;
	vm6 =	vgt.f32 v17, v19;
	v59 =	vsel vm5, $0x3F264EE8, v1  }
0xe5: {  	v19 =	vsel vm3, $0x3FA42822, v2;
	v17 =	vsel vm6, $0xBF36DB6E, v4;
	vm6 =	vgt.f32 v15, v27  }
0xe6: {  	v27 =	vsel vm10, $0xBE967930, v3;
	v60 =	vsel vm6, $0x3F124925, v0;
	v61 =	vsel vm6, $0x3FA42822, v2  }
0xe7: {  	v62 =	vsel vm6, $0xBE967930, v3;
	v17 =	vadd.f32 v17, v28;
	vm6 =	vgt.f32 v18, $0.0e+00  }
0xe8: {  	v39 =	vsel vm4, v61, v62;
	v20 =	vadd.f32 v60, v30;
	v63 =	vsel vm6, $0x3F264EE8, v1  }
0xe9: {  	vm4 =	vgt.f32 v15, v39;
	v15 =	vadd.f32 v33, v45;
	vm7 =	vgt.f32 v18, v63  }
0xea: {  	v30 =	vsel vm6, $0x3F924925, v0;
	v31 =	vsel vm7, $0x3FA42822, v2;
	v40 =	vsel vm7, $0xBE967930, v3  }
0xeb: {  	[tilespmem:s22+$0xC130] =	vst v24;
	v24 =	vsel vm7, $0x3F124925, v0;
	v28 =	vsel vm6, v31, v40;
	v31 =	vadd.f32 v44, v26  }
0xec: {  	s31 =	sadd.s32 s21, s4;
	[tilespmem:s22+$0xC080] =	vst v17;
	v26 =	vadd.f32 v57, v36;
	vm6 =	vgt.f32 v14, v56;
	v17 =	vadd.f32 v24, v30  }
0xed: {  	s26 =	simm.s32 $0x800;
	s23 =	sadd.s32 $0x80, s31;
	v14 =	vadd.f32 v29, v58;
	v24 =	vsel vm6, $0xBF36DB6E, v4;
	vm6 =	vgt.f32 v7, v59;
	[tilespmem:s22+$0xC010] =	vst v31  }
.LBB2_5:
0xee: {  	v29 =	vsel vm6, $0x3FA42822, v2  }
0xef: {  	v30 =	vsel vm6, $0xBE967930, v3;
	v11 =	vadd.f32 v11, v13;
	v8 =	vadd.f32 v8, v10  }
0xf0: {  	s25 =	sshra.s32 s26, $0x2;
	v9 =	vadd.f32 v12, v9;
	[tilespmem:s22+$0xC110] =	vst v26;
	v13 =	vsel vm5, v29, v30;
	v26 =	vsel vm6, $0x3F124925, v0  }
0xf1: {  	v21 =	vld [tilespmem:s25+$0x41A0];
	[tilespmem:s22+$0xC190] =	vst v25;
	vm5 =	vgt.f32 v7, v13;
	v7 =	vadd.f32 v26, v23;
	v13 =	vsel vm10, $0x3FA42822, v2  }
0xf2: {  	v26 =	vadd.f32 v16, v22;
	v10 =	vld [tilespmem:s25+$0x4180];
	v25 =	vsel vm5, $0xBF36DB6E, v4;
	v13 =	vsel vm8, v13, v27  }
0xf3: {  	v23 =	vld [tilespmem:s25+$0x4190];
	[tilespmem:s22+$0xC1B0] =	vst v14;
	v7 =	vadd.f32 v25, v7;
	vm0 =	vgt.f32 v6, v13;
	v6 =	vsel vm3, $0xBE967930, v3  }
0xf4: {  	v16 =	vld [tilespmem:s25+$0x4020];
	v25 =	vimm.s32 $0x0;
	v13 =	vsel vm0, $0xBF36DB6E, v4;
	v6 =	vsel vm1, v19, v6  }
0xf5: {  	v22 =	vld [tilespmem:s25+$0x4010];
	[tilespmem:s22+$0xC020] =	vst v26;
	v8 =	vadd.f32 v13, v8;
	v13 =	vsel vm4, $0xBF36DB6E, v4;
	vm0 =	vgt.f32 v5, v6  }
0xf6: {  	v19 =	vld [tilespmem:s25+$0x4130];
	v5 =	vadd.f32 v13, v20;
	v6 =	vsel vm0, $0xBF36DB6E, v4;
	vm0 =	vgt.f32 v18, v28  }
0xf7: {  	v12 =	vld [tilespmem:s25+$0x4090];
	[tilespmem:s22+$0xC000] =	vst v7;
	vm5 =	vgt.f32 v21, $0.0e+00;
	v7 =	vadd.f32 v6, v15;
	v6 =	vadd.f32 v24, v11  }
0xf8: {  	v14 =	vld [tilespmem:s25+$0x4080];
	[tilespmem:s22+$0xC030] =	vst v8;
	v8 =	vsel vm0, $0xBF36DB6E, v4;
	vm0 =	vgt.f32 v10, $0.0e+00;
	vm3 =	vgt.f32 v23, $0.0e+00  }
0xf9: {  	v51 =	vsel vm5, $0x3F924925, v0;
	vm6 =	vgt.f32 v16, $0.0e+00;
	v8 =	vadd.f32 v8, v17  }
0xfa: {  	v20 =	vld [tilespmem:s25+$0x4110];
	[tilespmem:s22+$0xC0A0] =	vst v5;
	vm2 =	vgt.f32 v22, $0.0e+00;
	v13 =	vsel vm0, $0x3F264EE8, v1;
	v18 =	vsel vm0, $0x3F924925, v0  }
0xfb: {  	v5 =	vld [tilespmem:s25+$0x40B0];
	[tilespmem:s22+$0xC100] =	vst v6;
	v11 =	vsel vm2, $0x3F264EE8, v1;
	vm7 =	vgt.f32 v19, $0.0e+00;
	vm1 =	vgt.f32 v10, v13  }
0xfc: {  	v13 =	vsel vm3, $0x3F264EE8, v1;
	v50 =	vsel vm6, $0x3F264EE8, v1;
	v41 =	vsel vm6, $0x3F924925, v0;
	v6 =	vld [tilespmem:s25+$0x4030];
	[tilespmem:s22+$0xC0B0] =	vst v7  }
0xfd: {  	v28 =	vsel vm7, $0x3F924925, v0;
	vm12 =	vgt.f32 v23, v13;
	v13 =	vsel vm1, $0x3F124925, v0;
	v7 =	vld [tilespmem:s25+$0x4000];
	[tilespmem:s22+$0xC120] =	vst v8  }
0xfe: {  	vm11 =	vgt.f32 v12, $0.0e+00;
	v8 =	vsel vm1, $0x3FA42822, v2;
	v15 =	vld [tilespmem:s25+$0x40A0];
	[tilespmem:s22+$0xC090] =	vst v9;
	v9 =	vsel vm1, $0xBE967930, v3  }
0xff: {  	v27 =	vsel vm11, $0x3F924925, v0;
	v32 =	vsel vm7, $0x3F264EE8, v1;
	v8 =	vsel vm0, v8, v9  }
0x100: {  	v9 =	vadd.f32 v13, v18;
	v13 =	vsel vm11, $0x3F264EE8, v1;
	vm8 =	vgt.f32 v20, $0.0e+00  }
0x101: {  	s22 =	smov.u32 s25;
	v18 =	vsel vm2, $0x3F924925, v0;
	vm0 =	vgt.f32 v10, v8;
	v10 =	vsel vm12, $0xBE967930, v3  }
0x102: {  	v17 =	vld [tilespmem:s22+$0x4100];
	vm1 =	vgt.f32 v5, $0.0e+00;
	v34 =	vsel vm8, $0x3F264EE8, v1;
	v35 =	vsel vm8, $0x3F924925, v0  }
0x103: {  	v30 =	vld [tilespmem:s22+$0x41B0];
	vm13 =	vgt.f32 v12, v13;
	v8 =	vsel vm0, $0xBF36DB6E, v4;
	vm4 =	vgt.f32 v6, $0.0e+00  }
0x104: {  	v31 =	vsel vm1, $0x3F264EE8, v1;
	v26 =	vsel vm1, $0x3F924925, v0;
	v36 =	vsel vm13, $0x3F124925, v0  }
0x105: {  	v38 =	vsel vm13, $0xBE967930, v3;
	v8 =	vadd.f32 v8, v9;
	v24 =	vsel vm4, $0x3F264EE8, v1  }
0x106: {  	v9 =	vsel vm12, $0x3FA42822, v2;
	vm0 =	vgt.f32 v15, $0.0e+00;
	vm10 =	vgt.f32 v6, v24  }
0x107: {  	v9 =	vsel vm3, v9, v10;
	v10 =	vsel vm12, $0x3F124925, v0;
	v25 =	vsel vm0, $0xFFFFFFFF, v25  }
0x108: {  	v29 =	vsel vm0, $0x3F924925, v0;
	vm9 =	vgt.f32 v17, $0.0e+00;
	[tilespmem:s22+$0xC180] =	vst v8;
	v8 =	vsel vm10, $0x3F124925, v0  }
0x109: {  	vm12 =	vgt.f32 v23, v9;
	v9 =	vsel vm3, $0x3F924925, v0;
	vm14 =	vgt.f32 v30, $0.0e+00  }
0x10a: {  	vm3 =	vgt.f32 v5, v31;
	v33 =	vsel vm9, $0x3F264EE8, v1;
	v24 =	vadd.f32 v10, v9  }
0x10b: {  	[tilespmem:$0x1FFE0] =	vst v25;
	v25 =	vsel vm12, $0xBF36DB6E, v4;
	v10 =	vsel vm4, $0x3F924925, v0;
	vm12 =	vgt.f32 v20, v34  }
0x10c: {  	v9 =	vsel vm14, $0x3F264EE8, v1;
	v23 =	vsel vm14, $0x3F924925, v0;
	v31 =	vsel vm3, $0x3F124925, v0  }
0x10d: {  	v13 =	vsel vm9, $0x3F924925, v0;
	vm15 =	vgt.f32 v30, v9;
	v37 =	vsel vm12, $0x3FA42822, v2  }
0x10e: {  	v9 =	vsel vm15, $0x3FA42822, v2;
	v47 =	vsel vm15, $0xBE967930, v3;
	v48 =	vsel vm15, $0x3F124925, v0  }
0x10f: {  	vm15 =	vgt.f32 v22, v11;
	v9 =	vsel vm14, v9, v47;
	vm14 =	vgt.f32 v17, v33  }
0x110: {  	v49 =	vsel vm15, $0xBE967930, v3;
	vm0 =	vgt.f32 v30, v9;
	v9 =	vsel vm15, $0x3FA42822, v2  }
0x111: {  	v33 =	vsel vm2, v9, v49;
	v9 =	vadd.f32 v36, v27;
	v27 =	vsel vm5, $0x3F264EE8, v1  }
0x112: {  	v39 =	vsel vm12, $0x3F124925, v0;
	v30 =	vsel vm0, $0xBF36DB6E, v4;
	vm0 =	vgt.f32 v21, v27  }
0x113: {  	v42 =	vsel vm12, $0xBE967930, v3;
	v27 =	vsel vm0, $0x3FA42822, v2;
	v40 =	vsel vm0, $0xBE967930, v3  }
0x114: {  	v34 =	vadd.f32 v48, v23;
	v53 =	vsel vm15, $0x3F124925, v0;
	v27 =	vsel vm5, v27, v40  }
0x115: {  	vm5 =	vgt.f32 v21, v27;
	v21 =	vsel vm0, $0x3F124925, v0;
	vm0 =	vgt.f32 v16, v50  }
0x116: {  	v23 =	vsel vm13, $0x3FA42822, v2;
	v54 =	vadd.f32 v53, v18;
	v43 =	vsel vm0, $0xBE967930, v3  }
0x117: {  	v44 =	vsel vm0, $0x3F124925, v0;
	v46 =	vsel vm0, $0x3FA42822, v2;
	vm0 =	vgt.f32 v22, v33  }
0x118: {  	v27 =	vsel vm11, v23, v38;
	v18 =	vadd.f32 v21, v51;
	v55 =	vsel vm0, $0xBF36DB6E, v4  }
0x119: {  	v21 =	vsel vm6, v46, v43;
	vm0 =	vgt.f32 v12, v27;
	vm6 =	vgt.f32 v19, v32  }
0x11a: {  	v12 =	vsel vm0, $0xBF36DB6E, v4;
	v57 =	vsel vm6, $0x3FA42822, v2;
	v58 =	vsel vm6, $0xBE967930, v3  }
0x11b: {  	vm0 =	vgt.f32 v16, v21;
	v21 =	vsel vm6, $0x3F124925, v0;
	v16 =	vsel vm7, v57, v58  }
0x11c: {  	v35 =	vadd.f32 v39, v35;
	v21 =	vadd.f32 v21, v28;
	vm6 =	vgt.f32 v19, v16  }
0x11d: {  	v25 =	vadd.f32 v25, v24;
	v52 =	vsel vm5, $0xBF36DB6E, v4;
	v28 =	vsel vm6, $0xBF36DB6E, v4  }
0x11e: {  	v37 =	vsel vm8, v37, v42;
	v18 =	vadd.f32 v52, v18;
	v21 =	vadd.f32 v28, v21;
	v28 =	vld [tilespmem:$0x1FFE0]  }
0x11f: {  	v45 =	vsel vm14, $0xBE967930, v3;
	v47 =	vsel vm14, $0x3FA42822, v2;
	vm5 =	vgt.f32 v7, $0.0e+00  }
0x120: {  	v11 =	vsel vm14, $0x3F124925, v0;
	v59 =	vsel vm9, v47, v45;
	v23 =	vsel vm5, $0x3F924925, v0;
	[tilespmem:s22+$0xC1A0] =	vst v18;
	v18 =	vld [tilespmem:s22+$0x4120]  }
0x121: {  	v22 =	vadd.f32 v44, v41;
	v56 =	vsel vm5, $0x3F264EE8, v1;
	v27 =	vsel vm10, $0xBE967930, v3  }
0x122: {  	v16 =	vsel vm0, $0xBF36DB6E, v4;
	v19 =	vsel vm3, $0x3FA42822, v2;
	vm0 =	vgt.f32 v14, $0.0e+00  }
0x123: {  	vm6 =	vgt.f32 v20, v37;
	v60 =	vsel vm0, $0x3F924925, v0;
	vm2 =	vnez.u8 v28  }
0x124: {  	v20 =	vsel vm0, $0x3F264EE8, v1;
	v61 =	vsel vm6, $0xBF36DB6E, v4;
	v28 =	vsel vm2, $0x3F264EE8, v1  }
0x125: {  	vm8 =	vgt.f32 v14, v20;
	vm6 =	vgt.f32 v18, $0.0e+00;
	vm7 =	vgt.f32 v15, v28  }
0x126: {  	[tilespmem:s22+$0xC130] =	vst v21;
	v28 =	vsel vm8, $0x3FA42822, v2;
	v21 =	vsel vm7, $0x3F124925, v0;
	v62 =	vsel vm7, $0x3FA42822, v2  }
0x127: {  	v20 =	vadd.f32 v21, v29;
	v21 =	vsel vm6, $0x3F264EE8, v1;
	v29 =	vsel vm8, $0xBE967930, v3  }
0x128: {  	v28 =	vsel vm0, v28, v29;
	v29 =	vsel vm8, $0x3F124925, v0;
	vm0 =	vgt.f32 v18, v21  }
0x129: {  	vm8 =	vgt.f32 v14, v28;
	v14 =	vadd.f32 v29, v60;
	v21 =	vsel vm0, $0x3FA42822, v2  }
0x12a: {  	p0 =	sne.s32 s26, $0xF800;
	v29 =	vsel vm7, $0xBE967930, v3;
	v63 =	vsel vm0, $0xBE967930, v3;
	v28 =	vsel vm8, $0xBF36DB6E, v4  }
.Ltmp3:
0x12b: {  	vm8 =	vmmov vm4;
	v29 =	vsel vm2, v62, v29;
	v14 =	vadd.f32 v28, v14;
	(pc) =	sbr.rel @p0 .LBB2_5-.Ltmp3, $4  }
0x12c: {  	v28 =	vsel vm6, v21, v63;
	vm4 =	vgt.f32 v15, v29;
	v15 =	vadd.f32 v31, v26  }
0x12d: {  	s24 =	smov.u32 s26;
	v21 =	vsel vm6, $0x3F924925, v0;
	v29 =	vadd.f32 v55, v54;
	v26 =	vadd.f32 v61, v35  }
0x12e: {  	s24 =	sadd.s32 $0x800, s26;
	vm6 =	vgt.f32 v7, v56;
	[tilespmem:s22+$0xC080] =	vst v14;
	v14 =	vsel vm0, $0x3F124925, v0;
	vm0 =	vgt.f32 v17, v59  }
0x12f: {  	s26 =	smov.u32 s24;
	[tilespmem:s22+$0xC010] =	vst v29;
	v17 =	vadd.f32 v14, v21;
	v24 =	vsel vm0, $0xBF36DB6E, v4;
	v14 =	vadd.f32 v30, v34  }
0x130: {  	v21 =	vsel vm6, $0x3FA42822, v2  }
0x131: {  	v29 =	vsel vm6, $0xBE967930, v3;
	v11 =	vadd.f32 v11, v13;
	v60 =	vsel vm6, $0x3F124925, v0  }
0x132: {  	v8 =	vadd.f32 v8, v10;
	v61 =	vsel vm10, $0x3FA42822, v2;
	v59 =	vsel vm5, v21, v29  }
0x133: {  	[tilespmem:s22+$0xC110] =	vst v26;
	v10 =	vsel vm8, v61, v27;
	vm0 =	vgt.f32 v7, v59;
	v7 =	vadd.f32 v60, v23  }
0x134: {  	[tilespmem:s22+$0xC190] =	vst v25;
	v16 =	vadd.f32 v16, v22;
	vm13 =	vgt.f32 v6, v10;
	v13 =	vsel vm0, $0xBF36DB6E, v4  }
0x135: {  	[tilespmem:s22+$0xC1B0] =	vst v14;
	v10 =	vsel vm13, $0xBF36DB6E, v4;
	v6 =	vadd.f32 v13, v7;
	v7 =	vsel vm3, $0xBE967930, v3  }
0x136: {  	v62 =	vsel vm4, $0xBF36DB6E, v4;
	[tilespmem:s22+$0xC020] =	vst v16;
	v8 =	vadd.f32 v10, v8;
	v7 =	vsel vm1, v19, v7  }
0x137: {  	vm14 =	vgt.f32 v5, v7;
	[tilespmem:s22+$0xC000] =	vst v6;
	v5 =	vadd.f32 v62, v20  }
0x138: {  	vm15 =	vgt.f32 v18, v28;
	[tilespmem:s22+$0xC030] =	vst v8;
	v7 =	vadd.f32 v24, v11;
	v6 =	vsel vm14, $0xBF36DB6E, v4  }
0x139: {  	v63 =	vsel vm15, $0xBF36DB6E, v4;
	v6 =	vadd.f32 v6, v15;
	[tilespmem:s22+$0xC0A0] =	vst v5  }
.Ltmp4:
0x13a: {  	v5 =	vadd.f32 v63, v17;
	[tilespmem:s22+$0xC100] =	vst v7;
	(pc) =	sbr.rel @p1 .LBB2_8-.Ltmp4, $4  }
0x13b: {  	v7 =	vadd.f32 v12, v9;
	[tilespmem:s22+$0xC0B0] =	vst v6  }
0x13c: {  	s23 =	sshll.u32 s23, $0x4;
	[tilespmem:s22+$0xC120] =	vst v5  }
0x13d: {  	s31 =	sadd.s32 s3, s23;
	[tilespmem:s22+$0xC090] =	vst v7  }
0x13e: {  	[hbm4b:s31+s5] =	stream.linear.scatter [tilespmem:s16], [sflag:$0x4], $0x4000, $0x38;
	[tilespmem:$0x10000] =	vst v63  }
.Ltmp5:
0x13f: {  	(pc) =	sbr.rel .LBB2_2-.Ltmp5, $4  }
0x140: {  	s21 =	sadd.s32 s21, s10  }
0x141: {  	s21 =	sshll.u32 s21, $0x4  }
0x142: {  	s20 =	sadd.s32 $0x1, s20;
	s21 =	sadd.s32 s2, s21  }
0x143: {  	[tilespmem:s12], [sflag:$0x2] =	stream.linear.gather [hbm4b:s21+s5], $0x4000, $0x38;
	[tilespmem:$0x10000] =	vst v63  }
.LBB2_9:
0x144: {  	_ =	sfence.sel $0x180000  }
0x145: {  	[bflag:$0x0] =	sbarrier.arrive $0xFFFF  }
0x146: {  	p0 =	sne.s32 s0, $0x0;
	_ =	strace $0x90000047  }
0x147: {  	s0 =	sadd.s32 @!p0 $0x100000, s1;
	[bflag:$0x2] =	sbarrier.arrive $0xFFFF  }
0x148: {  	[sflag:s0] =	ssyncadd.tile.s32 @!p0 $0x1;
	_ =	shalt  }
.Lfunc_end2:
_tile_overlayer_lowered:
.L_overlay_start_2:
0x149: {  	(tag) =	ssettag $0x2  }
0x14a: {  	s0 =	rddreg [dreg:$0x0];
	s2 =	stileid.u32  }
0x14b: {  	s1 =	rddreg [dreg:$0x1];
	p0 =	sne.s32 s2, $0x0  }
0x14c: {  	s3 =	rddreg [dreg:$0x2];
	[bflag:$0x3] =	sbarrier.arrive $0xFFFF;
	s2 =	simm.s32 @!p0 $0x1C05  }
0x14d: {  	[timem:s3], [sflag:s2] =	dma.local @!p0 [hbm:s0], s1  }
0x14e: {  	s0 =	simm.s32 @!p0 $0x5  }
0x14f: {  	_ =	swait.ge @!p0 [sflag:s0], s1  }
0x150: {  	s1 =	ssub.s32 @!p0 $0x0, s1;
	[sflag:s0] =	ssyncset.done @!p0 $0x0  }
0x151: {  	[sflag:s0] =	ssyncadd.s32 @!p0 s1  }
0x152: {  	[bflag:$0x3] =	sbarrier.arrive $0xFFFF  }
0x153: {  	_ =	shalt  }

</sc_bundles>
